<compile_context>
chip_gen: v7x
topology: tpu7x:2x2x1
jax: 0.10.2.dev20260603
libtpu: 0.0.44.dev20260713+nightly
codegen_flags: <defaults>
</compile_context>

<pallas_src>
import functools

import jax
import jax.numpy as jnp
from jax import lax
from jax.experimental import pallas as pl
from jax.experimental.pallas import tpu as pltpu
from jax.experimental.pallas import tpu_sc as plsc

N = 512
M = 4
D = 16
W = 64
HID = 32
OUT = 16
NW = 32
S0 = 448
NSC = N - S0
UPW = NSC // NW
BU = 32
GRID = S0 // BU
assert S0 % BU == 0 and NSC % (2 * NW) == 0


def _sc_reduce(g3):
    mesh = plsc.VectorSubcoreMesh(core_axis_name="c", subcore_axis_name="s")

    @functools.partial(
        pl.kernel,
        mesh=mesh,
        out_type=jax.ShapeDtypeStruct((NSC, M * N), jnp.float32),
        scratch_types=[
            pltpu.VMEM((4, 1, W // 2, N), jnp.float32),
            pltpu.VMEM((1, M * N), jnp.float32),
            pltpu.SemaphoreType.DMA,
            pltpu.SemaphoreType.DMA,
            pltpu.SemaphoreType.DMA,
            pltpu.SemaphoreType.DMA,
            pltpu.SemaphoreType.DMA,
        ],
        compiler_params=pltpu.CompilerParams(
            use_tc_tiling_on_sc=True,
        ),
    )
    def k(g_hbm, a_hbm, ring, arow, sem0, sem1, sem2, sem3, sem_out):
        cid = lax.axis_index("c")
        sid = lax.axis_index("s")
        wid = sid * 2 + cid
        u_base = S0 + wid * UPW
        sems = (sem0, sem1, sem2, sem3)
        nh = 2 * UPW

        def src(hh):
            return g_hbm.at[pl.ds(u_base + hh // 2, 1),
                            pl.ds((hh % 2) * (W // 2), W // 2)]

        def start(hh, bank):
            pltpu.async_copy(src(hh), ring.at[bank], sems[bank])

        def compute(bank, half, u):
            buf = ring.at[bank]
            for cc in range(2):
                c = 2 * half + cc
                def vg_body(vg, c2):
                    v0 = vg * 16
                    acc = buf[0, 16 * cc, pl.ds(v0, 16)]
                    for kk in range(1, D):
                        acc = acc + buf[0, 16 * cc + kk, pl.ds(v0, 16)]
                    arow[0, pl.ds(c * N + v0, 16)] = acc * (1.0 / D)
                    return c2
                lax.fori_loop(0, N // 16, vg_body, 0)
            if half == 1:
                pltpu.async_copy(
                    arow, a_hbm.at[pl.ds(u - S0, 1)], sem_out).wait()

        for hh in range(3):
            start(hh, hh)

        def quad_body(p, carry):
            for q in range(4):
                h0 = 4 * p + q
                @pl.when(h0 + 3 < nh)
                def _():
                    start(h0 + 3, (q + 3) % 4)
                pltpu.make_async_copy(src(h0), ring.at[q], sems[q]).wait()
                compute(q, q % 2, u_base + (4 * p + q) // 2)
            return carry

        lax.fori_loop(0, nh // 4, quad_body, 0)

    return k(g3)


def _body(eps_ref, g_ref, ab_ref, x_ref, w0_ref, b0_ref, w1_ref, b1_ref,
          rw0_ref, rb0_ref, rw1_ref, rb1_ref, out_ref, a_scr):
    step = pl.program_id(0)
    u0 = step * BU

    blk = g_ref[...]
    for c in range(M):
        a_scr[c, pl.ds(u0, BU), :] = jnp.sum(
            blk[:, 16 * c:16 * (c + 1), :], axis=1) * (1.0 / D)

    @pl.when(step == GRID - 1)
    def _phase2():
        for c in range(M):
            a_scr[c, S0:, :] = ab_ref[:, N * c:N * (c + 1)]
        s0 = 1.0 + eps_ref[0]
        s1 = 1.0 + eps_ref[1]
        w0 = w0_ref[...]
        b0 = b0_ref[...]
        w1 = w1_ref[...]
        b1 = b1_ref[...]
        x_all = x_ref[...]
        es = []
        for i in range(M):
            ai = a_scr[i]
            xi = x_all[:, 16 * i:16 * (i + 1)]
            agg0 = jnp.dot(ai, xi, preferred_element_type=jnp.float32)
            hp = jnp.maximum(jnp.dot(s0 * xi + agg0, w0,
                                     preferred_element_type=jnp.float32) + b0, 0.0)
            hm = jnp.maximum(jnp.dot(agg0 - s0 * xi, w0,
                                     preferred_element_type=jnp.float32) + b0, 0.0)
            h2 = jnp.concatenate([hp, hm], axis=1)
            agg1 = jnp.dot(ai, h2, preferred_element_type=jnp.float32)
            ep = jnp.dot(s1 * hp + agg1[:, :HID], w1,
                         preferred_element_type=jnp.float32) + b1
            em = jnp.dot(s1 * hm - agg1[:, HID:], w1,
                         preferred_element_type=jnp.float32) + b1
            es.append(ep + em)
        xcat = jnp.concatenate(es, axis=1)
        hmid = jnp.maximum(jnp.dot(xcat, rw0_ref[...],
                                   preferred_element_type=jnp.float32)
                           + rb0_ref[...], 0.0)
        out_ref[...] = jnp.dot(hmid, rw1_ref[...],
                               preferred_element_type=jnp.float32) + rb1_ref[...]


def _full(shape):
    nd = len(shape)
    return pl.BlockSpec(shape, lambda i: (0,) * nd)


@jax.jit
def _run(gt, x, enc_W0, enc_b0, enc_W1, enc_b1, enc_eps,
         rho_W0, rho_b0, rho_W1, rho_b1):
    a_bot = _sc_reduce(gt)
    return pl.pallas_call(
        _body,
        grid=(GRID,),
        in_specs=[
            pl.BlockSpec(memory_space=pltpu.SMEM),
            pl.BlockSpec((BU, M * D, N), lambda i: (i, 0, 0)),
            _full((NSC, M * N)),
            _full((N, W)),
            _full((D, HID)), _full((1, HID)),
            _full((HID, OUT)), _full((1, OUT)),
            _full((M * OUT, HID)), _full((1, HID)),
            _full((HID, OUT)), _full((1, OUT)),
        ],
        out_specs=pl.BlockSpec((N, OUT), lambda i: (0, 0)),
        out_shape=jax.ShapeDtypeStruct((N, OUT), jnp.float32),
        scratch_shapes=[
            pltpu.VMEM((M, N, N), jnp.float32),
        ],
        compiler_params=pltpu.CompilerParams(
            dimension_semantics=("arbitrary",),
        ),
    )(enc_eps, gt, a_bot, x, enc_W0, enc_b0, enc_W1, enc_b1,
      rho_W0, rho_b0, rho_W1, rho_b1)


def kernel(g, enc_W0, enc_b0, enc_W1, enc_b1, enc_eps,
           rho_W0, rho_b0, rho_W1, rho_b1):
    gt = jnp.transpose(g[0], (0, 2, 3, 1)).reshape(N, W, N)
    x = g[0, :, 0].reshape(N, W)
    out = _run(gt, x, enc_W0, enc_b0.reshape(1, HID),
               enc_W1, enc_b1.reshape(1, OUT), enc_eps,
               rho_W0, rho_b0.reshape(1, HID),
               rho_W1, rho_b1.reshape(1, OUT))
    return out[None]

# --- scband reference (transcript-rebuilt; emitter-appended) ---
"""Pipeline reference for scband-gindeep-signs-54546084660108 (READ-ONLY COPY).

The authoritative reference and input builder live on the scoring server;
editing this copy changes nothing except your own understanding.
"""

import jax, jax.numpy as jnp
import numpy as np


def _gin_enc(g, x, W0, b0, W1, b1, eps):
    # g: [B,N,N,m,d] -> dense per-eigenvector adjacency A: [B,N,N,m]
    A = jnp.mean(g, axis=-1)
    h = x  # [B,N,m,C]
    Ws = (W0, W1)
    bs = (b0, b1)
    for l in range(2):
        agg = jnp.einsum('buvm,bvmc->bumc', A, h)
        h = (1.0 + eps[l]) * h + agg
        h = h @ Ws[l] + bs[l]
        if l < 1:
            h = jax.nn.relu(h)
    return h  # [B,N,m,out]


def _rho(x, W0, b0, W1, b1):
    B, N, m, C = x.shape
    h = x.reshape(B, N, m * C)
    h = jax.nn.relu(h @ W0 + b0)
    return h @ W1 + b1


def _forward(g, enc_W0, enc_b0, enc_W1, enc_b1, enc_eps, rho_W0, rho_b0, rho_W1, rho_b1):
    vectors = g[:, :, 0]  # [B,N,m,d]
    m = g.shape[3]
    outs = []
    for i in range(m):
        g_minus = jnp.concatenate([g[:, :, :, :i, :], -g[:, :, :, i:i + 1, :], g[:, :, :, i + 1:, :]], axis=3)
        vectors_minus = g_minus[:, :, 0]
        e = _gin_enc(g, vectors, enc_W0, enc_b0, enc_W1, enc_b1, enc_eps) \
            + _gin_enc(g_minus, vectors_minus, enc_W0, enc_b0, enc_W1, enc_b1, enc_eps)
        outs.append(e[:, :, i][:, :, None, :])  # [B,N,1,out]
    xcat = jnp.concatenate(outs, axis=2)  # [B,N,m,out]
    return _rho(xcat, rho_W0, rho_b0, rho_W1, rho_b1)  # [B,N,out]


def setup_inputs(seed: int = 0):
    key = jax.random.key(seed)
    ks = jax.random.split(key, 10)
    B, N, m, d = 1, 512, 4, 16
    hidden, out = 32, 16
    s = 0.05
    return {
        'g': jax.random.normal(ks[0], (B, N, N, m, d), dtype=jnp.float32),
        'enc_W0': jax.random.normal(ks[1], (d, hidden), dtype=jnp.float32) * s,
        'enc_b0': jnp.zeros((hidden,), dtype=jnp.float32),
        'enc_W1': jax.random.normal(ks[2], (hidden, out), dtype=jnp.float32) * s,
        'enc_b1': jnp.zeros((out,), dtype=jnp.float32),
        'enc_eps': jnp.zeros((2,), dtype=jnp.float32),
        'rho_W0': jax.random.normal(ks[3], (out * m, hidden), dtype=jnp.float32) * s,
        'rho_b0': jnp.zeros((hidden,), dtype=jnp.float32),
        'rho_W1': jax.random.normal(ks[4], (hidden, out), dtype=jnp.float32) * s,
        'rho_b1': jnp.zeros((out,), dtype=jnp.float32),
    }


def reference(g, enc_W0, enc_b0, enc_W1, enc_b1, enc_eps, rho_W0, rho_b0, rho_W1, rho_b1):
    return _forward(g, enc_W0, enc_b0, enc_W1, enc_b1, enc_eps, rho_W0, rho_b0, rho_W1, rho_b1)

if __name__ == "__main__":
    import jax
    _d = setup_inputs()
    print(jax.jit(kernel)(*tuple(_d.values())))

</pallas_src>

<mosaic_0001>
#map = affine_map<(d0, d1) -> (0, 0, 0)>
#map1 = affine_map<(d0, d1) -> (0, 0)>
module attributes {stable_mosaic.version = 14 : i64} {
  func.func @k(%arg0: i32, %arg1: i32, %arg2: memref<512x64x512xf32, #tpu.memory_space<hbm>>, %arg3: memref<64x2048xf32, #tpu.memory_space<hbm>>, %arg4: memref<4x1x32x512xf32, #tpu.memory_space<vmem>>, %arg5: memref<1x2048xf32, #tpu.memory_space<vmem>>, %arg6: memref<!tpu.dma_semaphore, #tpu.memory_space<semaphore_mem>>, %arg7: memref<!tpu.dma_semaphore, #tpu.memory_space<semaphore_mem>>, %arg8: memref<!tpu.dma_semaphore, #tpu.memory_space<semaphore_mem>>, %arg9: memref<!tpu.dma_semaphore, #tpu.memory_space<semaphore_mem>>, %arg10: memref<!tpu.dma_semaphore, #tpu.memory_space<semaphore_mem>>) attributes {dimension_semantics = [#tpu.dimension_semantics<core_parallel>, #tpu.dimension_semantics<subcore_parallel>], iteration_bounds = array<i64: 2, 16>, scalar_prefetch = 0 : i64, scratch_operands = 7 : i64, tpu.core_type = #tpu.core_type<sc_vector_subcore>, window_params = [{transform_indices = #map}, {transform_indices = #map1}]} {
    %mul3A = arith.constant 2 : i32
    %mul3A_0 = arith.muli %arg1, %mul3A : i32
    %add3A = arith.addi %mul3A_0, %arg0 : i32
    %mul3A_1 = arith.constant 2 : i32
    %mul3A_2 = arith.muli %add3A, %mul3A_1 : i32
    %add3A_3 = arith.constant 448 : i32
    %add3A_4 = arith.addi %add3A_3, %mul3A_2 : i32
    %add3A_5 = arith.constant 0 : i32
    %add3A_6 = arith.addi %add3A_4, %add3A_5 : i32
    %dma_start3A = arith.constant 0 : i32
    %dma_start3A_7 = arith.constant 0 : i32
    %dma_start3A_8 = arith.constant 0 : i32
    %dma_start3A_9 = arith.constant 0 : i32
    %dma_start3A_10 = tpu.memref_slice %arg4[%dma_start3A, %dma_start3A_7, %dma_start3A_8, %dma_start3A_9] : memref<4x1x32x512xf32, #tpu.memory_space<vmem>> -> memref<1x1x32x512xf32, #tpu.memory_space<vmem>>
    %dma_start3A_11 = tpu.memref_squeeze %dma_start3A_10 : memref<1x1x32x512xf32, #tpu.memory_space<vmem>> -> memref<1x32x512xf32, #tpu.memory_space<vmem>>
    %dma_start3A_12 = arith.constant 0 : i32
    %dma_start3A_13 = arith.constant 0 : i32
    %dma_start3A_14 = tpu.memref_slice %arg2[%add3A_6, %dma_start3A_12, %dma_start3A_13] : memref<512x64x512xf32, #tpu.memory_space<hbm>> -> memref<1x32x512xf32, #tpu.memory_space<hbm>>
    %dma_start3A_15 = arith.constant 0 : i32
    %dma_start3A_16 = arith.constant 0 : i32
    %dma_start3A_17 = arith.constant 0 : i32
    %dma_start3A_18 = tpu.memref_slice %arg4[%dma_start3A, %dma_start3A_15, %dma_start3A_16, %dma_start3A_17] : memref<4x1x32x512xf32, #tpu.memory_space<vmem>> -> memref<1x1x32x512xf32, #tpu.memory_space<vmem>>
    %dma_start3A_19 = tpu.memref_squeeze %dma_start3A_18 : memref<1x1x32x512xf32, #tpu.memory_space<vmem>> -> memref<1x32x512xf32, #tpu.memory_space<vmem>>
    %dma_start3A_20 = arith.constant 0 : i32
    %dma_start3A_21 = arith.constant 0 : i32
    %dma_start3A_22 = tpu.memref_slice %arg2[%add3A_6, %dma_start3A_20, %dma_start3A_21] : memref<512x64x512xf32, #tpu.memory_space<hbm>> -> memref<1x32x512xf32, #tpu.memory_space<hbm>>
    tpu.enqueue_dma source(%dma_start3A_22 : memref<1x32x512xf32, #tpu.memory_space<hbm>>) target(%dma_start3A_19 : memref<1x32x512xf32, #tpu.memory_space<vmem>>) target_semaphore(%arg6 : memref<!tpu.dma_semaphore, #tpu.memory_space<semaphore_mem>>)
    %add3A_23 = arith.constant 0 : i32
    %add3A_24 = arith.addi %add3A_4, %add3A_23 : i32
    %dma_start3A_25 = arith.constant 1 : i32
    %dma_start3A_26 = arith.constant 0 : i32
    %dma_start3A_27 = arith.constant 0 : i32
    %dma_start3A_28 = arith.constant 0 : i32
    %dma_start3A_29 = tpu.memref_slice %arg4[%dma_start3A_25, %dma_start3A_26, %dma_start3A_27, %dma_start3A_28] : memref<4x1x32x512xf32, #tpu.memory_space<vmem>> -> memref<1x1x32x512xf32, #tpu.memory_space<vmem>>
    %dma_start3A_30 = tpu.memref_squeeze %dma_start3A_29 : memref<1x1x32x512xf32, #tpu.memory_space<vmem>> -> memref<1x32x512xf32, #tpu.memory_space<vmem>>
    %dma_start3A_31 = arith.constant 32 : i32
    %dma_start3A_32 = arith.constant 0 : i32
    %dma_start3A_33 = tpu.memref_slice %arg2[%add3A_24, %dma_start3A_31, %dma_start3A_32] : memref<512x64x512xf32, #tpu.memory_space<hbm>> -> memref<1x32x512xf32, #tpu.memory_space<hbm>>
    %dma_start3A_34 = arith.constant 0 : i32
    %dma_start3A_35 = arith.constant 0 : i32
    %dma_start3A_36 = arith.constant 0 : i32
    %dma_start3A_37 = tpu.memref_slice %arg4[%dma_start3A_25, %dma_start3A_34, %dma_start3A_35, %dma_start3A_36] : memref<4x1x32x512xf32, #tpu.memory_space<vmem>> -> memref<1x1x32x512xf32, #tpu.memory_space<vmem>>
    %dma_start3A_38 = tpu.memref_squeeze %dma_start3A_37 : memref<1x1x32x512xf32, #tpu.memory_space<vmem>> -> memref<1x32x512xf32, #tpu.memory_space<vmem>>
    %dma_start3A_39 = arith.constant 32 : i32
    %dma_start3A_40 = arith.constant 0 : i32
    %dma_start3A_41 = tpu.memref_slice %arg2[%add3A_24, %dma_start3A_39, %dma_start3A_40] : memref<512x64x512xf32, #tpu.memory_space<hbm>> -> memref<1x32x512xf32, #tpu.memory_space<hbm>>
    tpu.enqueue_dma source(%dma_start3A_41 : memref<1x32x512xf32, #tpu.memory_space<hbm>>) target(%dma_start3A_38 : memref<1x32x512xf32, #tpu.memory_space<vmem>>) target_semaphore(%arg7 : memref<!tpu.dma_semaphore, #tpu.memory_space<semaphore_mem>>)
    %add3A_42 = arith.constant 1 : i32
    %add3A_43 = arith.addi %add3A_4, %add3A_42 : i32
    %dma_start3A_44 = arith.constant 2 : i32
    %dma_start3A_45 = arith.constant 0 : i32
    %dma_start3A_46 = arith.constant 0 : i32
    %dma_start3A_47 = arith.constant 0 : i32
    %dma_start3A_48 = tpu.memref_slice %arg4[%dma_start3A_44, %dma_start3A_45, %dma_start3A_46, %dma_start3A_47] : memref<4x1x32x512xf32, #tpu.memory_space<vmem>> -> memref<1x1x32x512xf32, #tpu.memory_space<vmem>>
    %dma_start3A_49 = tpu.memref_squeeze %dma_start3A_48 : memref<1x1x32x512xf32, #tpu.memory_space<vmem>> -> memref<1x32x512xf32, #tpu.memory_space<vmem>>
    %dma_start3A_50 = arith.constant 0 : i32
    %dma_start3A_51 = arith.constant 0 : i32
    %dma_start3A_52 = tpu.memref_slice %arg2[%add3A_43, %dma_start3A_50, %dma_start3A_51] : memref<512x64x512xf32, #tpu.memory_space<hbm>> -> memref<1x32x512xf32, #tpu.memory_space<hbm>>
    %dma_start3A_53 = arith.constant 0 : i32
    %dma_start3A_54 = arith.constant 0 : i32
    %dma_start3A_55 = arith.constant 0 : i32
    %dma_start3A_56 = tpu.memref_slice %arg4[%dma_start3A_44, %dma_start3A_53, %dma_start3A_54, %dma_start3A_55] : memref<4x1x32x512xf32, #tpu.memory_space<vmem>> -> memref<1x1x32x512xf32, #tpu.memory_space<vmem>>
    %dma_start3A_57 = tpu.memref_squeeze %dma_start3A_56 : memref<1x1x32x512xf32, #tpu.memory_space<vmem>> -> memref<1x32x512xf32, #tpu.memory_space<vmem>>
    %dma_start3A_58 = arith.constant 0 : i32
    %dma_start3A_59 = arith.constant 0 : i32
    %dma_start3A_60 = tpu.memref_slice %arg2[%add3A_43, %dma_start3A_58, %dma_start3A_59] : memref<512x64x512xf32, #tpu.memory_space<hbm>> -> memref<1x32x512xf32, #tpu.memory_space<hbm>>
    tpu.enqueue_dma source(%dma_start3A_60 : memref<1x32x512xf32, #tpu.memory_space<hbm>>) target(%dma_start3A_57 : memref<1x32x512xf32, #tpu.memory_space<vmem>>) target_semaphore(%arg8 : memref<!tpu.dma_semaphore, #tpu.memory_space<semaphore_mem>>)
    %scan3A = arith.constant 0 : i32
    %scan3A_61 = arith.constant 0 : i32
    %mul3A_62 = arith.constant 4 : i32
    %mul3A_63 = arith.muli %mul3A_62, %scan3A_61 : i32
    %add3A_64 = arith.constant 0 : i32
    %add3A_65 = arith.addi %mul3A_63, %add3A_64 : i32
    %add3A_66 = arith.constant 3 : i32
    %add3A_67 = arith.addi %add3A_65, %add3A_66 : i32
    %lt3A = arith.constant 4 : i32
    %lt3A_68 = arith.cmpi slt, %add3A_67, %lt3A : i32
    %convert_element_type3A = arith.extui %lt3A_68 : i1 to i32
    %cond3A = arith.constant 0 : i32
    %cond3A_69 = arith.cmpi ne, %convert_element_type3A, %cond3A : i32
    scf.if %cond3A_69 {
      %add3A_518 = arith.constant 3 : i32
      %add3A_519 = arith.addi %add3A_65, %add3A_518 : i32
      %jit3A_520 = arith.constant 2 : i32
      %div3A_521 = arith.divsi %add3A_519, %jit3A_520 : i32
      %sign3A_522 = arith.constant 0 : i32
      %sign3A_523 = arith.cmpi sgt, %add3A_519, %sign3A_522 : i32
      %sign3A_524 = arith.extui %sign3A_523 : i1 to i32
      %sign3A_525 = arith.constant 0 : i32
      %sign3A_526 = arith.cmpi slt, %add3A_519, %sign3A_525 : i32
      %sign3A_527 = arith.extui %sign3A_526 : i1 to i32
      %sign3A_528 = arith.subi %sign3A_524, %sign3A_527 : i32
      %sign3A_529 = arith.constant 0 : i32
      %sign3A_530 = arith.cmpi sgt, %jit3A_520, %sign3A_529 : i32
      %sign3A_531 = arith.extui %sign3A_530 : i1 to i32
      %sign3A_532 = arith.constant 0 : i32
      %sign3A_533 = arith.cmpi slt, %jit3A_520, %sign3A_532 : i32
      %sign3A_534 = arith.extui %sign3A_533 : i1 to i32
      %sign3A_535 = arith.subi %sign3A_531, %sign3A_534 : i32
      %ne3A_536 = arith.cmpi ne, %sign3A_528, %sign3A_535 : i32
      %rem3A_537 = arith.remsi %add3A_519, %jit3A_520 : i32
      %ne3A_538 = arith.constant 0 : i32
      %ne3A_539 = arith.cmpi ne, %rem3A_537, %ne3A_538 : i32
      %and3A_540 = arith.andi %ne3A_536, %ne3A_539 : i1
      %sub3A_541 = arith.constant 1 : i32
      %sub3A_542 = arith.subi %div3A_521, %sub3A_541 : i32
      %select_n3A_543 = arith.select %and3A_540, %sub3A_542, %div3A_521 : i32
      %add3A_544 = arith.addi %add3A_4, %select_n3A_543 : i32
      %jit3A_545 = arith.constant 2 : i32
      %eq3A_546 = arith.constant 0 : i32
      %eq3A_547 = arith.cmpi eq, %jit3A_545, %eq3A_546 : i32
      %jit3A_548 = arith.constant 1 : i32
      %select_n3A_549 = arith.select %eq3A_547, %jit3A_548, %jit3A_545 : i32
      %rem3A_550 = arith.remsi %add3A_519, %select_n3A_549 : i32
      %ne3A_551 = arith.constant 0 : i32
      %ne3A_552 = arith.cmpi ne, %rem3A_550, %ne3A_551 : i32
      %lt3A_553 = arith.constant 0 : i32
      %lt3A_554 = arith.cmpi slt, %rem3A_550, %lt3A_553 : i32
      %lt3A_555 = arith.constant 0 : i32
      %lt3A_556 = arith.cmpi slt, %select_n3A_549, %lt3A_555 : i32
      %ne3A_557 = arith.xori %lt3A_554, %lt3A_556 : i1
      %and3A_558 = arith.andi %ne3A_557, %ne3A_552 : i1
      %add3A_559 = arith.addi %rem3A_550, %select_n3A_549 : i32
      %select_n3A_560 = arith.select %and3A_558, %add3A_559, %rem3A_550 : i32
      %mul3A_561 = arith.constant 32 : i32
      %mul3A_562 = arith.muli %select_n3A_560, %mul3A_561 : i32
      %dma_start3A_563 = arith.constant 3 : i32
      %dma_start3A_564 = arith.constant 0 : i32
      %dma_start3A_565 = arith.constant 0 : i32
      %dma_start3A_566 = arith.constant 0 : i32
      %dma_start3A_567 = tpu.memref_slice %arg4[%dma_start3A_563, %dma_start3A_564, %dma_start3A_565, %dma_start3A_566] : memref<4x1x32x512xf32, #tpu.memory_space<vmem>> -> memref<1x1x32x512xf32, #tpu.memory_space<vmem>>
      %dma_start3A_568 = tpu.memref_squeeze %dma_start3A_567 : memref<1x1x32x512xf32, #tpu.memory_space<vmem>> -> memref<1x32x512xf32, #tpu.memory_space<vmem>>
      %dma_start3A_569 = arith.constant 0 : i32
      %dma_start3A_570 = tpu.memref_slice %arg2[%add3A_544, %mul3A_562, %dma_start3A_569] : memref<512x64x512xf32, #tpu.memory_space<hbm>> -> memref<1x32x512xf32, #tpu.memory_space<hbm>>
      %dma_start3A_571 = arith.constant 0 : i32
      %dma_start3A_572 = arith.constant 0 : i32
      %dma_start3A_573 = arith.constant 0 : i32
      %dma_start3A_574 = tpu.memref_slice %arg4[%dma_start3A_563, %dma_start3A_571, %dma_start3A_572, %dma_start3A_573] : memref<4x1x32x512xf32, #tpu.memory_space<vmem>> -> memref<1x1x32x512xf32, #tpu.memory_space<vmem>>
      %dma_start3A_575 = tpu.memref_squeeze %dma_start3A_574 : memref<1x1x32x512xf32, #tpu.memory_space<vmem>> -> memref<1x32x512xf32, #tpu.memory_space<vmem>>
      %dma_start3A_576 = arith.constant 0 : i32
      %dma_start3A_577 = tpu.memref_slice %arg2[%add3A_544, %mul3A_562, %dma_start3A_576] : memref<512x64x512xf32, #tpu.memory_space<hbm>> -> memref<1x32x512xf32, #tpu.memory_space<hbm>>
      tpu.enqueue_dma source(%dma_start3A_577 : memref<1x32x512xf32, #tpu.memory_space<hbm>>) target(%dma_start3A_575 : memref<1x32x512xf32, #tpu.memory_space<vmem>>) target_semaphore(%arg9 : memref<!tpu.dma_semaphore, #tpu.memory_space<semaphore_mem>>)
    } else {
    }
    %jit3A = arith.constant 2 : i32
    %div3A = arith.divsi %add3A_65, %jit3A : i32
    %sign3A = arith.constant 0 : i32
    %sign3A_70 = arith.cmpi sgt, %add3A_65, %sign3A : i32
    %sign3A_71 = arith.extui %sign3A_70 : i1 to i32
    %sign3A_72 = arith.constant 0 : i32
    %sign3A_73 = arith.cmpi slt, %add3A_65, %sign3A_72 : i32
    %sign3A_74 = arith.extui %sign3A_73 : i1 to i32
    %sign3A_75 = arith.subi %sign3A_71, %sign3A_74 : i32
    %sign3A_76 = arith.constant 0 : i32
    %sign3A_77 = arith.cmpi sgt, %jit3A, %sign3A_76 : i32
    %sign3A_78 = arith.extui %sign3A_77 : i1 to i32
    %sign3A_79 = arith.constant 0 : i32
    %sign3A_80 = arith.cmpi slt, %jit3A, %sign3A_79 : i32
    %sign3A_81 = arith.extui %sign3A_80 : i1 to i32
    %sign3A_82 = arith.subi %sign3A_78, %sign3A_81 : i32
    %ne3A = arith.cmpi ne, %sign3A_75, %sign3A_82 : i32
    %rem3A = arith.remsi %add3A_65, %jit3A : i32
    %ne3A_83 = arith.constant 0 : i32
    %ne3A_84 = arith.cmpi ne, %rem3A, %ne3A_83 : i32
    %and3A = arith.andi %ne3A, %ne3A_84 : i1
    %sub3A = arith.constant 1 : i32
    %sub3A_85 = arith.subi %div3A, %sub3A : i32
    %select_n3A = arith.select %and3A, %sub3A_85, %div3A : i32
    %add3A_86 = arith.addi %add3A_4, %select_n3A : i32
    %jit3A_87 = arith.constant 2 : i32
    %eq3A = arith.constant 0 : i32
    %eq3A_88 = arith.cmpi eq, %jit3A_87, %eq3A : i32
    %jit3A_89 = arith.constant 1 : i32
    %select_n3A_90 = arith.select %eq3A_88, %jit3A_89, %jit3A_87 : i32
    %rem3A_91 = arith.remsi %add3A_65, %select_n3A_90 : i32
    %ne3A_92 = arith.constant 0 : i32
    %ne3A_93 = arith.cmpi ne, %rem3A_91, %ne3A_92 : i32
    %lt3A_94 = arith.constant 0 : i32
    %lt3A_95 = arith.cmpi slt, %rem3A_91, %lt3A_94 : i32
    %lt3A_96 = arith.constant 0 : i32
    %lt3A_97 = arith.cmpi slt, %select_n3A_90, %lt3A_96 : i32
    %ne3A_98 = arith.xori %lt3A_95, %lt3A_97 : i1
    %and3A_99 = arith.andi %ne3A_98, %ne3A_93 : i1
    %add3A_100 = arith.addi %rem3A_91, %select_n3A_90 : i32
    %select_n3A_101 = arith.select %and3A_99, %add3A_100, %rem3A_91 : i32
    %mul3A_102 = arith.constant 32 : i32
    %mul3A_103 = arith.muli %select_n3A_101, %mul3A_102 : i32
    %dma_wait3A = arith.constant 0 : i32
    %dma_wait3A_104 = arith.constant 0 : i32
    %dma_wait3A_105 = arith.constant 0 : i32
    %dma_wait3A_106 = arith.constant 0 : i32
    %dma_wait3A_107 = tpu.memref_slice %arg4[%dma_wait3A, %dma_wait3A_104, %dma_wait3A_105, %dma_wait3A_106] : memref<4x1x32x512xf32, #tpu.memory_space<vmem>> -> memref<1x1x32x512xf32, #tpu.memory_space<vmem>>
    %dma_wait3A_108 = tpu.memref_squeeze %dma_wait3A_107 : memref<1x1x32x512xf32, #tpu.memory_space<vmem>> -> memref<1x32x512xf32, #tpu.memory_space<vmem>>
    %dma_wait3A_109 = arith.constant 0 : i32
    %dma_wait3A_110 = tpu.memref_slice %arg2[%add3A_86, %mul3A_103, %dma_wait3A_109] : memref<512x64x512xf32, #tpu.memory_space<hbm>> -> memref<1x32x512xf32, #tpu.memory_space<hbm>>
    %dma_wait3A_111 = arith.constant 0 : i32
    %dma_wait3A_112 = arith.constant 0 : i32
    %dma_wait3A_113 = arith.constant 0 : i32
    %dma_wait3A_114 = tpu.memref_slice %arg4[%dma_wait3A, %dma_wait3A_111, %dma_wait3A_112, %dma_wait3A_113] : memref<4x1x32x512xf32, #tpu.memory_space<vmem>> -> memref<1x1x32x512xf32, #tpu.memory_space<vmem>>
    %dma_wait3A_115 = tpu.memref_squeeze %dma_wait3A_114 : memref<1x1x32x512xf32, #tpu.memory_space<vmem>> -> memref<1x32x512xf32, #tpu.memory_space<vmem>>
    %dma_wait3A_116 = arith.constant 0 : i32
    %dma_wait3A_117 = tpu.memref_slice %arg2[%add3A_86, %mul3A_103, %dma_wait3A_116] : memref<512x64x512xf32, #tpu.memory_space<hbm>> -> memref<1x32x512xf32, #tpu.memory_space<hbm>>
    tpu.wait_dma2 semaphore(%arg6 : memref<!tpu.dma_semaphore, #tpu.memory_space<semaphore_mem>>) src(%dma_wait3A_117 : memref<1x32x512xf32, #tpu.memory_space<hbm>>) dst(%dma_wait3A_115 : memref<1x32x512xf32, #tpu.memory_space<vmem>>)
    %mul3A_118 = arith.constant 4 : i32
    %mul3A_119 = arith.muli %mul3A_118, %scan3A_61 : i32
    %add3A_120 = arith.constant 0 : i32
    %add3A_121 = arith.addi %mul3A_119, %add3A_120 : i32
    %jit3A_122 = arith.constant 2 : i32
    %div3A_123 = arith.divsi %add3A_121, %jit3A_122 : i32
    %sign3A_124 = arith.constant 0 : i32
    %sign3A_125 = arith.cmpi sgt, %add3A_121, %sign3A_124 : i32
    %sign3A_126 = arith.extui %sign3A_125 : i1 to i32
    %sign3A_127 = arith.constant 0 : i32
    %sign3A_128 = arith.cmpi slt, %add3A_121, %sign3A_127 : i32
    %sign3A_129 = arith.extui %sign3A_128 : i1 to i32
    %sign3A_130 = arith.subi %sign3A_126, %sign3A_129 : i32
    %sign3A_131 = arith.constant 0 : i32
    %sign3A_132 = arith.cmpi sgt, %jit3A_122, %sign3A_131 : i32
    %sign3A_133 = arith.extui %sign3A_132 : i1 to i32
    %sign3A_134 = arith.constant 0 : i32
    %sign3A_135 = arith.cmpi slt, %jit3A_122, %sign3A_134 : i32
    %sign3A_136 = arith.extui %sign3A_135 : i1 to i32
    %sign3A_137 = arith.subi %sign3A_133, %sign3A_136 : i32
    %ne3A_138 = arith.cmpi ne, %sign3A_130, %sign3A_137 : i32
    %rem3A_139 = arith.remsi %add3A_121, %jit3A_122 : i32
    %ne3A_140 = arith.constant 0 : i32
    %ne3A_141 = arith.cmpi ne, %rem3A_139, %ne3A_140 : i32
    %and3A_142 = arith.andi %ne3A_138, %ne3A_141 : i1
    %sub3A_143 = arith.constant 1 : i32
    %sub3A_144 = arith.subi %div3A_123, %sub3A_143 : i32
    %select_n3A_145 = arith.select %and3A_142, %sub3A_144, %div3A_123 : i32
    %add3A_146 = arith.addi %add3A_4, %select_n3A_145 : i32
    %scan3A_147 = arith.constant 0 : i32
    %scan3A_148 = arith.constant 0 : i32
    %scan3A_149 = arith.constant 0 : i32
    %scan3A_150 = arith.constant 32 : i32
    %scan3A_151 = arith.addi %scan3A_149, %scan3A_150 : i32
    %scan3A_152 = arith.constant 1 : i32
    scf.for %scan3A_518 = %scan3A_149 to %scan3A_151 step %scan3A_152  : i32 {
      %mul3A_519 = arith.constant 16 : i32
      %mul3A_520 = arith.muli %scan3A_518, %mul3A_519 : i32
      %get3A = arith.constant 0 : i32
      %get3A_521 = arith.constant 0 : i32
      %get3A_522 = arith.constant 0 : i32
      %get3A_523 = arith.constant 0 : i32
      %get3A_524 = arith.constant 0 : i32
      %get3A_525 = tpu.memref_slice %arg4[%scan3A_148, %get3A_522, %get3A_523, %get3A_524] : memref<4x1x32x512xf32, #tpu.memory_space<vmem>> -> memref<1x1x32x512xf32, #tpu.memory_space<vmem>>
      %get3A_526 = tpu.memref_squeeze %get3A_525 : memref<1x1x32x512xf32, #tpu.memory_space<vmem>> -> memref<1x32x512xf32, #tpu.memory_space<vmem>>
      %get3A_527 = arith.index_cast %get3A : i32 to index
      %get3A_528 = arith.index_cast %get3A_521 : i32 to index
      %get3A_529 = arith.index_cast %mul3A_520 : i32 to index
      %get3A_530 = tpu.vector_load %get3A_526[%get3A_527, %get3A_528, %get3A_529] {strides = array<i32>} : memref<1x32x512xf32, #tpu.memory_space<vmem>>, vector<1x1x16xf32>,
      %get3A_531 = vector.shape_cast %get3A_530 : vector<1x1x16xf32> to vector<16xf32>
      %get3A_532 = arith.constant 0 : i32
      %get3A_533 = arith.constant 1 : i32
      %get3A_534 = arith.constant 0 : i32
      %get3A_535 = arith.constant 0 : i32
      %get3A_536 = arith.constant 0 : i32
      %get3A_537 = tpu.memref_slice %arg4[%scan3A_148, %get3A_534, %get3A_535, %get3A_536] : memref<4x1x32x512xf32, #tpu.memory_space<vmem>> -> memref<1x1x32x512xf32, #tpu.memory_space<vmem>>
      %get3A_538 = tpu.memref_squeeze %get3A_537 : memref<1x1x32x512xf32, #tpu.memory_space<vmem>> -> memref<1x32x512xf32, #tpu.memory_space<vmem>>
      %get3A_539 = arith.index_cast %get3A_532 : i32 to index
      %get3A_540 = arith.index_cast %get3A_533 : i32 to index
      %get3A_541 = arith.index_cast %mul3A_520 : i32 to index
      %get3A_542 = tpu.vector_load %get3A_538[%get3A_539, %get3A_540, %get3A_541] {strides = array<i32>} : memref<1x32x512xf32, #tpu.memory_space<vmem>>, vector<1x1x16xf32>,
      %get3A_543 = vector.shape_cast %get3A_542 : vector<1x1x16xf32> to vector<16xf32>
      %add3A_544 = arith.addf %get3A_531, %get3A_543 : vector<16xf32>
      %get3A_545 = arith.constant 0 : i32
      %get3A_546 = arith.constant 2 : i32
      %get3A_547 = arith.constant 0 : i32
      %get3A_548 = arith.constant 0 : i32
      %get3A_549 = arith.constant 0 : i32
      %get3A_550 = tpu.memref_slice %arg4[%scan3A_148, %get3A_547, %get3A_548, %get3A_549] : memref<4x1x32x512xf32, #tpu.memory_space<vmem>> -> memref<1x1x32x512xf32, #tpu.memory_space<vmem>>
      %get3A_551 = tpu.memref_squeeze %get3A_550 : memref<1x1x32x512xf32, #tpu.memory_space<vmem>> -> memref<1x32x512xf32, #tpu.memory_space<vmem>>
      %get3A_552 = arith.index_cast %get3A_545 : i32 to index
      %get3A_553 = arith.index_cast %get3A_546 : i32 to index
      %get3A_554 = arith.index_cast %mul3A_520 : i32 to index
      %get3A_555 = tpu.vector_load %get3A_551[%get3A_552, %get3A_553, %get3A_554] {strides = array<i32>} : memref<1x32x512xf32, #tpu.memory_space<vmem>>, vector<1x1x16xf32>,
      %get3A_556 = vector.shape_cast %get3A_555 : vector<1x1x16xf32> to vector<16xf32>
      %add3A_557 = arith.addf %add3A_544, %get3A_556 : vector<16xf32>
      %get3A_558 = arith.constant 0 : i32
      %get3A_559 = arith.constant 3 : i32
      %get3A_560 = arith.constant 0 : i32
      %get3A_561 = arith.constant 0 : i32
      %get3A_562 = arith.constant 0 : i32
      %get3A_563 = tpu.memref_slice %arg4[%scan3A_148, %get3A_560, %get3A_561, %get3A_562] : memref<4x1x32x512xf32, #tpu.memory_space<vmem>> -> memref<1x1x32x512xf32, #tpu.memory_space<vmem>>
      %get3A_564 = tpu.memref_squeeze %get3A_563 : memref<1x1x32x512xf32, #tpu.memory_space<vmem>> -> memref<1x32x512xf32, #tpu.memory_space<vmem>>
      %get3A_565 = arith.index_cast %get3A_558 : i32 to index
      %get3A_566 = arith.index_cast %get3A_559 : i32 to index
      %get3A_567 = arith.index_cast %mul3A_520 : i32 to index
      %get3A_568 = tpu.vector_load %get3A_564[%get3A_565, %get3A_566, %get3A_567] {strides = array<i32>} : memref<1x32x512xf32, #tpu.memory_space<vmem>>, vector<1x1x16xf32>,
      %get3A_569 = vector.shape_cast %get3A_568 : vector<1x1x16xf32> to vector<16xf32>
      %add3A_570 = arith.addf %add3A_557, %get3A_569 : vector<16xf32>
      %get3A_571 = arith.constant 0 : i32
      %get3A_572 = arith.constant 4 : i32
      %get3A_573 = arith.constant 0 : i32
      %get3A_574 = arith.constant 0 : i32
      %get3A_575 = arith.constant 0 : i32
      %get3A_576 = tpu.memref_slice %arg4[%scan3A_148, %get3A_573, %get3A_574, %get3A_575] : memref<4x1x32x512xf32, #tpu.memory_space<vmem>> -> memref<1x1x32x512xf32, #tpu.memory_space<vmem>>
      %get3A_577 = tpu.memref_squeeze %get3A_576 : memref<1x1x32x512xf32, #tpu.memory_space<vmem>> -> memref<1x32x512xf32, #tpu.memory_space<vmem>>
      %get3A_578 = arith.index_cast %get3A_571 : i32 to index
      %get3A_579 = arith.index_cast %get3A_572 : i32 to index
      %get3A_580 = arith.index_cast %mul3A_520 : i32 to index
      %get3A_581 = tpu.vector_load %get3A_577[%get3A_578, %get3A_579, %get3A_580] {strides = array<i32>} : memref<1x32x512xf32, #tpu.memory_space<vmem>>, vector<1x1x16xf32>,
      %get3A_582 = vector.shape_cast %get3A_581 : vector<1x1x16xf32> to vector<16xf32>
      %add3A_583 = arith.addf %add3A_570, %get3A_582 : vector<16xf32>
      %get3A_584 = arith.constant 0 : i32
      %get3A_585 = arith.constant 5 : i32
      %get3A_586 = arith.constant 0 : i32
      %get3A_587 = arith.constant 0 : i32
      %get3A_588 = arith.constant 0 : i32
      %get3A_589 = tpu.memref_slice %arg4[%scan3A_148, %get3A_586, %get3A_587, %get3A_588] : memref<4x1x32x512xf32, #tpu.memory_space<vmem>> -> memref<1x1x32x512xf32, #tpu.memory_space<vmem>>
      %get3A_590 = tpu.memref_squeeze %get3A_589 : memref<1x1x32x512xf32, #tpu.memory_space<vmem>> -> memref<1x32x512xf32, #tpu.memory_space<vmem>>
      %get3A_591 = arith.index_cast %get3A_584 : i32 to index
      %get3A_592 = arith.index_cast %get3A_585 : i32 to index
      %get3A_593 = arith.index_cast %mul3A_520 : i32 to index
      %get3A_594 = tpu.vector_load %get3A_590[%get3A_591, %get3A_592, %get3A_593] {strides = array<i32>} : memref<1x32x512xf32, #tpu.memory_space<vmem>>, vector<1x1x16xf32>,
      %get3A_595 = vector.shape_cast %get3A_594 : vector<1x1x16xf32> to vector<16xf32>
      %add3A_596 = arith.addf %add3A_583, %get3A_595 : vector<16xf32>
      %get3A_597 = arith.constant 0 : i32
      %get3A_598 = arith.constant 6 : i32
      %get3A_599 = arith.constant 0 : i32
      %get3A_600 = arith.constant 0 : i32
      %get3A_601 = arith.constant 0 : i32
      %get3A_602 = tpu.memref_slice %arg4[%scan3A_148, %get3A_599, %get3A_600, %get3A_601] : memref<4x1x32x512xf32, #tpu.memory_space<vmem>> -> memref<1x1x32x512xf32, #tpu.memory_space<vmem>>
      %get3A_603 = tpu.memref_squeeze %get3A_602 : memref<1x1x32x512xf32, #tpu.memory_space<vmem>> -> memref<1x32x512xf32, #tpu.memory_space<vmem>>
      %get3A_604 = arith.index_cast %get3A_597 : i32 to index
      %get3A_605 = arith.index_cast %get3A_598 : i32 to index
      %get3A_606 = arith.index_cast %mul3A_520 : i32 to index
      %get3A_607 = tpu.vector_load %get3A_603[%get3A_604, %get3A_605, %get3A_606] {strides = array<i32>} : memref<1x32x512xf32, #tpu.memory_space<vmem>>, vector<1x1x16xf32>,
      %get3A_608 = vector.shape_cast %get3A_607 : vector<1x1x16xf32> to vector<16xf32>
      %add3A_609 = arith.addf %add3A_596, %get3A_608 : vector<16xf32>
      %get3A_610 = arith.constant 0 : i32
      %get3A_611 = arith.constant 7 : i32
      %get3A_612 = arith.constant 0 : i32
      %get3A_613 = arith.constant 0 : i32
      %get3A_614 = arith.constant 0 : i32
      %get3A_615 = tpu.memref_slice %arg4[%scan3A_148, %get3A_612, %get3A_613, %get3A_614] : memref<4x1x32x512xf32, #tpu.memory_space<vmem>> -> memref<1x1x32x512xf32, #tpu.memory_space<vmem>>
      %get3A_616 = tpu.memref_squeeze %get3A_615 : memref<1x1x32x512xf32, #tpu.memory_space<vmem>> -> memref<1x32x512xf32, #tpu.memory_space<vmem>>
      %get3A_617 = arith.index_cast %get3A_610 : i32 to index
      %get3A_618 = arith.index_cast %get3A_611 : i32 to index
      %get3A_619 = arith.index_cast %mul3A_520 : i32 to index
      %get3A_620 = tpu.vector_load %get3A_616[%get3A_617, %get3A_618, %get3A_619] {strides = array<i32>} : memref<1x32x512xf32, #tpu.memory_space<vmem>>, vector<1x1x16xf32>,
      %get3A_621 = vector.shape_cast %get3A_620 : vector<1x1x16xf32> to vector<16xf32>
      %add3A_622 = arith.addf %add3A_609, %get3A_621 : vector<16xf32>
      %get3A_623 = arith.constant 0 : i32
      %get3A_624 = arith.constant 8 : i32
      %get3A_625 = arith.constant 0 : i32
      %get3A_626 = arith.constant 0 : i32
      %get3A_627 = arith.constant 0 : i32
      %get3A_628 = tpu.memref_slice %arg4[%scan3A_148, %get3A_625, %get3A_626, %get3A_627] : memref<4x1x32x512xf32, #tpu.memory_space<vmem>> -> memref<1x1x32x512xf32, #tpu.memory_space<vmem>>
      %get3A_629 = tpu.memref_squeeze %get3A_628 : memref<1x1x32x512xf32, #tpu.memory_space<vmem>> -> memref<1x32x512xf32, #tpu.memory_space<vmem>>
      %get3A_630 = arith.index_cast %get3A_623 : i32 to index
      %get3A_631 = arith.index_cast %get3A_624 : i32 to index
      %get3A_632 = arith.index_cast %mul3A_520 : i32 to index
      %get3A_633 = tpu.vector_load %get3A_629[%get3A_630, %get3A_631, %get3A_632] {strides = array<i32>} : memref<1x32x512xf32, #tpu.memory_space<vmem>>, vector<1x1x16xf32>,
      %get3A_634 = vector.shape_cast %get3A_633 : vector<1x1x16xf32> to vector<16xf32>
      %add3A_635 = arith.addf %add3A_622, %get3A_634 : vector<16xf32>
      %get3A_636 = arith.constant 0 : i32
      %get3A_637 = arith.constant 9 : i32
      %get3A_638 = arith.constant 0 : i32
      %get3A_639 = arith.constant 0 : i32
      %get3A_640 = arith.constant 0 : i32
      %get3A_641 = tpu.memref_slice %arg4[%scan3A_148, %get3A_638, %get3A_639, %get3A_640] : memref<4x1x32x512xf32, #tpu.memory_space<vmem>> -> memref<1x1x32x512xf32, #tpu.memory_space<vmem>>
      %get3A_642 = tpu.memref_squeeze %get3A_641 : memref<1x1x32x512xf32, #tpu.memory_space<vmem>> -> memref<1x32x512xf32, #tpu.memory_space<vmem>>
      %get3A_643 = arith.index_cast %get3A_636 : i32 to index
      %get3A_644 = arith.index_cast %get3A_637 : i32 to index
      %get3A_645 = arith.index_cast %mul3A_520 : i32 to index
      %get3A_646 = tpu.vector_load %get3A_642[%get3A_643, %get3A_644, %get3A_645] {strides = array<i32>} : memref<1x32x512xf32, #tpu.memory_space<vmem>>, vector<1x1x16xf32>,
      %get3A_647 = vector.shape_cast %get3A_646 : vector<1x1x16xf32> to vector<16xf32>
      %add3A_648 = arith.addf %add3A_635, %get3A_647 : vector<16xf32>
      %get3A_649 = arith.constant 0 : i32
      %get3A_650 = arith.constant 10 : i32
      %get3A_651 = arith.constant 0 : i32
      %get3A_652 = arith.constant 0 : i32
      %get3A_653 = arith.constant 0 : i32
      %get3A_654 = tpu.memref_slice %arg4[%scan3A_148, %get3A_651, %get3A_652, %get3A_653] : memref<4x1x32x512xf32, #tpu.memory_space<vmem>> -> memref<1x1x32x512xf32, #tpu.memory_space<vmem>>
      %get3A_655 = tpu.memref_squeeze %get3A_654 : memref<1x1x32x512xf32, #tpu.memory_space<vmem>> -> memref<1x32x512xf32, #tpu.memory_space<vmem>>
      %get3A_656 = arith.index_cast %get3A_649 : i32 to index
      %get3A_657 = arith.index_cast %get3A_650 : i32 to index
      %get3A_658 = arith.index_cast %mul3A_520 : i32 to index
      %get3A_659 = tpu.vector_load %get3A_655[%get3A_656, %get3A_657, %get3A_658] {strides = array<i32>} : memref<1x32x512xf32, #tpu.memory_space<vmem>>, vector<1x1x16xf32>,
      %get3A_660 = vector.shape_cast %get3A_659 : vector<1x1x16xf32> to vector<16xf32>
      %add3A_661 = arith.addf %add3A_648, %get3A_660 : vector<16xf32>
      %get3A_662 = arith.constant 0 : i32
      %get3A_663 = arith.constant 11 : i32
      %get3A_664 = arith.constant 0 : i32
      %get3A_665 = arith.constant 0 : i32
      %get3A_666 = arith.constant 0 : i32
      %get3A_667 = tpu.memref_slice %arg4[%scan3A_148, %get3A_664, %get3A_665, %get3A_666] : memref<4x1x32x512xf32, #tpu.memory_space<vmem>> -> memref<1x1x32x512xf32, #tpu.memory_space<vmem>>
      %get3A_668 = tpu.memref_squeeze %get3A_667 : memref<1x1x32x512xf32, #tpu.memory_space<vmem>> -> memref<1x32x512xf32, #tpu.memory_space<vmem>>
      %get3A_669 = arith.index_cast %get3A_662 : i32 to index
      %get3A_670 = arith.index_cast %get3A_663 : i32 to index
      %get3A_671 = arith.index_cast %mul3A_520 : i32 to index
      %get3A_672 = tpu.vector_load %get3A_668[%get3A_669, %get3A_670, %get3A_671] {strides = array<i32>} : memref<1x32x512xf32, #tpu.memory_space<vmem>>, vector<1x1x16xf32>,
      %get3A_673 = vector.shape_cast %get3A_672 : vector<1x1x16xf32> to vector<16xf32>
      %add3A_674 = arith.addf %add3A_661, %get3A_673 : vector<16xf32>
      %get3A_675 = arith.constant 0 : i32
      %get3A_676 = arith.constant 12 : i32
      %get3A_677 = arith.constant 0 : i32
      %get3A_678 = arith.constant 0 : i32
      %get3A_679 = arith.constant 0 : i32
      %get3A_680 = tpu.memref_slice %arg4[%scan3A_148, %get3A_677, %get3A_678, %get3A_679] : memref<4x1x32x512xf32, #tpu.memory_space<vmem>> -> memref<1x1x32x512xf32, #tpu.memory_space<vmem>>
      %get3A_681 = tpu.memref_squeeze %get3A_680 : memref<1x1x32x512xf32, #tpu.memory_space<vmem>> -> memref<1x32x512xf32, #tpu.memory_space<vmem>>
      %get3A_682 = arith.index_cast %get3A_675 : i32 to index
      %get3A_683 = arith.index_cast %get3A_676 : i32 to index
      %get3A_684 = arith.index_cast %mul3A_520 : i32 to index
      %get3A_685 = tpu.vector_load %get3A_681[%get3A_682, %get3A_683, %get3A_684] {strides = array<i32>} : memref<1x32x512xf32, #tpu.memory_space<vmem>>, vector<1x1x16xf32>,
      %get3A_686 = vector.shape_cast %get3A_685 : vector<1x1x16xf32> to vector<16xf32>
      %add3A_687 = arith.addf %add3A_674, %get3A_686 : vector<16xf32>
      %get3A_688 = arith.constant 0 : i32
      %get3A_689 = arith.constant 13 : i32
      %get3A_690 = arith.constant 0 : i32
      %get3A_691 = arith.constant 0 : i32
      %get3A_692 = arith.constant 0 : i32
      %get3A_693 = tpu.memref_slice %arg4[%scan3A_148, %get3A_690, %get3A_691, %get3A_692] : memref<4x1x32x512xf32, #tpu.memory_space<vmem>> -> memref<1x1x32x512xf32, #tpu.memory_space<vmem>>
      %get3A_694 = tpu.memref_squeeze %get3A_693 : memref<1x1x32x512xf32, #tpu.memory_space<vmem>> -> memref<1x32x512xf32, #tpu.memory_space<vmem>>
      %get3A_695 = arith.index_cast %get3A_688 : i32 to index
      %get3A_696 = arith.index_cast %get3A_689 : i32 to index
      %get3A_697 = arith.index_cast %mul3A_520 : i32 to index
      %get3A_698 = tpu.vector_load %get3A_694[%get3A_695, %get3A_696, %get3A_697] {strides = array<i32>} : memref<1x32x512xf32, #tpu.memory_space<vmem>>, vector<1x1x16xf32>,
      %get3A_699 = vector.shape_cast %get3A_698 : vector<1x1x16xf32> to vector<16xf32>
      %add3A_700 = arith.addf %add3A_687, %get3A_699 : vector<16xf32>
      %get3A_701 = arith.constant 0 : i32
      %get3A_702 = arith.constant 14 : i32
      %get3A_703 = arith.constant 0 : i32
      %get3A_704 = arith.constant 0 : i32
      %get3A_705 = arith.constant 0 : i32
      %get3A_706 = tpu.memref_slice %arg4[%scan3A_148, %get3A_703, %get3A_704, %get3A_705] : memref<4x1x32x512xf32, #tpu.memory_space<vmem>> -> memref<1x1x32x512xf32, #tpu.memory_space<vmem>>
      %get3A_707 = tpu.memref_squeeze %get3A_706 : memref<1x1x32x512xf32, #tpu.memory_space<vmem>> -> memref<1x32x512xf32, #tpu.memory_space<vmem>>
      %get3A_708 = arith.index_cast %get3A_701 : i32 to index
      %get3A_709 = arith.index_cast %get3A_702 : i32 to index
      %get3A_710 = arith.index_cast %mul3A_520 : i32 to index
      %get3A_711 = tpu.vector_load %get3A_707[%get3A_708, %get3A_709, %get3A_710] {strides = array<i32>} : memref<1x32x512xf32, #tpu.memory_space<vmem>>, vector<1x1x16xf32>,
      %get3A_712 = vector.shape_cast %get3A_711 : vector<1x1x16xf32> to vector<16xf32>
      %add3A_713 = arith.addf %add3A_700, %get3A_712 : vector<16xf32>
      %get3A_714 = arith.constant 0 : i32
      %get3A_715 = arith.constant 15 : i32
      %get3A_716 = arith.constant 0 : i32
      %get3A_717 = arith.constant 0 : i32
      %get3A_718 = arith.constant 0 : i32
      %get3A_719 = tpu.memref_slice %arg4[%scan3A_148, %get3A_716, %get3A_717, %get3A_718] : memref<4x1x32x512xf32, #tpu.memory_space<vmem>> -> memref<1x1x32x512xf32, #tpu.memory_space<vmem>>
      %get3A_720 = tpu.memref_squeeze %get3A_719 : memref<1x1x32x512xf32, #tpu.memory_space<vmem>> -> memref<1x32x512xf32, #tpu.memory_space<vmem>>
      %get3A_721 = arith.index_cast %get3A_714 : i32 to index
      %get3A_722 = arith.index_cast %get3A_715 : i32 to index
      %get3A_723 = arith.index_cast %mul3A_520 : i32 to index
      %get3A_724 = tpu.vector_load %get3A_720[%get3A_721, %get3A_722, %get3A_723] {strides = array<i32>} : memref<1x32x512xf32, #tpu.memory_space<vmem>>, vector<1x1x16xf32>,
      %get3A_725 = vector.shape_cast %get3A_724 : vector<1x1x16xf32> to vector<16xf32>
      %add3A_726 = arith.addf %add3A_713, %get3A_725 : vector<16xf32>
      %mul3A_727 = arith.constant 6.250000e-02 : f32
      %mul3A_728 = vector.broadcast %mul3A_727 : f32 to vector<16xf32>
      %mul3A_729 = arith.mulf %add3A_726, %mul3A_728 : vector<16xf32>
      %add3A_730 = arith.constant 0 : i32
      %add3A_731 = arith.addi %add3A_730, %mul3A_520 : i32
      %swap3A = arith.constant 0 : i32
      %swap3A_732 = arith.index_cast %swap3A : i32 to index
      %swap3A_733 = arith.index_cast %add3A_731 : i32 to index
      %swap3A_734 = tpu.vector_load %arg5[%swap3A_732, %swap3A_733] {strides = array<i32>} : memref<1x2048xf32, #tpu.memory_space<vmem>>, vector<1x16xf32>,
      %swap3A_735 = vector.shape_cast %swap3A_734 : vector<1x16xf32> to vector<16xf32>
      %swap3A_736 = vector.shape_cast %mul3A_729 : vector<16xf32> to vector<1x16xf32>
      tpu.vector_store %arg5[%swap3A_732, %swap3A_733], %swap3A_736 {strides = array<i32>} : memref<1x2048xf32, #tpu.memory_space<vmem>>, vector<1x16xf32>,
    }
    %scan3A_153 = arith.constant 32 : i32
    %scan3A_154 = arith.constant 0 : i32
    %scan3A_155 = arith.constant 0 : i32
    %scan3A_156 = arith.constant 0 : i32
    %scan3A_157 = arith.constant 32 : i32
    %scan3A_158 = arith.addi %scan3A_156, %scan3A_157 : i32
    %scan3A_159 = arith.constant 1 : i32
    scf.for %scan3A_518 = %scan3A_156 to %scan3A_158 step %scan3A_159  : i32 {
      %mul3A_519 = arith.constant 16 : i32
      %mul3A_520 = arith.muli %scan3A_518, %mul3A_519 : i32
      %get3A = arith.constant 0 : i32
      %get3A_521 = arith.constant 16 : i32
      %get3A_522 = arith.constant 0 : i32
      %get3A_523 = arith.constant 0 : i32
      %get3A_524 = arith.constant 0 : i32
      %get3A_525 = tpu.memref_slice %arg4[%scan3A_155, %get3A_522, %get3A_523, %get3A_524] : memref<4x1x32x512xf32, #tpu.memory_space<vmem>> -> memref<1x1x32x512xf32, #tpu.memory_space<vmem>>
      %get3A_526 = tpu.memref_squeeze %get3A_525 : memref<1x1x32x512xf32, #tpu.memory_space<vmem>> -> memref<1x32x512xf32, #tpu.memory_space<vmem>>
      %get3A_527 = arith.index_cast %get3A : i32 to index
      %get3A_528 = arith.index_cast %get3A_521 : i32 to index
      %get3A_529 = arith.index_cast %mul3A_520 : i32 to index
      %get3A_530 = tpu.vector_load %get3A_526[%get3A_527, %get3A_528, %get3A_529] {strides = array<i32>} : memref<1x32x512xf32, #tpu.memory_space<vmem>>, vector<1x1x16xf32>,
      %get3A_531 = vector.shape_cast %get3A_530 : vector<1x1x16xf32> to vector<16xf32>
      %get3A_532 = arith.constant 0 : i32
      %get3A_533 = arith.constant 17 : i32
      %get3A_534 = arith.constant 0 : i32
      %get3A_535 = arith.constant 0 : i32
      %get3A_536 = arith.constant 0 : i32
      %get3A_537 = tpu.memref_slice %arg4[%scan3A_155, %get3A_534, %get3A_535, %get3A_536] : memref<4x1x32x512xf32, #tpu.memory_space<vmem>> -> memref<1x1x32x512xf32, #tpu.memory_space<vmem>>
      %get3A_538 = tpu.memref_squeeze %get3A_537 : memref<1x1x32x512xf32, #tpu.memory_space<vmem>> -> memref<1x32x512xf32, #tpu.memory_space<vmem>>
      %get3A_539 = arith.index_cast %get3A_532 : i32 to index
      %get3A_540 = arith.index_cast %get3A_533 : i32 to index
      %get3A_541 = arith.index_cast %mul3A_520 : i32 to index
      %get3A_542 = tpu.vector_load %get3A_538[%get3A_539, %get3A_540, %get3A_541] {strides = array<i32>} : memref<1x32x512xf32, #tpu.memory_space<vmem>>, vector<1x1x16xf32>,
      %get3A_543 = vector.shape_cast %get3A_542 : vector<1x1x16xf32> to vector<16xf32>
      %add3A_544 = arith.addf %get3A_531, %get3A_543 : vector<16xf32>
      %get3A_545 = arith.constant 0 : i32
      %get3A_546 = arith.constant 18 : i32
      %get3A_547 = arith.constant 0 : i32
      %get3A_548 = arith.constant 0 : i32
      %get3A_549 = arith.constant 0 : i32
      %get3A_550 = tpu.memref_slice %arg4[%scan3A_155, %get3A_547, %get3A_548, %get3A_549] : memref<4x1x32x512xf32, #tpu.memory_space<vmem>> -> memref<1x1x32x512xf32, #tpu.memory_space<vmem>>
      %get3A_551 = tpu.memref_squeeze %get3A_550 : memref<1x1x32x512xf32, #tpu.memory_space<vmem>> -> memref<1x32x512xf32, #tpu.memory_space<vmem>>
      %get3A_552 = arith.index_cast %get3A_545 : i32 to index
      %get3A_553 = arith.index_cast %get3A_546 : i32 to index
      %get3A_554 = arith.index_cast %mul3A_520 : i32 to index
      %get3A_555 = tpu.vector_load %get3A_551[%get3A_552, %get3A_553, %get3A_554] {strides = array<i32>} : memref<1x32x512xf32, #tpu.memory_space<vmem>>, vector<1x1x16xf32>,
      %get3A_556 = vector.shape_cast %get3A_555 : vector<1x1x16xf32> to vector<16xf32>
      %add3A_557 = arith.addf %add3A_544, %get3A_556 : vector<16xf32>
      %get3A_558 = arith.constant 0 : i32
      %get3A_559 = arith.constant 19 : i32
      %get3A_560 = arith.constant 0 : i32
      %get3A_561 = arith.constant 0 : i32
      %get3A_562 = arith.constant 0 : i32
      %get3A_563 = tpu.memref_slice %arg4[%scan3A_155, %get3A_560, %get3A_561, %get3A_562] : memref<4x1x32x512xf32, #tpu.memory_space<vmem>> -> memref<1x1x32x512xf32, #tpu.memory_space<vmem>>
      %get3A_564 = tpu.memref_squeeze %get3A_563 : memref<1x1x32x512xf32, #tpu.memory_space<vmem>> -> memref<1x32x512xf32, #tpu.memory_space<vmem>>
      %get3A_565 = arith.index_cast %get3A_558 : i32 to index
      %get3A_566 = arith.index_cast %get3A_559 : i32 to index
      %get3A_567 = arith.index_cast %mul3A_520 : i32 to index
      %get3A_568 = tpu.vector_load %get3A_564[%get3A_565, %get3A_566, %get3A_567] {strides = array<i32>} : memref<1x32x512xf32, #tpu.memory_space<vmem>>, vector<1x1x16xf32>,
      %get3A_569 = vector.shape_cast %get3A_568 : vector<1x1x16xf32> to vector<16xf32>
      %add3A_570 = arith.addf %add3A_557, %get3A_569 : vector<16xf32>
      %get3A_571 = arith.constant 0 : i32
      %get3A_572 = arith.constant 20 : i32
      %get3A_573 = arith.constant 0 : i32
      %get3A_574 = arith.constant 0 : i32
      %get3A_575 = arith.constant 0 : i32
      %get3A_576 = tpu.memref_slice %arg4[%scan3A_155, %get3A_573, %get3A_574, %get3A_575] : memref<4x1x32x512xf32, #tpu.memory_space<vmem>> -> memref<1x1x32x512xf32, #tpu.memory_space<vmem>>
      %get3A_577 = tpu.memref_squeeze %get3A_576 : memref<1x1x32x512xf32, #tpu.memory_space<vmem>> -> memref<1x32x512xf32, #tpu.memory_space<vmem>>
      %get3A_578 = arith.index_cast %get3A_571 : i32 to index
      %get3A_579 = arith.index_cast %get3A_572 : i32 to index
      %get3A_580 = arith.index_cast %mul3A_520 : i32 to index
      %get3A_581 = tpu.vector_load %get3A_577[%get3A_578, %get3A_579, %get3A_580] {strides = array<i32>} : memref<1x32x512xf32, #tpu.memory_space<vmem>>, vector<1x1x16xf32>,
      %get3A_582 = vector.shape_cast %get3A_581 : vector<1x1x16xf32> to vector<16xf32>
      %add3A_583 = arith.addf %add3A_570, %get3A_582 : vector<16xf32>
      %get3A_584 = arith.constant 0 : i32
      %get3A_585 = arith.constant 21 : i32
      %get3A_586 = arith.constant 0 : i32
      %get3A_587 = arith.constant 0 : i32
      %get3A_588 = arith.constant 0 : i32
      %get3A_589 = tpu.memref_slice %arg4[%scan3A_155, %get3A_586, %get3A_587, %get3A_588] : memref<4x1x32x512xf32, #tpu.memory_space<vmem>> -> memref<1x1x32x512xf32, #tpu.memory_space<vmem>>
      %get3A_590 = tpu.memref_squeeze %get3A_589 : memref<1x1x32x512xf32, #tpu.memory_space<vmem>> -> memref<1x32x512xf32, #tpu.memory_space<vmem>>
      %get3A_591 = arith.index_cast %get3A_584 : i32 to index
      %get3A_592 = arith.index_cast %get3A_585 : i32 to index
      %get3A_593 = arith.index_cast %mul3A_520 : i32 to index
      %get3A_594 = tpu.vector_load %get3A_590[%get3A_591, %get3A_592, %get3A_593] {strides = array<i32>} : memref<1x32x512xf32, #tpu.memory_space<vmem>>, vector<1x1x16xf32>,
      %get3A_595 = vector.shape_cast %get3A_594 : vector<1x1x16xf32> to vector<16xf32>
      %add3A_596 = arith.addf %add3A_583, %get3A_595 : vector<16xf32>
      %get3A_597 = arith.constant 0 : i32
      %get3A_598 = arith.constant 22 : i32
      %get3A_599 = arith.constant 0 : i32
      %get3A_600 = arith.constant 0 : i32
      %get3A_601 = arith.constant 0 : i32
      %get3A_602 = tpu.memref_slice %arg4[%scan3A_155, %get3A_599, %get3A_600, %get3A_601] : memref<4x1x32x512xf32, #tpu.memory_space<vmem>> -> memref<1x1x32x512xf32, #tpu.memory_space<vmem>>
      %get3A_603 = tpu.memref_squeeze %get3A_602 : memref<1x1x32x512xf32, #tpu.memory_space<vmem>> -> memref<1x32x512xf32, #tpu.memory_space<vmem>>
      %get3A_604 = arith.index_cast %get3A_597 : i32 to index
      %get3A_605 = arith.index_cast %get3A_598 : i32 to index
      %get3A_606 = arith.index_cast %mul3A_520 : i32 to index
      %get3A_607 = tpu.vector_load %get3A_603[%get3A_604, %get3A_605, %get3A_606] {strides = array<i32>} : memref<1x32x512xf32, #tpu.memory_space<vmem>>, vector<1x1x16xf32>,
      %get3A_608 = vector.shape_cast %get3A_607 : vector<1x1x16xf32> to vector<16xf32>
      %add3A_609 = arith.addf %add3A_596, %get3A_608 : vector<16xf32>
      %get3A_610 = arith.constant 0 : i32
      %get3A_611 = arith.constant 23 : i32
      %get3A_612 = arith.constant 0 : i32
      %get3A_613 = arith.constant 0 : i32
      %get3A_614 = arith.constant 0 : i32
      %get3A_615 = tpu.memref_slice %arg4[%scan3A_155, %get3A_612, %get3A_613, %get3A_614] : memref<4x1x32x512xf32, #tpu.memory_space<vmem>> -> memref<1x1x32x512xf32, #tpu.memory_space<vmem>>
      %get3A_616 = tpu.memref_squeeze %get3A_615 : memref<1x1x32x512xf32, #tpu.memory_space<vmem>> -> memref<1x32x512xf32, #tpu.memory_space<vmem>>
      %get3A_617 = arith.index_cast %get3A_610 : i32 to index
      %get3A_618 = arith.index_cast %get3A_611 : i32 to index
      %get3A_619 = arith.index_cast %mul3A_520 : i32 to index
      %get3A_620 = tpu.vector_load %get3A_616[%get3A_617, %get3A_618, %get3A_619] {strides = array<i32>} : memref<1x32x512xf32, #tpu.memory_space<vmem>>, vector<1x1x16xf32>,
      %get3A_621 = vector.shape_cast %get3A_620 : vector<1x1x16xf32> to vector<16xf32>
      %add3A_622 = arith.addf %add3A_609, %get3A_621 : vector<16xf32>
      %get3A_623 = arith.constant 0 : i32
      %get3A_624 = arith.constant 24 : i32
      %get3A_625 = arith.constant 0 : i32
      %get3A_626 = arith.constant 0 : i32
      %get3A_627 = arith.constant 0 : i32
      %get3A_628 = tpu.memref_slice %arg4[%scan3A_155, %get3A_625, %get3A_626, %get3A_627] : memref<4x1x32x512xf32, #tpu.memory_space<vmem>> -> memref<1x1x32x512xf32, #tpu.memory_space<vmem>>
      %get3A_629 = tpu.memref_squeeze %get3A_628 : memref<1x1x32x512xf32, #tpu.memory_space<vmem>> -> memref<1x32x512xf32, #tpu.memory_space<vmem>>
      %get3A_630 = arith.index_cast %get3A_623 : i32 to index
      %get3A_631 = arith.index_cast %get3A_624 : i32 to index
      %get3A_632 = arith.index_cast %mul3A_520 : i32 to index
      %get3A_633 = tpu.vector_load %get3A_629[%get3A_630, %get3A_631, %get3A_632] {strides = array<i32>} : memref<1x32x512xf32, #tpu.memory_space<vmem>>, vector<1x1x16xf32>,
      %get3A_634 = vector.shape_cast %get3A_633 : vector<1x1x16xf32> to vector<16xf32>
      %add3A_635 = arith.addf %add3A_622, %get3A_634 : vector<16xf32>
      %get3A_636 = arith.constant 0 : i32
      %get3A_637 = arith.constant 25 : i32
      %get3A_638 = arith.constant 0 : i32
      %get3A_639 = arith.constant 0 : i32
      %get3A_640 = arith.constant 0 : i32
      %get3A_641 = tpu.memref_slice %arg4[%scan3A_155, %get3A_638, %get3A_639, %get3A_640] : memref<4x1x32x512xf32, #tpu.memory_space<vmem>> -> memref<1x1x32x512xf32, #tpu.memory_space<vmem>>
      %get3A_642 = tpu.memref_squeeze %get3A_641 : memref<1x1x32x512xf32, #tpu.memory_space<vmem>> -> memref<1x32x512xf32, #tpu.memory_space<vmem>>
      %get3A_643 = arith.index_cast %get3A_636 : i32 to index
      %get3A_644 = arith.index_cast %get3A_637 : i32 to index
      %get3A_645 = arith.index_cast %mul3A_520 : i32 to index
      %get3A_646 = tpu.vector_load %get3A_642[%get3A_643, %get3A_644, %get3A_645] {strides = array<i32>} : memref<1x32x512xf32, #tpu.memory_space<vmem>>, vector<1x1x16xf32>,
      %get3A_647 = vector.shape_cast %get3A_646 : vector<1x1x16xf32> to vector<16xf32>
      %add3A_648 = arith.addf %add3A_635, %get3A_647 : vector<16xf32>
      %get3A_649 = arith.constant 0 : i32
      %get3A_650 = arith.constant 26 : i32
      %get3A_651 = arith.constant 0 : i32
      %get3A_652 = arith.constant 0 : i32
      %get3A_653 = arith.constant 0 : i32
      %get3A_654 = tpu.memref_slice %arg4[%scan3A_155, %get3A_651, %get3A_652, %get3A_653] : memref<4x1x32x512xf32, #tpu.memory_space<vmem>> -> memref<1x1x32x512xf32, #tpu.memory_space<vmem>>
      %get3A_655 = tpu.memref_squeeze %get3A_654 : memref<1x1x32x512xf32, #tpu.memory_space<vmem>> -> memref<1x32x512xf32, #tpu.memory_space<vmem>>
      %get3A_656 = arith.index_cast %get3A_649 : i32 to index
      %get3A_657 = arith.index_cast %get3A_650 : i32 to index
      %get3A_658 = arith.index_cast %mul3A_520 : i32 to index
      %get3A_659 = tpu.vector_load %get3A_655[%get3A_656, %get3A_657, %get3A_658] {strides = array<i32>} : memref<1x32x512xf32, #tpu.memory_space<vmem>>, vector<1x1x16xf32>,
      %get3A_660 = vector.shape_cast %get3A_659 : vector<1x1x16xf32> to vector<16xf32>
      %add3A_661 = arith.addf %add3A_648, %get3A_660 : vector<16xf32>
      %get3A_662 = arith.constant 0 : i32
      %get3A_663 = arith.constant 27 : i32
      %get3A_664 = arith.constant 0 : i32
      %get3A_665 = arith.constant 0 : i32
      %get3A_666 = arith.constant 0 : i32
      %get3A_667 = tpu.memref_slice %arg4[%scan3A_155, %get3A_664, %get3A_665, %get3A_666] : memref<4x1x32x512xf32, #tpu.memory_space<vmem>> -> memref<1x1x32x512xf32, #tpu.memory_space<vmem>>
      %get3A_668 = tpu.memref_squeeze %get3A_667 : memref<1x1x32x512xf32, #tpu.memory_space<vmem>> -> memref<1x32x512xf32, #tpu.memory_space<vmem>>
      %get3A_669 = arith.index_cast %get3A_662 : i32 to index
      %get3A_670 = arith.index_cast %get3A_663 : i32 to index
      %get3A_671 = arith.index_cast %mul3A_520 : i32 to index
      %get3A_672 = tpu.vector_load %get3A_668[%get3A_669, %get3A_670, %get3A_671] {strides = array<i32>} : memref<1x32x512xf32, #tpu.memory_space<vmem>>, vector<1x1x16xf32>,
      %get3A_673 = vector.shape_cast %get3A_672 : vector<1x1x16xf32> to vector<16xf32>
      %add3A_674 = arith.addf %add3A_661, %get3A_673 : vector<16xf32>
      %get3A_675 = arith.constant 0 : i32
      %get3A_676 = arith.constant 28 : i32
      %get3A_677 = arith.constant 0 : i32
      %get3A_678 = arith.constant 0 : i32
      %get3A_679 = arith.constant 0 : i32
      %get3A_680 = tpu.memref_slice %arg4[%scan3A_155, %get3A_677, %get3A_678, %get3A_679] : memref<4x1x32x512xf32, #tpu.memory_space<vmem>> -> memref<1x1x32x512xf32, #tpu.memory_space<vmem>>
      %get3A_681 = tpu.memref_squeeze %get3A_680 : memref<1x1x32x512xf32, #tpu.memory_space<vmem>> -> memref<1x32x512xf32, #tpu.memory_space<vmem>>
      %get3A_682 = arith.index_cast %get3A_675 : i32 to index
      %get3A_683 = arith.index_cast %get3A_676 : i32 to index
      %get3A_684 = arith.index_cast %mul3A_520 : i32 to index
      %get3A_685 = tpu.vector_load %get3A_681[%get3A_682, %get3A_683, %get3A_684] {strides = array<i32>} : memref<1x32x512xf32, #tpu.memory_space<vmem>>, vector<1x1x16xf32>,
      %get3A_686 = vector.shape_cast %get3A_685 : vector<1x1x16xf32> to vector<16xf32>
      %add3A_687 = arith.addf %add3A_674, %get3A_686 : vector<16xf32>
      %get3A_688 = arith.constant 0 : i32
      %get3A_689 = arith.constant 29 : i32
      %get3A_690 = arith.constant 0 : i32
      %get3A_691 = arith.constant 0 : i32
      %get3A_692 = arith.constant 0 : i32
      %get3A_693 = tpu.memref_slice %arg4[%scan3A_155, %get3A_690, %get3A_691, %get3A_692] : memref<4x1x32x512xf32, #tpu.memory_space<vmem>> -> memref<1x1x32x512xf32, #tpu.memory_space<vmem>>
      %get3A_694 = tpu.memref_squeeze %get3A_693 : memref<1x1x32x512xf32, #tpu.memory_space<vmem>> -> memref<1x32x512xf32, #tpu.memory_space<vmem>>
      %get3A_695 = arith.index_cast %get3A_688 : i32 to index
      %get3A_696 = arith.index_cast %get3A_689 : i32 to index
      %get3A_697 = arith.index_cast %mul3A_520 : i32 to index
      %get3A_698 = tpu.vector_load %get3A_694[%get3A_695, %get3A_696, %get3A_697] {strides = array<i32>} : memref<1x32x512xf32, #tpu.memory_space<vmem>>, vector<1x1x16xf32>,
      %get3A_699 = vector.shape_cast %get3A_698 : vector<1x1x16xf32> to vector<16xf32>
      %add3A_700 = arith.addf %add3A_687, %get3A_699 : vector<16xf32>
      %get3A_701 = arith.constant 0 : i32
      %get3A_702 = arith.constant 30 : i32
      %get3A_703 = arith.constant 0 : i32
      %get3A_704 = arith.constant 0 : i32
      %get3A_705 = arith.constant 0 : i32
      %get3A_706 = tpu.memref_slice %arg4[%scan3A_155, %get3A_703, %get3A_704, %get3A_705] : memref<4x1x32x512xf32, #tpu.memory_space<vmem>> -> memref<1x1x32x512xf32, #tpu.memory_space<vmem>>
      %get3A_707 = tpu.memref_squeeze %get3A_706 : memref<1x1x32x512xf32, #tpu.memory_space<vmem>> -> memref<1x32x512xf32, #tpu.memory_space<vmem>>
      %get3A_708 = arith.index_cast %get3A_701 : i32 to index
      %get3A_709 = arith.index_cast %get3A_702 : i32 to index
      %get3A_710 = arith.index_cast %mul3A_520 : i32 to index
      %get3A_711 = tpu.vector_load %get3A_707[%get3A_708, %get3A_709, %get3A_710] {strides = array<i32>} : memref<1x32x512xf32, #tpu.memory_space<vmem>>, vector<1x1x16xf32>,
      %get3A_712 = vector.shape_cast %get3A_711 : vector<1x1x16xf32> to vector<16xf32>
      %add3A_713 = arith.addf %add3A_700, %get3A_712 : vector<16xf32>
      %get3A_714 = arith.constant 0 : i32
      %get3A_715 = arith.constant 31 : i32
      %get3A_716 = arith.constant 0 : i32
      %get3A_717 = arith.constant 0 : i32
      %get3A_718 = arith.constant 0 : i32
      %get3A_719 = tpu.memref_slice %arg4[%scan3A_155, %get3A_716, %get3A_717, %get3A_718] : memref<4x1x32x512xf32, #tpu.memory_space<vmem>> -> memref<1x1x32x512xf32, #tpu.memory_space<vmem>>
      %get3A_720 = tpu.memref_squeeze %get3A_719 : memref<1x1x32x512xf32, #tpu.memory_space<vmem>> -> memref<1x32x512xf32, #tpu.memory_space<vmem>>
      %get3A_721 = arith.index_cast %get3A_714 : i32 to index
      %get3A_722 = arith.index_cast %get3A_715 : i32 to index
      %get3A_723 = arith.index_cast %mul3A_520 : i32 to index
      %get3A_724 = tpu.vector_load %get3A_720[%get3A_721, %get3A_722, %get3A_723] {strides = array<i32>} : memref<1x32x512xf32, #tpu.memory_space<vmem>>, vector<1x1x16xf32>,
      %get3A_725 = vector.shape_cast %get3A_724 : vector<1x1x16xf32> to vector<16xf32>
      %add3A_726 = arith.addf %add3A_713, %get3A_725 : vector<16xf32>
      %mul3A_727 = arith.constant 6.250000e-02 : f32
      %mul3A_728 = vector.broadcast %mul3A_727 : f32 to vector<16xf32>
      %mul3A_729 = arith.mulf %add3A_726, %mul3A_728 : vector<16xf32>
      %add3A_730 = arith.constant 512 : i32
      %add3A_731 = arith.addi %add3A_730, %mul3A_520 : i32
      %swap3A = arith.constant 0 : i32
      %swap3A_732 = arith.index_cast %swap3A : i32 to index
      %swap3A_733 = arith.index_cast %add3A_731 : i32 to index
      %swap3A_734 = tpu.vector_load %arg5[%swap3A_732, %swap3A_733] {strides = array<i32>} : memref<1x2048xf32, #tpu.memory_space<vmem>>, vector<1x16xf32>,
      %swap3A_735 = vector.shape_cast %swap3A_734 : vector<1x16xf32> to vector<16xf32>
      %swap3A_736 = vector.shape_cast %mul3A_729 : vector<16xf32> to vector<1x16xf32>
      tpu.vector_store %arg5[%swap3A_732, %swap3A_733], %swap3A_736 {strides = array<i32>} : memref<1x2048xf32, #tpu.memory_space<vmem>>, vector<1x16xf32>,
    }
    %scan3A_160 = arith.constant 32 : i32
    %mul3A_161 = arith.constant 4 : i32
    %mul3A_162 = arith.muli %mul3A_161, %scan3A_61 : i32
    %add3A_163 = arith.constant 1 : i32
    %add3A_164 = arith.addi %mul3A_162, %add3A_163 : i32
    %add3A_165 = arith.constant 3 : i32
    %add3A_166 = arith.addi %add3A_164, %add3A_165 : i32
    %lt3A_167 = arith.constant 4 : i32
    %lt3A_168 = arith.cmpi slt, %add3A_166, %lt3A_167 : i32
    %convert_element_type3A_169 = arith.extui %lt3A_168 : i1 to i32
    %cond3A_170 = arith.constant 0 : i32
    %cond3A_171 = arith.cmpi ne, %convert_element_type3A_169, %cond3A_170 : i32
    scf.if %cond3A_171 {
      %add3A_518 = arith.constant 3 : i32
      %add3A_519 = arith.addi %add3A_164, %add3A_518 : i32
      %jit3A_520 = arith.constant 2 : i32
      %div3A_521 = arith.divsi %add3A_519, %jit3A_520 : i32
      %sign3A_522 = arith.constant 0 : i32
      %sign3A_523 = arith.cmpi sgt, %add3A_519, %sign3A_522 : i32
      %sign3A_524 = arith.extui %sign3A_523 : i1 to i32
      %sign3A_525 = arith.constant 0 : i32
      %sign3A_526 = arith.cmpi slt, %add3A_519, %sign3A_525 : i32
      %sign3A_527 = arith.extui %sign3A_526 : i1 to i32
      %sign3A_528 = arith.subi %sign3A_524, %sign3A_527 : i32
      %sign3A_529 = arith.constant 0 : i32
      %sign3A_530 = arith.cmpi sgt, %jit3A_520, %sign3A_529 : i32
      %sign3A_531 = arith.extui %sign3A_530 : i1 to i32
      %sign3A_532 = arith.constant 0 : i32
      %sign3A_533 = arith.cmpi slt, %jit3A_520, %sign3A_532 : i32
      %sign3A_534 = arith.extui %sign3A_533 : i1 to i32
      %sign3A_535 = arith.subi %sign3A_531, %sign3A_534 : i32
      %ne3A_536 = arith.cmpi ne, %sign3A_528, %sign3A_535 : i32
      %rem3A_537 = arith.remsi %add3A_519, %jit3A_520 : i32
      %ne3A_538 = arith.constant 0 : i32
      %ne3A_539 = arith.cmpi ne, %rem3A_537, %ne3A_538 : i32
      %and3A_540 = arith.andi %ne3A_536, %ne3A_539 : i1
      %sub3A_541 = arith.constant 1 : i32
      %sub3A_542 = arith.subi %div3A_521, %sub3A_541 : i32
      %select_n3A_543 = arith.select %and3A_540, %sub3A_542, %div3A_521 : i32
      %add3A_544 = arith.addi %add3A_4, %select_n3A_543 : i32
      %jit3A_545 = arith.constant 2 : i32
      %eq3A_546 = arith.constant 0 : i32
      %eq3A_547 = arith.cmpi eq, %jit3A_545, %eq3A_546 : i32
      %jit3A_548 = arith.constant 1 : i32
      %select_n3A_549 = arith.select %eq3A_547, %jit3A_548, %jit3A_545 : i32
      %rem3A_550 = arith.remsi %add3A_519, %select_n3A_549 : i32
      %ne3A_551 = arith.constant 0 : i32
      %ne3A_552 = arith.cmpi ne, %rem3A_550, %ne3A_551 : i32
      %lt3A_553 = arith.constant 0 : i32
      %lt3A_554 = arith.cmpi slt, %rem3A_550, %lt3A_553 : i32
      %lt3A_555 = arith.constant 0 : i32
      %lt3A_556 = arith.cmpi slt, %select_n3A_549, %lt3A_555 : i32
      %ne3A_557 = arith.xori %lt3A_554, %lt3A_556 : i1
      %and3A_558 = arith.andi %ne3A_557, %ne3A_552 : i1
      %add3A_559 = arith.addi %rem3A_550, %select_n3A_549 : i32
      %select_n3A_560 = arith.select %and3A_558, %add3A_559, %rem3A_550 : i32
      %mul3A_561 = arith.constant 32 : i32
      %mul3A_562 = arith.muli %select_n3A_560, %mul3A_561 : i32
      %dma_start3A_563 = arith.constant 0 : i32
      %dma_start3A_564 = arith.constant 0 : i32
      %dma_start3A_565 = arith.constant 0 : i32
      %dma_start3A_566 = arith.constant 0 : i32
      %dma_start3A_567 = tpu.memref_slice %arg4[%dma_start3A_563, %dma_start3A_564, %dma_start3A_565, %dma_start3A_566] : memref<4x1x32x512xf32, #tpu.memory_space<vmem>> -> memref<1x1x32x512xf32, #tpu.memory_space<vmem>>
      %dma_start3A_568 = tpu.memref_squeeze %dma_start3A_567 : memref<1x1x32x512xf32, #tpu.memory_space<vmem>> -> memref<1x32x512xf32, #tpu.memory_space<vmem>>
      %dma_start3A_569 = arith.constant 0 : i32
      %dma_start3A_570 = tpu.memref_slice %arg2[%add3A_544, %mul3A_562, %dma_start3A_569] : memref<512x64x512xf32, #tpu.memory_space<hbm>> -> memref<1x32x512xf32, #tpu.memory_space<hbm>>
      %dma_start3A_571 = arith.constant 0 : i32
      %dma_start3A_572 = arith.constant 0 : i32
      %dma_start3A_573 = arith.constant 0 : i32
      %dma_start3A_574 = tpu.memref_slice %arg4[%dma_start3A_563, %dma_start3A_571, %dma_start3A_572, %dma_start3A_573] : memref<4x1x32x512xf32, #tpu.memory_space<vmem>> -> memref<1x1x32x512xf32, #tpu.memory_space<vmem>>
      %dma_start3A_575 = tpu.memref_squeeze %dma_start3A_574 : memref<1x1x32x512xf32, #tpu.memory_space<vmem>> -> memref<1x32x512xf32, #tpu.memory_space<vmem>>
      %dma_start3A_576 = arith.constant 0 : i32
      %dma_start3A_577 = tpu.memref_slice %arg2[%add3A_544, %mul3A_562, %dma_start3A_576] : memref<512x64x512xf32, #tpu.memory_space<hbm>> -> memref<1x32x512xf32, #tpu.memory_space<hbm>>
      tpu.enqueue_dma source(%dma_start3A_577 : memref<1x32x512xf32, #tpu.memory_space<hbm>>) target(%dma_start3A_575 : memref<1x32x512xf32, #tpu.memory_space<vmem>>) target_semaphore(%arg6 : memref<!tpu.dma_semaphore, #tpu.memory_space<semaphore_mem>>)
    } else {
    }
    %jit3A_172 = arith.constant 2 : i32
    %div3A_173 = arith.divsi %add3A_164, %jit3A_172 : i32
    %sign3A_174 = arith.constant 0 : i32
    %sign3A_175 = arith.cmpi sgt, %add3A_164, %sign3A_174 : i32
    %sign3A_176 = arith.extui %sign3A_175 : i1 to i32
    %sign3A_177 = arith.constant 0 : i32
    %sign3A_178 = arith.cmpi slt, %add3A_164, %sign3A_177 : i32
    %sign3A_179 = arith.extui %sign3A_178 : i1 to i32
    %sign3A_180 = arith.subi %sign3A_176, %sign3A_179 : i32
    %sign3A_181 = arith.constant 0 : i32
    %sign3A_182 = arith.cmpi sgt, %jit3A_172, %sign3A_181 : i32
    %sign3A_183 = arith.extui %sign3A_182 : i1 to i32
    %sign3A_184 = arith.constant 0 : i32
    %sign3A_185 = arith.cmpi slt, %jit3A_172, %sign3A_184 : i32
    %sign3A_186 = arith.extui %sign3A_185 : i1 to i32
    %sign3A_187 = arith.subi %sign3A_183, %sign3A_186 : i32
    %ne3A_188 = arith.cmpi ne, %sign3A_180, %sign3A_187 : i32
    %rem3A_189 = arith.remsi %add3A_164, %jit3A_172 : i32
    %ne3A_190 = arith.constant 0 : i32
    %ne3A_191 = arith.cmpi ne, %rem3A_189, %ne3A_190 : i32
    %and3A_192 = arith.andi %ne3A_188, %ne3A_191 : i1
    %sub3A_193 = arith.constant 1 : i32
    %sub3A_194 = arith.subi %div3A_173, %sub3A_193 : i32
    %select_n3A_195 = arith.select %and3A_192, %sub3A_194, %div3A_173 : i32
    %add3A_196 = arith.addi %add3A_4, %select_n3A_195 : i32
    %jit3A_197 = arith.constant 2 : i32
    %eq3A_198 = arith.constant 0 : i32
    %eq3A_199 = arith.cmpi eq, %jit3A_197, %eq3A_198 : i32
    %jit3A_200 = arith.constant 1 : i32
    %select_n3A_201 = arith.select %eq3A_199, %jit3A_200, %jit3A_197 : i32
    %rem3A_202 = arith.remsi %add3A_164, %select_n3A_201 : i32
    %ne3A_203 = arith.constant 0 : i32
    %ne3A_204 = arith.cmpi ne, %rem3A_202, %ne3A_203 : i32
    %lt3A_205 = arith.constant 0 : i32
    %lt3A_206 = arith.cmpi slt, %rem3A_202, %lt3A_205 : i32
    %lt3A_207 = arith.constant 0 : i32
    %lt3A_208 = arith.cmpi slt, %select_n3A_201, %lt3A_207 : i32
    %ne3A_209 = arith.xori %lt3A_206, %lt3A_208 : i1
    %and3A_210 = arith.andi %ne3A_209, %ne3A_204 : i1
    %add3A_211 = arith.addi %rem3A_202, %select_n3A_201 : i32
    %select_n3A_212 = arith.select %and3A_210, %add3A_211, %rem3A_202 : i32
    %mul3A_213 = arith.constant 32 : i32
    %mul3A_214 = arith.muli %select_n3A_212, %mul3A_213 : i32
    %dma_wait3A_215 = arith.constant 1 : i32
    %dma_wait3A_216 = arith.constant 0 : i32
    %dma_wait3A_217 = arith.constant 0 : i32
    %dma_wait3A_218 = arith.constant 0 : i32
    %dma_wait3A_219 = tpu.memref_slice %arg4[%dma_wait3A_215, %dma_wait3A_216, %dma_wait3A_217, %dma_wait3A_218] : memref<4x1x32x512xf32, #tpu.memory_space<vmem>> -> memref<1x1x32x512xf32, #tpu.memory_space<vmem>>
    %dma_wait3A_220 = tpu.memref_squeeze %dma_wait3A_219 : memref<1x1x32x512xf32, #tpu.memory_space<vmem>> -> memref<1x32x512xf32, #tpu.memory_space<vmem>>
    %dma_wait3A_221 = arith.constant 0 : i32
    %dma_wait3A_222 = tpu.memref_slice %arg2[%add3A_196, %mul3A_214, %dma_wait3A_221] : memref<512x64x512xf32, #tpu.memory_space<hbm>> -> memref<1x32x512xf32, #tpu.memory_space<hbm>>
    %dma_wait3A_223 = arith.constant 0 : i32
    %dma_wait3A_224 = arith.constant 0 : i32
    %dma_wait3A_225 = arith.constant 0 : i32
    %dma_wait3A_226 = tpu.memref_slice %arg4[%dma_wait3A_215, %dma_wait3A_223, %dma_wait3A_224, %dma_wait3A_225] : memref<4x1x32x512xf32, #tpu.memory_space<vmem>> -> memref<1x1x32x512xf32, #tpu.memory_space<vmem>>
    %dma_wait3A_227 = tpu.memref_squeeze %dma_wait3A_226 : memref<1x1x32x512xf32, #tpu.memory_space<vmem>> -> memref<1x32x512xf32, #tpu.memory_space<vmem>>
    %dma_wait3A_228 = arith.constant 0 : i32
    %dma_wait3A_229 = tpu.memref_slice %arg2[%add3A_196, %mul3A_214, %dma_wait3A_228] : memref<512x64x512xf32, #tpu.memory_space<hbm>> -> memref<1x32x512xf32, #tpu.memory_space<hbm>>
    tpu.wait_dma2 semaphore(%arg7 : memref<!tpu.dma_semaphore, #tpu.memory_space<semaphore_mem>>) src(%dma_wait3A_229 : memref<1x32x512xf32, #tpu.memory_space<hbm>>) dst(%dma_wait3A_227 : memref<1x32x512xf32, #tpu.memory_space<vmem>>)
    %mul3A_230 = arith.constant 4 : i32
    %mul3A_231 = arith.muli %mul3A_230, %scan3A_61 : i32
    %add3A_232 = arith.constant 1 : i32
    %add3A_233 = arith.addi %mul3A_231, %add3A_232 : i32
    %jit3A_234 = arith.constant 2 : i32
    %div3A_235 = arith.divsi %add3A_233, %jit3A_234 : i32
    %sign3A_236 = arith.constant 0 : i32
    %sign3A_237 = arith.cmpi sgt, %add3A_233, %sign3A_236 : i32
    %sign3A_238 = arith.extui %sign3A_237 : i1 to i32
    %sign3A_239 = arith.constant 0 : i32
    %sign3A_240 = arith.cmpi slt, %add3A_233, %sign3A_239 : i32
    %sign3A_241 = arith.extui %sign3A_240 : i1 to i32
    %sign3A_242 = arith.subi %sign3A_238, %sign3A_241 : i32
    %sign3A_243 = arith.constant 0 : i32
    %sign3A_244 = arith.cmpi sgt, %jit3A_234, %sign3A_243 : i32
    %sign3A_245 = arith.extui %sign3A_244 : i1 to i32
    %sign3A_246 = arith.constant 0 : i32
    %sign3A_247 = arith.cmpi slt, %jit3A_234, %sign3A_246 : i32
    %sign3A_248 = arith.extui %sign3A_247 : i1 to i32
    %sign3A_249 = arith.subi %sign3A_245, %sign3A_248 : i32
    %ne3A_250 = arith.cmpi ne, %sign3A_242, %sign3A_249 : i32
    %rem3A_251 = arith.remsi %add3A_233, %jit3A_234 : i32
    %ne3A_252 = arith.constant 0 : i32
    %ne3A_253 = arith.cmpi ne, %rem3A_251, %ne3A_252 : i32
    %and3A_254 = arith.andi %ne3A_250, %ne3A_253 : i1
    %sub3A_255 = arith.constant 1 : i32
    %sub3A_256 = arith.subi %div3A_235, %sub3A_255 : i32
    %select_n3A_257 = arith.select %and3A_254, %sub3A_256, %div3A_235 : i32
    %add3A_258 = arith.addi %add3A_4, %select_n3A_257 : i32
    %scan3A_259 = arith.constant 0 : i32
    %scan3A_260 = arith.constant 1 : i32
    %scan3A_261 = arith.constant 0 : i32
    %scan3A_262 = arith.constant 32 : i32
    %scan3A_263 = arith.addi %scan3A_261, %scan3A_262 : i32
    %scan3A_264 = arith.constant 1 : i32
    scf.for %scan3A_518 = %scan3A_261 to %scan3A_263 step %scan3A_264  : i32 {
      %mul3A_519 = arith.constant 16 : i32
      %mul3A_520 = arith.muli %scan3A_518, %mul3A_519 : i32
      %get3A = arith.constant 0 : i32
      %get3A_521 = arith.constant 0 : i32
      %get3A_522 = arith.constant 0 : i32
      %get3A_523 = arith.constant 0 : i32
      %get3A_524 = arith.constant 0 : i32
      %get3A_525 = tpu.memref_slice %arg4[%scan3A_260, %get3A_522, %get3A_523, %get3A_524] : memref<4x1x32x512xf32, #tpu.memory_space<vmem>> -> memref<1x1x32x512xf32, #tpu.memory_space<vmem>>
      %get3A_526 = tpu.memref_squeeze %get3A_525 : memref<1x1x32x512xf32, #tpu.memory_space<vmem>> -> memref<1x32x512xf32, #tpu.memory_space<vmem>>
      %get3A_527 = arith.index_cast %get3A : i32 to index
      %get3A_528 = arith.index_cast %get3A_521 : i32 to index
      %get3A_529 = arith.index_cast %mul3A_520 : i32 to index
      %get3A_530 = tpu.vector_load %get3A_526[%get3A_527, %get3A_528, %get3A_529] {strides = array<i32>} : memref<1x32x512xf32, #tpu.memory_space<vmem>>, vector<1x1x16xf32>,
      %get3A_531 = vector.shape_cast %get3A_530 : vector<1x1x16xf32> to vector<16xf32>
      %get3A_532 = arith.constant 0 : i32
      %get3A_533 = arith.constant 1 : i32
      %get3A_534 = arith.constant 0 : i32
      %get3A_535 = arith.constant 0 : i32
      %get3A_536 = arith.constant 0 : i32
      %get3A_537 = tpu.memref_slice %arg4[%scan3A_260, %get3A_534, %get3A_535, %get3A_536] : memref<4x1x32x512xf32, #tpu.memory_space<vmem>> -> memref<1x1x32x512xf32, #tpu.memory_space<vmem>>
      %get3A_538 = tpu.memref_squeeze %get3A_537 : memref<1x1x32x512xf32, #tpu.memory_space<vmem>> -> memref<1x32x512xf32, #tpu.memory_space<vmem>>
      %get3A_539 = arith.index_cast %get3A_532 : i32 to index
      %get3A_540 = arith.index_cast %get3A_533 : i32 to index
      %get3A_541 = arith.index_cast %mul3A_520 : i32 to index
      %get3A_542 = tpu.vector_load %get3A_538[%get3A_539, %get3A_540, %get3A_541] {strides = array<i32>} : memref<1x32x512xf32, #tpu.memory_space<vmem>>, vector<1x1x16xf32>,
      %get3A_543 = vector.shape_cast %get3A_542 : vector<1x1x16xf32> to vector<16xf32>
      %add3A_544 = arith.addf %get3A_531, %get3A_543 : vector<16xf32>
      %get3A_545 = arith.constant 0 : i32
      %get3A_546 = arith.constant 2 : i32
      %get3A_547 = arith.constant 0 : i32
      %get3A_548 = arith.constant 0 : i32
      %get3A_549 = arith.constant 0 : i32
      %get3A_550 = tpu.memref_slice %arg4[%scan3A_260, %get3A_547, %get3A_548, %get3A_549] : memref<4x1x32x512xf32, #tpu.memory_space<vmem>> -> memref<1x1x32x512xf32, #tpu.memory_space<vmem>>
      %get3A_551 = tpu.memref_squeeze %get3A_550 : memref<1x1x32x512xf32, #tpu.memory_space<vmem>> -> memref<1x32x512xf32, #tpu.memory_space<vmem>>
      %get3A_552 = arith.index_cast %get3A_545 : i32 to index
      %get3A_553 = arith.index_cast %get3A_546 : i32 to index
      %get3A_554 = arith.index_cast %mul3A_520 : i32 to index
      %get3A_555 = tpu.vector_load %get3A_551[%get3A_552, %get3A_553, %get3A_554] {strides = array<i32>} : memref<1x32x512xf32, #tpu.memory_space<vmem>>, vector<1x1x16xf32>,
      %get3A_556 = vector.shape_cast %get3A_555 : vector<1x1x16xf32> to vector<16xf32>
      %add3A_557 = arith.addf %add3A_544, %get3A_556 : vector<16xf32>
      %get3A_558 = arith.constant 0 : i32
      %get3A_559 = arith.constant 3 : i32
      %get3A_560 = arith.constant 0 : i32
      %get3A_561 = arith.constant 0 : i32
      %get3A_562 = arith.constant 0 : i32
      %get3A_563 = tpu.memref_slice %arg4[%scan3A_260, %get3A_560, %get3A_561, %get3A_562] : memref<4x1x32x512xf32, #tpu.memory_space<vmem>> -> memref<1x1x32x512xf32, #tpu.memory_space<vmem>>
      %get3A_564 = tpu.memref_squeeze %get3A_563 : memref<1x1x32x512xf32, #tpu.memory_space<vmem>> -> memref<1x32x512xf32, #tpu.memory_space<vmem>>
      %get3A_565 = arith.index_cast %get3A_558 : i32 to index
      %get3A_566 = arith.index_cast %get3A_559 : i32 to index
      %get3A_567 = arith.index_cast %mul3A_520 : i32 to index
      %get3A_568 = tpu.vector_load %get3A_564[%get3A_565, %get3A_566, %get3A_567] {strides = array<i32>} : memref<1x32x512xf32, #tpu.memory_space<vmem>>, vector<1x1x16xf32>,
      %get3A_569 = vector.shape_cast %get3A_568 : vector<1x1x16xf32> to vector<16xf32>
      %add3A_570 = arith.addf %add3A_557, %get3A_569 : vector<16xf32>
      %get3A_571 = arith.constant 0 : i32
      %get3A_572 = arith.constant 4 : i32
      %get3A_573 = arith.constant 0 : i32
      %get3A_574 = arith.constant 0 : i32
      %get3A_575 = arith.constant 0 : i32
      %get3A_576 = tpu.memref_slice %arg4[%scan3A_260, %get3A_573, %get3A_574, %get3A_575] : memref<4x1x32x512xf32, #tpu.memory_space<vmem>> -> memref<1x1x32x512xf32, #tpu.memory_space<vmem>>
      %get3A_577 = tpu.memref_squeeze %get3A_576 : memref<1x1x32x512xf32, #tpu.memory_space<vmem>> -> memref<1x32x512xf32, #tpu.memory_space<vmem>>
      %get3A_578 = arith.index_cast %get3A_571 : i32 to index
      %get3A_579 = arith.index_cast %get3A_572 : i32 to index
      %get3A_580 = arith.index_cast %mul3A_520 : i32 to index
      %get3A_581 = tpu.vector_load %get3A_577[%get3A_578, %get3A_579, %get3A_580] {strides = array<i32>} : memref<1x32x512xf32, #tpu.memory_space<vmem>>, vector<1x1x16xf32>,
      %get3A_582 = vector.shape_cast %get3A_581 : vector<1x1x16xf32> to vector<16xf32>
      %add3A_583 = arith.addf %add3A_570, %get3A_582 : vector<16xf32>
      %get3A_584 = arith.constant 0 : i32
      %get3A_585 = arith.constant 5 : i32
      %get3A_586 = arith.constant 0 : i32
      %get3A_587 = arith.constant 0 : i32
      %get3A_588 = arith.constant 0 : i32
      %get3A_589 = tpu.memref_slice %arg4[%scan3A_260, %get3A_586, %get3A_587, %get3A_588] : memref<4x1x32x512xf32, #tpu.memory_space<vmem>> -> memref<1x1x32x512xf32, #tpu.memory_space<vmem>>
      %get3A_590 = tpu.memref_squeeze %get3A_589 : memref<1x1x32x512xf32, #tpu.memory_space<vmem>> -> memref<1x32x512xf32, #tpu.memory_space<vmem>>
      %get3A_591 = arith.index_cast %get3A_584 : i32 to index
      %get3A_592 = arith.index_cast %get3A_585 : i32 to index
      %get3A_593 = arith.index_cast %mul3A_520 : i32 to index
      %get3A_594 = tpu.vector_load %get3A_590[%get3A_591, %get3A_592, %get3A_593] {strides = array<i32>} : memref<1x32x512xf32, #tpu.memory_space<vmem>>, vector<1x1x16xf32>,
      %get3A_595 = vector.shape_cast %get3A_594 : vector<1x1x16xf32> to vector<16xf32>
      %add3A_596 = arith.addf %add3A_583, %get3A_595 : vector<16xf32>
      %get3A_597 = arith.constant 0 : i32
      %get3A_598 = arith.constant 6 : i32
      %get3A_599 = arith.constant 0 : i32
      %get3A_600 = arith.constant 0 : i32
      %get3A_601 = arith.constant 0 : i32
      %get3A_602 = tpu.memref_slice %arg4[%scan3A_260, %get3A_599, %get3A_600, %get3A_601] : memref<4x1x32x512xf32, #tpu.memory_space<vmem>> -> memref<1x1x32x512xf32, #tpu.memory_space<vmem>>
      %get3A_603 = tpu.memref_squeeze %get3A_602 : memref<1x1x32x512xf32, #tpu.memory_space<vmem>> -> memref<1x32x512xf32, #tpu.memory_space<vmem>>
      %get3A_604 = arith.index_cast %get3A_597 : i32 to index
      %get3A_605 = arith.index_cast %get3A_598 : i32 to index
      %get3A_606 = arith.index_cast %mul3A_520 : i32 to index
      %get3A_607 = tpu.vector_load %get3A_603[%get3A_604, %get3A_605, %get3A_606] {strides = array<i32>} : memref<1x32x512xf32, #tpu.memory_space<vmem>>, vector<1x1x16xf32>,
      %get3A_608 = vector.shape_cast %get3A_607 : vector<1x1x16xf32> to vector<16xf32>
      %add3A_609 = arith.addf %add3A_596, %get3A_608 : vector<16xf32>
      %get3A_610 = arith.constant 0 : i32
      %get3A_611 = arith.constant 7 : i32
      %get3A_612 = arith.constant 0 : i32
      %get3A_613 = arith.constant 0 : i32
      %get3A_614 = arith.constant 0 : i32
      %get3A_615 = tpu.memref_slice %arg4[%scan3A_260, %get3A_612, %get3A_613, %get3A_614] : memref<4x1x32x512xf32, #tpu.memory_space<vmem>> -> memref<1x1x32x512xf32, #tpu.memory_space<vmem>>
      %get3A_616 = tpu.memref_squeeze %get3A_615 : memref<1x1x32x512xf32, #tpu.memory_space<vmem>> -> memref<1x32x512xf32, #tpu.memory_space<vmem>>
      %get3A_617 = arith.index_cast %get3A_610 : i32 to index
      %get3A_618 = arith.index_cast %get3A_611 : i32 to index
      %get3A_619 = arith.index_cast %mul3A_520 : i32 to index
      %get3A_620 = tpu.vector_load %get3A_616[%get3A_617, %get3A_618, %get3A_619] {strides = array<i32>} : memref<1x32x512xf32, #tpu.memory_space<vmem>>, vector<1x1x16xf32>,
      %get3A_621 = vector.shape_cast %get3A_620 : vector<1x1x16xf32> to vector<16xf32>
      %add3A_622 = arith.addf %add3A_609, %get3A_621 : vector<16xf32>
      %get3A_623 = arith.constant 0 : i32
      %get3A_624 = arith.constant 8 : i32
      %get3A_625 = arith.constant 0 : i32
      %get3A_626 = arith.constant 0 : i32
      %get3A_627 = arith.constant 0 : i32
      %get3A_628 = tpu.memref_slice %arg4[%scan3A_260, %get3A_625, %get3A_626, %get3A_627] : memref<4x1x32x512xf32, #tpu.memory_space<vmem>> -> memref<1x1x32x512xf32, #tpu.memory_space<vmem>>
      %get3A_629 = tpu.memref_squeeze %get3A_628 : memref<1x1x32x512xf32, #tpu.memory_space<vmem>> -> memref<1x32x512xf32, #tpu.memory_space<vmem>>
      %get3A_630 = arith.index_cast %get3A_623 : i32 to index
      %get3A_631 = arith.index_cast %get3A_624 : i32 to index
      %get3A_632 = arith.index_cast %mul3A_520 : i32 to index
      %get3A_633 = tpu.vector_load %get3A_629[%get3A_630, %get3A_631, %get3A_632] {strides = array<i32>} : memref<1x32x512xf32, #tpu.memory_space<vmem>>, vector<1x1x16xf32>,
      %get3A_634 = vector.shape_cast %get3A_633 : vector<1x1x16xf32> to vector<16xf32>
      %add3A_635 = arith.addf %add3A_622, %get3A_634 : vector<16xf32>
      %get3A_636 = arith.constant 0 : i32
      %get3A_637 = arith.constant 9 : i32
      %get3A_638 = arith.constant 0 : i32
      %get3A_639 = arith.constant 0 : i32
      %get3A_640 = arith.constant 0 : i32
      %get3A_641 = tpu.memref_slice %arg4[%scan3A_260, %get3A_638, %get3A_639, %get3A_640] : memref<4x1x32x512xf32, #tpu.memory_space<vmem>> -> memref<1x1x32x512xf32, #tpu.memory_space<vmem>>
      %get3A_642 = tpu.memref_squeeze %get3A_641 : memref<1x1x32x512xf32, #tpu.memory_space<vmem>> -> memref<1x32x512xf32, #tpu.memory_space<vmem>>
      %get3A_643 = arith.index_cast %get3A_636 : i32 to index
      %get3A_644 = arith.index_cast %get3A_637 : i32 to index
      %get3A_645 = arith.index_cast %mul3A_520 : i32 to index
      %get3A_646 = tpu.vector_load %get3A_642[%get3A_643, %get3A_644, %get3A_645] {strides = array<i32>} : memref<1x32x512xf32, #tpu.memory_space<vmem>>, vector<1x1x16xf32>,
      %get3A_647 = vector.shape_cast %get3A_646 : vector<1x1x16xf32> to vector<16xf32>
      %add3A_648 = arith.addf %add3A_635, %get3A_647 : vector<16xf32>
      %get3A_649 = arith.constant 0 : i32
      %get3A_650 = arith.constant 10 : i32
      %get3A_651 = arith.constant 0 : i32
      %get3A_652 = arith.constant 0 : i32
      %get3A_653 = arith.constant 0 : i32
      %get3A_654 = tpu.memref_slice %arg4[%scan3A_260, %get3A_651, %get3A_652, %get3A_653] : memref<4x1x32x512xf32, #tpu.memory_space<vmem>> -> memref<1x1x32x512xf32, #tpu.memory_space<vmem>>
      %get3A_655 = tpu.memref_squeeze %get3A_654 : memref<1x1x32x512xf32, #tpu.memory_space<vmem>> -> memref<1x32x512xf32, #tpu.memory_space<vmem>>
      %get3A_656 = arith.index_cast %get3A_649 : i32 to index
      %get3A_657 = arith.index_cast %get3A_650 : i32 to index
      %get3A_658 = arith.index_cast %mul3A_520 : i32 to index
      %get3A_659 = tpu.vector_load %get3A_655[%get3A_656, %get3A_657, %get3A_658] {strides = array<i32>} : memref<1x32x512xf32, #tpu.memory_space<vmem>>, vector<1x1x16xf32>,
      %get3A_660 = vector.shape_cast %get3A_659 : vector<1x1x16xf32> to vector<16xf32>
      %add3A_661 = arith.addf %add3A_648, %get3A_660 : vector<16xf32>
      %get3A_662 = arith.constant 0 : i32
      %get3A_663 = arith.constant 11 : i32
      %get3A_664 = arith.constant 0 : i32
      %get3A_665 = arith.constant 0 : i32
      %get3A_666 = arith.constant 0 : i32
      %get3A_667 = tpu.memref_slice %arg4[%scan3A_260, %get3A_664, %get3A_665, %get3A_666] : memref<4x1x32x512xf32, #tpu.memory_space<vmem>> -> memref<1x1x32x512xf32, #tpu.memory_space<vmem>>
      %get3A_668 = tpu.memref_squeeze %get3A_667 : memref<1x1x32x512xf32, #tpu.memory_space<vmem>> -> memref<1x32x512xf32, #tpu.memory_space<vmem>>
      %get3A_669 = arith.index_cast %get3A_662 : i32 to index
      %get3A_670 = arith.index_cast %get3A_663 : i32 to index
      %get3A_671 = arith.index_cast %mul3A_520 : i32 to index
      %get3A_672 = tpu.vector_load %get3A_668[%get3A_669, %get3A_670, %get3A_671] {strides = array<i32>} : memref<1x32x512xf32, #tpu.memory_space<vmem>>, vector<1x1x16xf32>,
      %get3A_673 = vector.shape_cast %get3A_672 : vector<1x1x16xf32> to vector<16xf32>
      %add3A_674 = arith.addf %add3A_661, %get3A_673 : vector<16xf32>
      %get3A_675 = arith.constant 0 : i32
      %get3A_676 = arith.constant 12 : i32
      %get3A_677 = arith.constant 0 : i32
      %get3A_678 = arith.constant 0 : i32
      %get3A_679 = arith.constant 0 : i32
      %get3A_680 = tpu.memref_slice %arg4[%scan3A_260, %get3A_677, %get3A_678, %get3A_679] : memref<4x1x32x512xf32, #tpu.memory_space<vmem>> -> memref<1x1x32x512xf32, #tpu.memory_space<vmem>>
      %get3A_681 = tpu.memref_squeeze %get3A_680 : memref<1x1x32x512xf32, #tpu.memory_space<vmem>> -> memref<1x32x512xf32, #tpu.memory_space<vmem>>
      %get3A_682 = arith.index_cast %get3A_675 : i32 to index
      %get3A_683 = arith.index_cast %get3A_676 : i32 to index
      %get3A_684 = arith.index_cast %mul3A_520 : i32 to index
      %get3A_685 = tpu.vector_load %get3A_681[%get3A_682, %get3A_683, %get3A_684] {strides = array<i32>} : memref<1x32x512xf32, #tpu.memory_space<vmem>>, vector<1x1x16xf32>,
      %get3A_686 = vector.shape_cast %get3A_685 : vector<1x1x16xf32> to vector<16xf32>
      %add3A_687 = arith.addf %add3A_674, %get3A_686 : vector<16xf32>
      %get3A_688 = arith.constant 0 : i32
      %get3A_689 = arith.constant 13 : i32
      %get3A_690 = arith.constant 0 : i32
      %get3A_691 = arith.constant 0 : i32
      %get3A_692 = arith.constant 0 : i32
      %get3A_693 = tpu.memref_slice %arg4[%scan3A_260, %get3A_690, %get3A_691, %get3A_692] : memref<4x1x32x512xf32, #tpu.memory_space<vmem>> -> memref<1x1x32x512xf32, #tpu.memory_space<vmem>>
      %get3A_694 = tpu.memref_squeeze %get3A_693 : memref<1x1x32x512xf32, #tpu.memory_space<vmem>> -> memref<1x32x512xf32, #tpu.memory_space<vmem>>
      %get3A_695 = arith.index_cast %get3A_688 : i32 to index
      %get3A_696 = arith.index_cast %get3A_689 : i32 to index
      %get3A_697 = arith.index_cast %mul3A_520 : i32 to index
      %get3A_698 = tpu.vector_load %get3A_694[%get3A_695, %get3A_696, %get3A_697] {strides = array<i32>} : memref<1x32x512xf32, #tpu.memory_space<vmem>>, vector<1x1x16xf32>,
      %get3A_699 = vector.shape_cast %get3A_698 : vector<1x1x16xf32> to vector<16xf32>
      %add3A_700 = arith.addf %add3A_687, %get3A_699 : vector<16xf32>
      %get3A_701 = arith.constant 0 : i32
      %get3A_702 = arith.constant 14 : i32
      %get3A_703 = arith.constant 0 : i32
      %get3A_704 = arith.constant 0 : i32
      %get3A_705 = arith.constant 0 : i32
      %get3A_706 = tpu.memref_slice %arg4[%scan3A_260, %get3A_703, %get3A_704, %get3A_705] : memref<4x1x32x512xf32, #tpu.memory_space<vmem>> -> memref<1x1x32x512xf32, #tpu.memory_space<vmem>>
      %get3A_707 = tpu.memref_squeeze %get3A_706 : memref<1x1x32x512xf32, #tpu.memory_space<vmem>> -> memref<1x32x512xf32, #tpu.memory_space<vmem>>
      %get3A_708 = arith.index_cast %get3A_701 : i32 to index
      %get3A_709 = arith.index_cast %get3A_702 : i32 to index
      %get3A_710 = arith.index_cast %mul3A_520 : i32 to index
      %get3A_711 = tpu.vector_load %get3A_707[%get3A_708, %get3A_709, %get3A_710] {strides = array<i32>} : memref<1x32x512xf32, #tpu.memory_space<vmem>>, vector<1x1x16xf32>,
      %get3A_712 = vector.shape_cast %get3A_711 : vector<1x1x16xf32> to vector<16xf32>
      %add3A_713 = arith.addf %add3A_700, %get3A_712 : vector<16xf32>
      %get3A_714 = arith.constant 0 : i32
      %get3A_715 = arith.constant 15 : i32
      %get3A_716 = arith.constant 0 : i32
      %get3A_717 = arith.constant 0 : i32
      %get3A_718 = arith.constant 0 : i32
      %get3A_719 = tpu.memref_slice %arg4[%scan3A_260, %get3A_716, %get3A_717, %get3A_718] : memref<4x1x32x512xf32, #tpu.memory_space<vmem>> -> memref<1x1x32x512xf32, #tpu.memory_space<vmem>>
      %get3A_720 = tpu.memref_squeeze %get3A_719 : memref<1x1x32x512xf32, #tpu.memory_space<vmem>> -> memref<1x32x512xf32, #tpu.memory_space<vmem>>
      %get3A_721 = arith.index_cast %get3A_714 : i32 to index
      %get3A_722 = arith.index_cast %get3A_715 : i32 to index
      %get3A_723 = arith.index_cast %mul3A_520 : i32 to index
      %get3A_724 = tpu.vector_load %get3A_720[%get3A_721, %get3A_722, %get3A_723] {strides = array<i32>} : memref<1x32x512xf32, #tpu.memory_space<vmem>>, vector<1x1x16xf32>,
      %get3A_725 = vector.shape_cast %get3A_724 : vector<1x1x16xf32> to vector<16xf32>
      %add3A_726 = arith.addf %add3A_713, %get3A_725 : vector<16xf32>
      %mul3A_727 = arith.constant 6.250000e-02 : f32
      %mul3A_728 = vector.broadcast %mul3A_727 : f32 to vector<16xf32>
      %mul3A_729 = arith.mulf %add3A_726, %mul3A_728 : vector<16xf32>
      %add3A_730 = arith.constant 1024 : i32
      %add3A_731 = arith.addi %add3A_730, %mul3A_520 : i32
      %swap3A = arith.constant 0 : i32
      %swap3A_732 = arith.index_cast %swap3A : i32 to index
      %swap3A_733 = arith.index_cast %add3A_731 : i32 to index
      %swap3A_734 = tpu.vector_load %arg5[%swap3A_732, %swap3A_733] {strides = array<i32>} : memref<1x2048xf32, #tpu.memory_space<vmem>>, vector<1x16xf32>,
      %swap3A_735 = vector.shape_cast %swap3A_734 : vector<1x16xf32> to vector<16xf32>
      %swap3A_736 = vector.shape_cast %mul3A_729 : vector<16xf32> to vector<1x16xf32>
      tpu.vector_store %arg5[%swap3A_732, %swap3A_733], %swap3A_736 {strides = array<i32>} : memref<1x2048xf32, #tpu.memory_space<vmem>>, vector<1x16xf32>,
    }
    %scan3A_265 = arith.constant 32 : i32
    %scan3A_266 = arith.constant 0 : i32
    %scan3A_267 = arith.constant 1 : i32
    %scan3A_268 = arith.constant 0 : i32
    %scan3A_269 = arith.constant 32 : i32
    %scan3A_270 = arith.addi %scan3A_268, %scan3A_269 : i32
    %scan3A_271 = arith.constant 1 : i32
    scf.for %scan3A_518 = %scan3A_268 to %scan3A_270 step %scan3A_271  : i32 {
      %mul3A_519 = arith.constant 16 : i32
      %mul3A_520 = arith.muli %scan3A_518, %mul3A_519 : i32
      %get3A = arith.constant 0 : i32
      %get3A_521 = arith.constant 16 : i32
      %get3A_522 = arith.constant 0 : i32
      %get3A_523 = arith.constant 0 : i32
      %get3A_524 = arith.constant 0 : i32
      %get3A_525 = tpu.memref_slice %arg4[%scan3A_267, %get3A_522, %get3A_523, %get3A_524] : memref<4x1x32x512xf32, #tpu.memory_space<vmem>> -> memref<1x1x32x512xf32, #tpu.memory_space<vmem>>
      %get3A_526 = tpu.memref_squeeze %get3A_525 : memref<1x1x32x512xf32, #tpu.memory_space<vmem>> -> memref<1x32x512xf32, #tpu.memory_space<vmem>>
      %get3A_527 = arith.index_cast %get3A : i32 to index
      %get3A_528 = arith.index_cast %get3A_521 : i32 to index
      %get3A_529 = arith.index_cast %mul3A_520 : i32 to index
      %get3A_530 = tpu.vector_load %get3A_526[%get3A_527, %get3A_528, %get3A_529] {strides = array<i32>} : memref<1x32x512xf32, #tpu.memory_space<vmem>>, vector<1x1x16xf32>,
      %get3A_531 = vector.shape_cast %get3A_530 : vector<1x1x16xf32> to vector<16xf32>
      %get3A_532 = arith.constant 0 : i32
      %get3A_533 = arith.constant 17 : i32
      %get3A_534 = arith.constant 0 : i32
      %get3A_535 = arith.constant 0 : i32
      %get3A_536 = arith.constant 0 : i32
      %get3A_537 = tpu.memref_slice %arg4[%scan3A_267, %get3A_534, %get3A_535, %get3A_536] : memref<4x1x32x512xf32, #tpu.memory_space<vmem>> -> memref<1x1x32x512xf32, #tpu.memory_space<vmem>>
      %get3A_538 = tpu.memref_squeeze %get3A_537 : memref<1x1x32x512xf32, #tpu.memory_space<vmem>> -> memref<1x32x512xf32, #tpu.memory_space<vmem>>
      %get3A_539 = arith.index_cast %get3A_532 : i32 to index
      %get3A_540 = arith.index_cast %get3A_533 : i32 to index
      %get3A_541 = arith.index_cast %mul3A_520 : i32 to index
      %get3A_542 = tpu.vector_load %get3A_538[%get3A_539, %get3A_540, %get3A_541] {strides = array<i32>} : memref<1x32x512xf32, #tpu.memory_space<vmem>>, vector<1x1x16xf32>,
      %get3A_543 = vector.shape_cast %get3A_542 : vector<1x1x16xf32> to vector<16xf32>
      %add3A_544 = arith.addf %get3A_531, %get3A_543 : vector<16xf32>
      %get3A_545 = arith.constant 0 : i32
      %get3A_546 = arith.constant 18 : i32
      %get3A_547 = arith.constant 0 : i32
      %get3A_548 = arith.constant 0 : i32
      %get3A_549 = arith.constant 0 : i32
      %get3A_550 = tpu.memref_slice %arg4[%scan3A_267, %get3A_547, %get3A_548, %get3A_549] : memref<4x1x32x512xf32, #tpu.memory_space<vmem>> -> memref<1x1x32x512xf32, #tpu.memory_space<vmem>>
      %get3A_551 = tpu.memref_squeeze %get3A_550 : memref<1x1x32x512xf32, #tpu.memory_space<vmem>> -> memref<1x32x512xf32, #tpu.memory_space<vmem>>
      %get3A_552 = arith.index_cast %get3A_545 : i32 to index
      %get3A_553 = arith.index_cast %get3A_546 : i32 to index
      %get3A_554 = arith.index_cast %mul3A_520 : i32 to index
      %get3A_555 = tpu.vector_load %get3A_551[%get3A_552, %get3A_553, %get3A_554] {strides = array<i32>} : memref<1x32x512xf32, #tpu.memory_space<vmem>>, vector<1x1x16xf32>,
      %get3A_556 = vector.shape_cast %get3A_555 : vector<1x1x16xf32> to vector<16xf32>
      %add3A_557 = arith.addf %add3A_544, %get3A_556 : vector<16xf32>
      %get3A_558 = arith.constant 0 : i32
      %get3A_559 = arith.constant 19 : i32
      %get3A_560 = arith.constant 0 : i32
      %get3A_561 = arith.constant 0 : i32
      %get3A_562 = arith.constant 0 : i32
      %get3A_563 = tpu.memref_slice %arg4[%scan3A_267, %get3A_560, %get3A_561, %get3A_562] : memref<4x1x32x512xf32, #tpu.memory_space<vmem>> -> memref<1x1x32x512xf32, #tpu.memory_space<vmem>>
      %get3A_564 = tpu.memref_squeeze %get3A_563 : memref<1x1x32x512xf32, #tpu.memory_space<vmem>> -> memref<1x32x512xf32, #tpu.memory_space<vmem>>
      %get3A_565 = arith.index_cast %get3A_558 : i32 to index
      %get3A_566 = arith.index_cast %get3A_559 : i32 to index
      %get3A_567 = arith.index_cast %mul3A_520 : i32 to index
      %get3A_568 = tpu.vector_load %get3A_564[%get3A_565, %get3A_566, %get3A_567] {strides = array<i32>} : memref<1x32x512xf32, #tpu.memory_space<vmem>>, vector<1x1x16xf32>,
      %get3A_569 = vector.shape_cast %get3A_568 : vector<1x1x16xf32> to vector<16xf32>
      %add3A_570 = arith.addf %add3A_557, %get3A_569 : vector<16xf32>
      %get3A_571 = arith.constant 0 : i32
      %get3A_572 = arith.constant 20 : i32
      %get3A_573 = arith.constant 0 : i32
      %get3A_574 = arith.constant 0 : i32
      %get3A_575 = arith.constant 0 : i32
      %get3A_576 = tpu.memref_slice %arg4[%scan3A_267, %get3A_573, %get3A_574, %get3A_575] : memref<4x1x32x512xf32, #tpu.memory_space<vmem>> -> memref<1x1x32x512xf32, #tpu.memory_space<vmem>>
      %get3A_577 = tpu.memref_squeeze %get3A_576 : memref<1x1x32x512xf32, #tpu.memory_space<vmem>> -> memref<1x32x512xf32, #tpu.memory_space<vmem>>
      %get3A_578 = arith.index_cast %get3A_571 : i32 to index
      %get3A_579 = arith.index_cast %get3A_572 : i32 to index
      %get3A_580 = arith.index_cast %mul3A_520 : i32 to index
      %get3A_581 = tpu.vector_load %get3A_577[%get3A_578, %get3A_579, %get3A_580] {strides = array<i32>} : memref<1x32x512xf32, #tpu.memory_space<vmem>>, vector<1x1x16xf32>,
      %get3A_582 = vector.shape_cast %get3A_581 : vector<1x1x16xf32> to vector<16xf32>
      %add3A_583 = arith.addf %add3A_570, %get3A_582 : vector<16xf32>
      %get3A_584 = arith.constant 0 : i32
      %get3A_585 = arith.constant 21 : i32
      %get3A_586 = arith.constant 0 : i32
      %get3A_587 = arith.constant 0 : i32
      %get3A_588 = arith.constant 0 : i32
      %get3A_589 = tpu.memref_slice %arg4[%scan3A_267, %get3A_586, %get3A_587, %get3A_588] : memref<4x1x32x512xf32, #tpu.memory_space<vmem>> -> memref<1x1x32x512xf32, #tpu.memory_space<vmem>>
      %get3A_590 = tpu.memref_squeeze %get3A_589 : memref<1x1x32x512xf32, #tpu.memory_space<vmem>> -> memref<1x32x512xf32, #tpu.memory_space<vmem>>
      %get3A_591 = arith.index_cast %get3A_584 : i32 to index
      %get3A_592 = arith.index_cast %get3A_585 : i32 to index
      %get3A_593 = arith.index_cast %mul3A_520 : i32 to index
      %get3A_594 = tpu.vector_load %get3A_590[%get3A_591, %get3A_592, %get3A_593] {strides = array<i32>} : memref<1x32x512xf32, #tpu.memory_space<vmem>>, vector<1x1x16xf32>,
      %get3A_595 = vector.shape_cast %get3A_594 : vector<1x1x16xf32> to vector<16xf32>
      %add3A_596 = arith.addf %add3A_583, %get3A_595 : vector<16xf32>
      %get3A_597 = arith.constant 0 : i32
      %get3A_598 = arith.constant 22 : i32
      %get3A_599 = arith.constant 0 : i32
      %get3A_600 = arith.constant 0 : i32
      %get3A_601 = arith.constant 0 : i32
      %get3A_602 = tpu.memref_slice %arg4[%scan3A_267, %get3A_599, %get3A_600, %get3A_601] : memref<4x1x32x512xf32, #tpu.memory_space<vmem>> -> memref<1x1x32x512xf32, #tpu.memory_space<vmem>>
      %get3A_603 = tpu.memref_squeeze %get3A_602 : memref<1x1x32x512xf32, #tpu.memory_space<vmem>> -> memref<1x32x512xf32, #tpu.memory_space<vmem>>
      %get3A_604 = arith.index_cast %get3A_597 : i32 to index
      %get3A_605 = arith.index_cast %get3A_598 : i32 to index
      %get3A_606 = arith.index_cast %mul3A_520 : i32 to index
      %get3A_607 = tpu.vector_load %get3A_603[%get3A_604, %get3A_605, %get3A_606] {strides = array<i32>} : memref<1x32x512xf32, #tpu.memory_space<vmem>>, vector<1x1x16xf32>,
      %get3A_608 = vector.shape_cast %get3A_607 : vector<1x1x16xf32> to vector<16xf32>
      %add3A_609 = arith.addf %add3A_596, %get3A_608 : vector<16xf32>
      %get3A_610 = arith.constant 0 : i32
      %get3A_611 = arith.constant 23 : i32
      %get3A_612 = arith.constant 0 : i32
      %get3A_613 = arith.constant 0 : i32
      %get3A_614 = arith.constant 0 : i32
      %get3A_615 = tpu.memref_slice %arg4[%scan3A_267, %get3A_612, %get3A_613, %get3A_614] : memref<4x1x32x512xf32, #tpu.memory_space<vmem>> -> memref<1x1x32x512xf32, #tpu.memory_space<vmem>>
      %get3A_616 = tpu.memref_squeeze %get3A_615 : memref<1x1x32x512xf32, #tpu.memory_space<vmem>> -> memref<1x32x512xf32, #tpu.memory_space<vmem>>
      %get3A_617 = arith.index_cast %get3A_610 : i32 to index
      %get3A_618 = arith.index_cast %get3A_611 : i32 to index
      %get3A_619 = arith.index_cast %mul3A_520 : i32 to index
      %get3A_620 = tpu.vector_load %get3A_616[%get3A_617, %get3A_618, %get3A_619] {strides = array<i32>} : memref<1x32x512xf32, #tpu.memory_space<vmem>>, vector<1x1x16xf32>,
      %get3A_621 = vector.shape_cast %get3A_620 : vector<1x1x16xf32> to vector<16xf32>
      %add3A_622 = arith.addf %add3A_609, %get3A_621 : vector<16xf32>
      %get3A_623 = arith.constant 0 : i32
      %get3A_624 = arith.constant 24 : i32
      %get3A_625 = arith.constant 0 : i32
      %get3A_626 = arith.constant 0 : i32
      %get3A_627 = arith.constant 0 : i32
      %get3A_628 = tpu.memref_slice %arg4[%scan3A_267, %get3A_625, %get3A_626, %get3A_627] : memref<4x1x32x512xf32, #tpu.memory_space<vmem>> -> memref<1x1x32x512xf32, #tpu.memory_space<vmem>>
      %get3A_629 = tpu.memref_squeeze %get3A_628 : memref<1x1x32x512xf32, #tpu.memory_space<vmem>> -> memref<1x32x512xf32, #tpu.memory_space<vmem>>
      %get3A_630 = arith.index_cast %get3A_623 : i32 to index
      %get3A_631 = arith.index_cast %get3A_624 : i32 to index
      %get3A_632 = arith.index_cast %mul3A_520 : i32 to index
      %get3A_633 = tpu.vector_load %get3A_629[%get3A_630, %get3A_631, %get3A_632] {strides = array<i32>} : memref<1x32x512xf32, #tpu.memory_space<vmem>>, vector<1x1x16xf32>,
      %get3A_634 = vector.shape_cast %get3A_633 : vector<1x1x16xf32> to vector<16xf32>
      %add3A_635 = arith.addf %add3A_622, %get3A_634 : vector<16xf32>
      %get3A_636 = arith.constant 0 : i32
      %get3A_637 = arith.constant 25 : i32
      %get3A_638 = arith.constant 0 : i32
      %get3A_639 = arith.constant 0 : i32
      %get3A_640 = arith.constant 0 : i32
      %get3A_641 = tpu.memref_slice %arg4[%scan3A_267, %get3A_638, %get3A_639, %get3A_640] : memref<4x1x32x512xf32, #tpu.memory_space<vmem>> -> memref<1x1x32x512xf32, #tpu.memory_space<vmem>>
      %get3A_642 = tpu.memref_squeeze %get3A_641 : memref<1x1x32x512xf32, #tpu.memory_space<vmem>> -> memref<1x32x512xf32, #tpu.memory_space<vmem>>
      %get3A_643 = arith.index_cast %get3A_636 : i32 to index
      %get3A_644 = arith.index_cast %get3A_637 : i32 to index
      %get3A_645 = arith.index_cast %mul3A_520 : i32 to index
      %get3A_646 = tpu.vector_load %get3A_642[%get3A_643, %get3A_644, %get3A_645] {strides = array<i32>} : memref<1x32x512xf32, #tpu.memory_space<vmem>>, vector<1x1x16xf32>,
      %get3A_647 = vector.shape_cast %get3A_646 : vector<1x1x16xf32> to vector<16xf32>
      %add3A_648 = arith.addf %add3A_635, %get3A_647 : vector<16xf32>
      %get3A_649 = arith.constant 0 : i32
      %get3A_650 = arith.constant 26 : i32
      %get3A_651 = arith.constant 0 : i32
      %get3A_652 = arith.constant 0 : i32
      %get3A_653 = arith.constant 0 : i32
      %get3A_654 = tpu.memref_slice %arg4[%scan3A_267, %get3A_651, %get3A_652, %get3A_653] : memref<4x1x32x512xf32, #tpu.memory_space<vmem>> -> memref<1x1x32x512xf32, #tpu.memory_space<vmem>>
      %get3A_655 = tpu.memref_squeeze %get3A_654 : memref<1x1x32x512xf32, #tpu.memory_space<vmem>> -> memref<1x32x512xf32, #tpu.memory_space<vmem>>
      %get3A_656 = arith.index_cast %get3A_649 : i32 to index
      %get3A_657 = arith.index_cast %get3A_650 : i32 to index
      %get3A_658 = arith.index_cast %mul3A_520 : i32 to index
      %get3A_659 = tpu.vector_load %get3A_655[%get3A_656, %get3A_657, %get3A_658] {strides = array<i32>} : memref<1x32x512xf32, #tpu.memory_space<vmem>>, vector<1x1x16xf32>,
      %get3A_660 = vector.shape_cast %get3A_659 : vector<1x1x16xf32> to vector<16xf32>
      %add3A_661 = arith.addf %add3A_648, %get3A_660 : vector<16xf32>
      %get3A_662 = arith.constant 0 : i32
      %get3A_663 = arith.constant 27 : i32
      %get3A_664 = arith.constant 0 : i32
      %get3A_665 = arith.constant 0 : i32
      %get3A_666 = arith.constant 0 : i32
      %get3A_667 = tpu.memref_slice %arg4[%scan3A_267, %get3A_664, %get3A_665, %get3A_666] : memref<4x1x32x512xf32, #tpu.memory_space<vmem>> -> memref<1x1x32x512xf32, #tpu.memory_space<vmem>>
      %get3A_668 = tpu.memref_squeeze %get3A_667 : memref<1x1x32x512xf32, #tpu.memory_space<vmem>> -> memref<1x32x512xf32, #tpu.memory_space<vmem>>
      %get3A_669 = arith.index_cast %get3A_662 : i32 to index
      %get3A_670 = arith.index_cast %get3A_663 : i32 to index
      %get3A_671 = arith.index_cast %mul3A_520 : i32 to index
      %get3A_672 = tpu.vector_load %get3A_668[%get3A_669, %get3A_670, %get3A_671] {strides = array<i32>} : memref<1x32x512xf32, #tpu.memory_space<vmem>>, vector<1x1x16xf32>,
      %get3A_673 = vector.shape_cast %get3A_672 : vector<1x1x16xf32> to vector<16xf32>
      %add3A_674 = arith.addf %add3A_661, %get3A_673 : vector<16xf32>
      %get3A_675 = arith.constant 0 : i32
      %get3A_676 = arith.constant 28 : i32
      %get3A_677 = arith.constant 0 : i32
      %get3A_678 = arith.constant 0 : i32
      %get3A_679 = arith.constant 0 : i32
      %get3A_680 = tpu.memref_slice %arg4[%scan3A_267, %get3A_677, %get3A_678, %get3A_679] : memref<4x1x32x512xf32, #tpu.memory_space<vmem>> -> memref<1x1x32x512xf32, #tpu.memory_space<vmem>>
      %get3A_681 = tpu.memref_squeeze %get3A_680 : memref<1x1x32x512xf32, #tpu.memory_space<vmem>> -> memref<1x32x512xf32, #tpu.memory_space<vmem>>
      %get3A_682 = arith.index_cast %get3A_675 : i32 to index
      %get3A_683 = arith.index_cast %get3A_676 : i32 to index
      %get3A_684 = arith.index_cast %mul3A_520 : i32 to index
      %get3A_685 = tpu.vector_load %get3A_681[%get3A_682, %get3A_683, %get3A_684] {strides = array<i32>} : memref<1x32x512xf32, #tpu.memory_space<vmem>>, vector<1x1x16xf32>,
      %get3A_686 = vector.shape_cast %get3A_685 : vector<1x1x16xf32> to vector<16xf32>
      %add3A_687 = arith.addf %add3A_674, %get3A_686 : vector<16xf32>
      %get3A_688 = arith.constant 0 : i32
      %get3A_689 = arith.constant 29 : i32
      %get3A_690 = arith.constant 0 : i32
      %get3A_691 = arith.constant 0 : i32
      %get3A_692 = arith.constant 0 : i32
      %get3A_693 = tpu.memref_slice %arg4[%scan3A_267, %get3A_690, %get3A_691, %get3A_692] : memref<4x1x32x512xf32, #tpu.memory_space<vmem>> -> memref<1x1x32x512xf32, #tpu.memory_space<vmem>>
      %get3A_694 = tpu.memref_squeeze %get3A_693 : memref<1x1x32x512xf32, #tpu.memory_space<vmem>> -> memref<1x32x512xf32, #tpu.memory_space<vmem>>
      %get3A_695 = arith.index_cast %get3A_688 : i32 to index
      %get3A_696 = arith.index_cast %get3A_689 : i32 to index
      %get3A_697 = arith.index_cast %mul3A_520 : i32 to index
      %get3A_698 = tpu.vector_load %get3A_694[%get3A_695, %get3A_696, %get3A_697] {strides = array<i32>} : memref<1x32x512xf32, #tpu.memory_space<vmem>>, vector<1x1x16xf32>,
      %get3A_699 = vector.shape_cast %get3A_698 : vector<1x1x16xf32> to vector<16xf32>
      %add3A_700 = arith.addf %add3A_687, %get3A_699 : vector<16xf32>
      %get3A_701 = arith.constant 0 : i32
      %get3A_702 = arith.constant 30 : i32
      %get3A_703 = arith.constant 0 : i32
      %get3A_704 = arith.constant 0 : i32
      %get3A_705 = arith.constant 0 : i32
      %get3A_706 = tpu.memref_slice %arg4[%scan3A_267, %get3A_703, %get3A_704, %get3A_705] : memref<4x1x32x512xf32, #tpu.memory_space<vmem>> -> memref<1x1x32x512xf32, #tpu.memory_space<vmem>>
      %get3A_707 = tpu.memref_squeeze %get3A_706 : memref<1x1x32x512xf32, #tpu.memory_space<vmem>> -> memref<1x32x512xf32, #tpu.memory_space<vmem>>
      %get3A_708 = arith.index_cast %get3A_701 : i32 to index
      %get3A_709 = arith.index_cast %get3A_702 : i32 to index
      %get3A_710 = arith.index_cast %mul3A_520 : i32 to index
      %get3A_711 = tpu.vector_load %get3A_707[%get3A_708, %get3A_709, %get3A_710] {strides = array<i32>} : memref<1x32x512xf32, #tpu.memory_space<vmem>>, vector<1x1x16xf32>,
      %get3A_712 = vector.shape_cast %get3A_711 : vector<1x1x16xf32> to vector<16xf32>
      %add3A_713 = arith.addf %add3A_700, %get3A_712 : vector<16xf32>
      %get3A_714 = arith.constant 0 : i32
      %get3A_715 = arith.constant 31 : i32
      %get3A_716 = arith.constant 0 : i32
      %get3A_717 = arith.constant 0 : i32
      %get3A_718 = arith.constant 0 : i32
      %get3A_719 = tpu.memref_slice %arg4[%scan3A_267, %get3A_716, %get3A_717, %get3A_718] : memref<4x1x32x512xf32, #tpu.memory_space<vmem>> -> memref<1x1x32x512xf32, #tpu.memory_space<vmem>>
      %get3A_720 = tpu.memref_squeeze %get3A_719 : memref<1x1x32x512xf32, #tpu.memory_space<vmem>> -> memref<1x32x512xf32, #tpu.memory_space<vmem>>
      %get3A_721 = arith.index_cast %get3A_714 : i32 to index
      %get3A_722 = arith.index_cast %get3A_715 : i32 to index
      %get3A_723 = arith.index_cast %mul3A_520 : i32 to index
      %get3A_724 = tpu.vector_load %get3A_720[%get3A_721, %get3A_722, %get3A_723] {strides = array<i32>} : memref<1x32x512xf32, #tpu.memory_space<vmem>>, vector<1x1x16xf32>,
      %get3A_725 = vector.shape_cast %get3A_724 : vector<1x1x16xf32> to vector<16xf32>
      %add3A_726 = arith.addf %add3A_713, %get3A_725 : vector<16xf32>
      %mul3A_727 = arith.constant 6.250000e-02 : f32
      %mul3A_728 = vector.broadcast %mul3A_727 : f32 to vector<16xf32>
      %mul3A_729 = arith.mulf %add3A_726, %mul3A_728 : vector<16xf32>
      %add3A_730 = arith.constant 1536 : i32
      %add3A_731 = arith.addi %add3A_730, %mul3A_520 : i32
      %swap3A = arith.constant 0 : i32
      %swap3A_732 = arith.index_cast %swap3A : i32 to index
      %swap3A_733 = arith.index_cast %add3A_731 : i32 to index
      %swap3A_734 = tpu.vector_load %arg5[%swap3A_732, %swap3A_733] {strides = array<i32>} : memref<1x2048xf32, #tpu.memory_space<vmem>>, vector<1x16xf32>,
      %swap3A_735 = vector.shape_cast %swap3A_734 : vector<1x16xf32> to vector<16xf32>
      %swap3A_736 = vector.shape_cast %mul3A_729 : vector<16xf32> to vector<1x16xf32>
      tpu.vector_store %arg5[%swap3A_732, %swap3A_733], %swap3A_736 {strides = array<i32>} : memref<1x2048xf32, #tpu.memory_space<vmem>>, vector<1x16xf32>,
    }
    %scan3A_272 = arith.constant 32 : i32
    %sub3A_273 = arith.constant 448 : i32
    %sub3A_274 = arith.subi %add3A_258, %sub3A_273 : i32
    %dma_start3A_275 = arith.constant 0 : i32
    %dma_start3A_276 = tpu.memref_slice %arg3[%sub3A_274, %dma_start3A_275] : memref<64x2048xf32, #tpu.memory_space<hbm>> -> memref<1x2048xf32, #tpu.memory_space<hbm>>
    %dma_start3A_277 = arith.constant 0 : i32
    %dma_start3A_278 = tpu.memref_slice %arg3[%sub3A_274, %dma_start3A_277] : memref<64x2048xf32, #tpu.memory_space<hbm>> -> memref<1x2048xf32, #tpu.memory_space<hbm>>
    tpu.enqueue_dma source(%arg5 : memref<1x2048xf32, #tpu.memory_space<vmem>>) target(%dma_start3A_278 : memref<1x2048xf32, #tpu.memory_space<hbm>>) target_semaphore(%arg10 : memref<!tpu.dma_semaphore, #tpu.memory_space<semaphore_mem>>)
    %dma_wait3A_279 = arith.constant 0 : i32
    %dma_wait3A_280 = tpu.memref_slice %arg3[%sub3A_274, %dma_wait3A_279] : memref<64x2048xf32, #tpu.memory_space<hbm>> -> memref<1x2048xf32, #tpu.memory_space<hbm>>
    %dma_wait3A_281 = arith.constant 0 : i32
    %dma_wait3A_282 = tpu.memref_slice %arg3[%sub3A_274, %dma_wait3A_281] : memref<64x2048xf32, #tpu.memory_space<hbm>> -> memref<1x2048xf32, #tpu.memory_space<hbm>>
    tpu.wait_dma2 semaphore(%arg10 : memref<!tpu.dma_semaphore, #tpu.memory_space<semaphore_mem>>) src(%arg5 : memref<1x2048xf32, #tpu.memory_space<vmem>>) dst(%dma_wait3A_282 : memref<1x2048xf32, #tpu.memory_space<hbm>>)
    %mul3A_283 = arith.constant 4 : i32
    %mul3A_284 = arith.muli %mul3A_283, %scan3A_61 : i32
    %add3A_285 = arith.constant 2 : i32
    %add3A_286 = arith.addi %mul3A_284, %add3A_285 : i32
    %add3A_287 = arith.constant 3 : i32
    %add3A_288 = arith.addi %add3A_286, %add3A_287 : i32
    %lt3A_289 = arith.constant 4 : i32
    %lt3A_290 = arith.cmpi slt, %add3A_288, %lt3A_289 : i32
    %convert_element_type3A_291 = arith.extui %lt3A_290 : i1 to i32
    %cond3A_292 = arith.constant 0 : i32
    %cond3A_293 = arith.cmpi ne, %convert_element_type3A_291, %cond3A_292 : i32
    scf.if %cond3A_293 {
      %add3A_518 = arith.constant 3 : i32
      %add3A_519 = arith.addi %add3A_286, %add3A_518 : i32
      %jit3A_520 = arith.constant 2 : i32
      %div3A_521 = arith.divsi %add3A_519, %jit3A_520 : i32
      %sign3A_522 = arith.constant 0 : i32
      %sign3A_523 = arith.cmpi sgt, %add3A_519, %sign3A_522 : i32
      %sign3A_524 = arith.extui %sign3A_523 : i1 to i32
      %sign3A_525 = arith.constant 0 : i32
      %sign3A_526 = arith.cmpi slt, %add3A_519, %sign3A_525 : i32
      %sign3A_527 = arith.extui %sign3A_526 : i1 to i32
      %sign3A_528 = arith.subi %sign3A_524, %sign3A_527 : i32
      %sign3A_529 = arith.constant 0 : i32
      %sign3A_530 = arith.cmpi sgt, %jit3A_520, %sign3A_529 : i32
      %sign3A_531 = arith.extui %sign3A_530 : i1 to i32
      %sign3A_532 = arith.constant 0 : i32
      %sign3A_533 = arith.cmpi slt, %jit3A_520, %sign3A_532 : i32
      %sign3A_534 = arith.extui %sign3A_533 : i1 to i32
      %sign3A_535 = arith.subi %sign3A_531, %sign3A_534 : i32
      %ne3A_536 = arith.cmpi ne, %sign3A_528, %sign3A_535 : i32
      %rem3A_537 = arith.remsi %add3A_519, %jit3A_520 : i32
      %ne3A_538 = arith.constant 0 : i32
      %ne3A_539 = arith.cmpi ne, %rem3A_537, %ne3A_538 : i32
      %and3A_540 = arith.andi %ne3A_536, %ne3A_539 : i1
      %sub3A_541 = arith.constant 1 : i32
      %sub3A_542 = arith.subi %div3A_521, %sub3A_541 : i32
      %select_n3A_543 = arith.select %and3A_540, %sub3A_542, %div3A_521 : i32
      %add3A_544 = arith.addi %add3A_4, %select_n3A_543 : i32
      %jit3A_545 = arith.constant 2 : i32
      %eq3A_546 = arith.constant 0 : i32
      %eq3A_547 = arith.cmpi eq, %jit3A_545, %eq3A_546 : i32
      %jit3A_548 = arith.constant 1 : i32
      %select_n3A_549 = arith.select %eq3A_547, %jit3A_548, %jit3A_545 : i32
      %rem3A_550 = arith.remsi %add3A_519, %select_n3A_549 : i32
      %ne3A_551 = arith.constant 0 : i32
      %ne3A_552 = arith.cmpi ne, %rem3A_550, %ne3A_551 : i32
      %lt3A_553 = arith.constant 0 : i32
      %lt3A_554 = arith.cmpi slt, %rem3A_550, %lt3A_553 : i32
      %lt3A_555 = arith.constant 0 : i32
      %lt3A_556 = arith.cmpi slt, %select_n3A_549, %lt3A_555 : i32
      %ne3A_557 = arith.xori %lt3A_554, %lt3A_556 : i1
      %and3A_558 = arith.andi %ne3A_557, %ne3A_552 : i1
      %add3A_559 = arith.addi %rem3A_550, %select_n3A_549 : i32
      %select_n3A_560 = arith.select %and3A_558, %add3A_559, %rem3A_550 : i32
      %mul3A_561 = arith.constant 32 : i32
      %mul3A_562 = arith.muli %select_n3A_560, %mul3A_561 : i32
      %dma_start3A_563 = arith.constant 1 : i32
      %dma_start3A_564 = arith.constant 0 : i32
      %dma_start3A_565 = arith.constant 0 : i32
      %dma_start3A_566 = arith.constant 0 : i32
      %dma_start3A_567 = tpu.memref_slice %arg4[%dma_start3A_563, %dma_start3A_564, %dma_start3A_565, %dma_start3A_566] : memref<4x1x32x512xf32, #tpu.memory_space<vmem>> -> memref<1x1x32x512xf32, #tpu.memory_space<vmem>>
      %dma_start3A_568 = tpu.memref_squeeze %dma_start3A_567 : memref<1x1x32x512xf32, #tpu.memory_space<vmem>> -> memref<1x32x512xf32, #tpu.memory_space<vmem>>
      %dma_start3A_569 = arith.constant 0 : i32
      %dma_start3A_570 = tpu.memref_slice %arg2[%add3A_544, %mul3A_562, %dma_start3A_569] : memref<512x64x512xf32, #tpu.memory_space<hbm>> -> memref<1x32x512xf32, #tpu.memory_space<hbm>>
      %dma_start3A_571 = arith.constant 0 : i32
      %dma_start3A_572 = arith.constant 0 : i32
      %dma_start3A_573 = arith.constant 0 : i32
      %dma_start3A_574 = tpu.memref_slice %arg4[%dma_start3A_563, %dma_start3A_571, %dma_start3A_572, %dma_start3A_573] : memref<4x1x32x512xf32, #tpu.memory_space<vmem>> -> memref<1x1x32x512xf32, #tpu.memory_space<vmem>>
      %dma_start3A_575 = tpu.memref_squeeze %dma_start3A_574 : memref<1x1x32x512xf32, #tpu.memory_space<vmem>> -> memref<1x32x512xf32, #tpu.memory_space<vmem>>
      %dma_start3A_576 = arith.constant 0 : i32
      %dma_start3A_577 = tpu.memref_slice %arg2[%add3A_544, %mul3A_562, %dma_start3A_576] : memref<512x64x512xf32, #tpu.memory_space<hbm>> -> memref<1x32x512xf32, #tpu.memory_space<hbm>>
      tpu.enqueue_dma source(%dma_start3A_577 : memref<1x32x512xf32, #tpu.memory_space<hbm>>) target(%dma_start3A_575 : memref<1x32x512xf32, #tpu.memory_space<vmem>>) target_semaphore(%arg7 : memref<!tpu.dma_semaphore, #tpu.memory_space<semaphore_mem>>)
    } else {
    }
    %jit3A_294 = arith.constant 2 : i32
    %div3A_295 = arith.divsi %add3A_286, %jit3A_294 : i32
    %sign3A_296 = arith.constant 0 : i32
    %sign3A_297 = arith.cmpi sgt, %add3A_286, %sign3A_296 : i32
    %sign3A_298 = arith.extui %sign3A_297 : i1 to i32
    %sign3A_299 = arith.constant 0 : i32
    %sign3A_300 = arith.cmpi slt, %add3A_286, %sign3A_299 : i32
    %sign3A_301 = arith.extui %sign3A_300 : i1 to i32
    %sign3A_302 = arith.subi %sign3A_298, %sign3A_301 : i32
    %sign3A_303 = arith.constant 0 : i32
    %sign3A_304 = arith.cmpi sgt, %jit3A_294, %sign3A_303 : i32
    %sign3A_305 = arith.extui %sign3A_304 : i1 to i32
    %sign3A_306 = arith.constant 0 : i32
    %sign3A_307 = arith.cmpi slt, %jit3A_294, %sign3A_306 : i32
    %sign3A_308 = arith.extui %sign3A_307 : i1 to i32
    %sign3A_309 = arith.subi %sign3A_305, %sign3A_308 : i32
    %ne3A_310 = arith.cmpi ne, %sign3A_302, %sign3A_309 : i32
    %rem3A_311 = arith.remsi %add3A_286, %jit3A_294 : i32
    %ne3A_312 = arith.constant 0 : i32
    %ne3A_313 = arith.cmpi ne, %rem3A_311, %ne3A_312 : i32
    %and3A_314 = arith.andi %ne3A_310, %ne3A_313 : i1
    %sub3A_315 = arith.constant 1 : i32
    %sub3A_316 = arith.subi %div3A_295, %sub3A_315 : i32
    %select_n3A_317 = arith.select %and3A_314, %sub3A_316, %div3A_295 : i32
    %add3A_318 = arith.addi %add3A_4, %select_n3A_317 : i32
    %jit3A_319 = arith.constant 2 : i32
    %eq3A_320 = arith.constant 0 : i32
    %eq3A_321 = arith.cmpi eq, %jit3A_319, %eq3A_320 : i32
    %jit3A_322 = arith.constant 1 : i32
    %select_n3A_323 = arith.select %eq3A_321, %jit3A_322, %jit3A_319 : i32
    %rem3A_324 = arith.remsi %add3A_286, %select_n3A_323 : i32
    %ne3A_325 = arith.constant 0 : i32
    %ne3A_326 = arith.cmpi ne, %rem3A_324, %ne3A_325 : i32
    %lt3A_327 = arith.constant 0 : i32
    %lt3A_328 = arith.cmpi slt, %rem3A_324, %lt3A_327 : i32
    %lt3A_329 = arith.constant 0 : i32
    %lt3A_330 = arith.cmpi slt, %select_n3A_323, %lt3A_329 : i32
    %ne3A_331 = arith.xori %lt3A_328, %lt3A_330 : i1
    %and3A_332 = arith.andi %ne3A_331, %ne3A_326 : i1
    %add3A_333 = arith.addi %rem3A_324, %select_n3A_323 : i32
    %select_n3A_334 = arith.select %and3A_332, %add3A_333, %rem3A_324 : i32
    %mul3A_335 = arith.constant 32 : i32
    %mul3A_336 = arith.muli %select_n3A_334, %mul3A_335 : i32
    %dma_wait3A_337 = arith.constant 2 : i32
    %dma_wait3A_338 = arith.constant 0 : i32
    %dma_wait3A_339 = arith.constant 0 : i32
    %dma_wait3A_340 = arith.constant 0 : i32
    %dma_wait3A_341 = tpu.memref_slice %arg4[%dma_wait3A_337, %dma_wait3A_338, %dma_wait3A_339, %dma_wait3A_340] : memref<4x1x32x512xf32, #tpu.memory_space<vmem>> -> memref<1x1x32x512xf32, #tpu.memory_space<vmem>>
    %dma_wait3A_342 = tpu.memref_squeeze %dma_wait3A_341 : memref<1x1x32x512xf32, #tpu.memory_space<vmem>> -> memref<1x32x512xf32, #tpu.memory_space<vmem>>
    %dma_wait3A_343 = arith.constant 0 : i32
    %dma_wait3A_344 = tpu.memref_slice %arg2[%add3A_318, %mul3A_336, %dma_wait3A_343] : memref<512x64x512xf32, #tpu.memory_space<hbm>> -> memref<1x32x512xf32, #tpu.memory_space<hbm>>
    %dma_wait3A_345 = arith.constant 0 : i32
    %dma_wait3A_346 = arith.constant 0 : i32
    %dma_wait3A_347 = arith.constant 0 : i32
    %dma_wait3A_348 = tpu.memref_slice %arg4[%dma_wait3A_337, %dma_wait3A_345, %dma_wait3A_346, %dma_wait3A_347] : memref<4x1x32x512xf32, #tpu.memory_space<vmem>> -> memref<1x1x32x512xf32, #tpu.memory_space<vmem>>
    %dma_wait3A_349 = tpu.memref_squeeze %dma_wait3A_348 : memref<1x1x32x512xf32, #tpu.memory_space<vmem>> -> memref<1x32x512xf32, #tpu.memory_space<vmem>>
    %dma_wait3A_350 = arith.constant 0 : i32
    %dma_wait3A_351 = tpu.memref_slice %arg2[%add3A_318, %mul3A_336, %dma_wait3A_350] : memref<512x64x512xf32, #tpu.memory_space<hbm>> -> memref<1x32x512xf32, #tpu.memory_space<hbm>>
    tpu.wait_dma2 semaphore(%arg8 : memref<!tpu.dma_semaphore, #tpu.memory_space<semaphore_mem>>) src(%dma_wait3A_351 : memref<1x32x512xf32, #tpu.memory_space<hbm>>) dst(%dma_wait3A_349 : memref<1x32x512xf32, #tpu.memory_space<vmem>>)
    %mul3A_352 = arith.constant 4 : i32
    %mul3A_353 = arith.muli %mul3A_352, %scan3A_61 : i32
    %add3A_354 = arith.constant 2 : i32
    %add3A_355 = arith.addi %mul3A_353, %add3A_354 : i32
    %jit3A_356 = arith.constant 2 : i32
    %div3A_357 = arith.divsi %add3A_355, %jit3A_356 : i32
    %sign3A_358 = arith.constant 0 : i32
    %sign3A_359 = arith.cmpi sgt, %add3A_355, %sign3A_358 : i32
    %sign3A_360 = arith.extui %sign3A_359 : i1 to i32
    %sign3A_361 = arith.constant 0 : i32
    %sign3A_362 = arith.cmpi slt, %add3A_355, %sign3A_361 : i32
    %sign3A_363 = arith.extui %sign3A_362 : i1 to i32
    %sign3A_364 = arith.subi %sign3A_360, %sign3A_363 : i32
    %sign3A_365 = arith.constant 0 : i32
    %sign3A_366 = arith.cmpi sgt, %jit3A_356, %sign3A_365 : i32
    %sign3A_367 = arith.extui %sign3A_366 : i1 to i32
    %sign3A_368 = arith.constant 0 : i32
    %sign3A_369 = arith.cmpi slt, %jit3A_356, %sign3A_368 : i32
    %sign3A_370 = arith.extui %sign3A_369 : i1 to i32
    %sign3A_371 = arith.subi %sign3A_367, %sign3A_370 : i32
    %ne3A_372 = arith.cmpi ne, %sign3A_364, %sign3A_371 : i32
    %rem3A_373 = arith.remsi %add3A_355, %jit3A_356 : i32
    %ne3A_374 = arith.constant 0 : i32
    %ne3A_375 = arith.cmpi ne, %rem3A_373, %ne3A_374 : i32
    %and3A_376 = arith.andi %ne3A_372, %ne3A_375 : i1
    %sub3A_377 = arith.constant 1 : i32
    %sub3A_378 = arith.subi %div3A_357, %sub3A_377 : i32
    %select_n3A_379 = arith.select %and3A_376, %sub3A_378, %div3A_357 : i32
    %add3A_380 = arith.addi %add3A_4, %select_n3A_379 : i32
    %scan3A_381 = arith.constant 0 : i32
    %scan3A_382 = arith.constant 2 : i32
    %scan3A_383 = arith.constant 0 : i32
    %scan3A_384 = arith.constant 32 : i32
    %scan3A_385 = arith.addi %scan3A_383, %scan3A_384 : i32
    %scan3A_386 = arith.constant 1 : i32
    scf.for %scan3A_518 = %scan3A_383 to %scan3A_385 step %scan3A_386  : i32 {
      %mul3A_519 = arith.constant 16 : i32
      %mul3A_520 = arith.muli %scan3A_518, %mul3A_519 : i32
      %get3A = arith.constant 0 : i32
      %get3A_521 = arith.constant 0 : i32
      %get3A_522 = arith.constant 0 : i32
      %get3A_523 = arith.constant 0 : i32
      %get3A_524 = arith.constant 0 : i32
      %get3A_525 = tpu.memref_slice %arg4[%scan3A_382, %get3A_522, %get3A_523, %get3A_524] : memref<4x1x32x512xf32, #tpu.memory_space<vmem>> -> memref<1x1x32x512xf32, #tpu.memory_space<vmem>>
      %get3A_526 = tpu.memref_squeeze %get3A_525 : memref<1x1x32x512xf32, #tpu.memory_space<vmem>> -> memref<1x32x512xf32, #tpu.memory_space<vmem>>
      %get3A_527 = arith.index_cast %get3A : i32 to index
      %get3A_528 = arith.index_cast %get3A_521 : i32 to index
      %get3A_529 = arith.index_cast %mul3A_520 : i32 to index
      %get3A_530 = tpu.vector_load %get3A_526[%get3A_527, %get3A_528, %get3A_529] {strides = array<i32>} : memref<1x32x512xf32, #tpu.memory_space<vmem>>, vector<1x1x16xf32>,
      %get3A_531 = vector.shape_cast %get3A_530 : vector<1x1x16xf32> to vector<16xf32>
      %get3A_532 = arith.constant 0 : i32
      %get3A_533 = arith.constant 1 : i32
      %get3A_534 = arith.constant 0 : i32
      %get3A_535 = arith.constant 0 : i32
      %get3A_536 = arith.constant 0 : i32
      %get3A_537 = tpu.memref_slice %arg4[%scan3A_382, %get3A_534, %get3A_535, %get3A_536] : memref<4x1x32x512xf32, #tpu.memory_space<vmem>> -> memref<1x1x32x512xf32, #tpu.memory_space<vmem>>
      %get3A_538 = tpu.memref_squeeze %get3A_537 : memref<1x1x32x512xf32, #tpu.memory_space<vmem>> -> memref<1x32x512xf32, #tpu.memory_space<vmem>>
      %get3A_539 = arith.index_cast %get3A_532 : i32 to index
      %get3A_540 = arith.index_cast %get3A_533 : i32 to index
      %get3A_541 = arith.index_cast %mul3A_520 : i32 to index
      %get3A_542 = tpu.vector_load %get3A_538[%get3A_539, %get3A_540, %get3A_541] {strides = array<i32>} : memref<1x32x512xf32, #tpu.memory_space<vmem>>, vector<1x1x16xf32>,
      %get3A_543 = vector.shape_cast %get3A_542 : vector<1x1x16xf32> to vector<16xf32>
      %add3A_544 = arith.addf %get3A_531, %get3A_543 : vector<16xf32>
      %get3A_545 = arith.constant 0 : i32
      %get3A_546 = arith.constant 2 : i32
      %get3A_547 = arith.constant 0 : i32
      %get3A_548 = arith.constant 0 : i32
      %get3A_549 = arith.constant 0 : i32
      %get3A_550 = tpu.memref_slice %arg4[%scan3A_382, %get3A_547, %get3A_548, %get3A_549] : memref<4x1x32x512xf32, #tpu.memory_space<vmem>> -> memref<1x1x32x512xf32, #tpu.memory_space<vmem>>
      %get3A_551 = tpu.memref_squeeze %get3A_550 : memref<1x1x32x512xf32, #tpu.memory_space<vmem>> -> memref<1x32x512xf32, #tpu.memory_space<vmem>>
      %get3A_552 = arith.index_cast %get3A_545 : i32 to index
      %get3A_553 = arith.index_cast %get3A_546 : i32 to index
      %get3A_554 = arith.index_cast %mul3A_520 : i32 to index
      %get3A_555 = tpu.vector_load %get3A_551[%get3A_552, %get3A_553, %get3A_554] {strides = array<i32>} : memref<1x32x512xf32, #tpu.memory_space<vmem>>, vector<1x1x16xf32>,
      %get3A_556 = vector.shape_cast %get3A_555 : vector<1x1x16xf32> to vector<16xf32>
      %add3A_557 = arith.addf %add3A_544, %get3A_556 : vector<16xf32>
      %get3A_558 = arith.constant 0 : i32
      %get3A_559 = arith.constant 3 : i32
      %get3A_560 = arith.constant 0 : i32
      %get3A_561 = arith.constant 0 : i32
      %get3A_562 = arith.constant 0 : i32
      %get3A_563 = tpu.memref_slice %arg4[%scan3A_382, %get3A_560, %get3A_561, %get3A_562] : memref<4x1x32x512xf32, #tpu.memory_space<vmem>> -> memref<1x1x32x512xf32, #tpu.memory_space<vmem>>
      %get3A_564 = tpu.memref_squeeze %get3A_563 : memref<1x1x32x512xf32, #tpu.memory_space<vmem>> -> memref<1x32x512xf32, #tpu.memory_space<vmem>>
      %get3A_565 = arith.index_cast %get3A_558 : i32 to index
      %get3A_566 = arith.index_cast %get3A_559 : i32 to index
      %get3A_567 = arith.index_cast %mul3A_520 : i32 to index
      %get3A_568 = tpu.vector_load %get3A_564[%get3A_565, %get3A_566, %get3A_567] {strides = array<i32>} : memref<1x32x512xf32, #tpu.memory_space<vmem>>, vector<1x1x16xf32>,
      %get3A_569 = vector.shape_cast %get3A_568 : vector<1x1x16xf32> to vector<16xf32>
      %add3A_570 = arith.addf %add3A_557, %get3A_569 : vector<16xf32>
      %get3A_571 = arith.constant 0 : i32
      %get3A_572 = arith.constant 4 : i32
      %get3A_573 = arith.constant 0 : i32
      %get3A_574 = arith.constant 0 : i32
      %get3A_575 = arith.constant 0 : i32
      %get3A_576 = tpu.memref_slice %arg4[%scan3A_382, %get3A_573, %get3A_574, %get3A_575] : memref<4x1x32x512xf32, #tpu.memory_space<vmem>> -> memref<1x1x32x512xf32, #tpu.memory_space<vmem>>
      %get3A_577 = tpu.memref_squeeze %get3A_576 : memref<1x1x32x512xf32, #tpu.memory_space<vmem>> -> memref<1x32x512xf32, #tpu.memory_space<vmem>>
      %get3A_578 = arith.index_cast %get3A_571 : i32 to index
      %get3A_579 = arith.index_cast %get3A_572 : i32 to index
      %get3A_580 = arith.index_cast %mul3A_520 : i32 to index
      %get3A_581 = tpu.vector_load %get3A_577[%get3A_578, %get3A_579, %get3A_580] {strides = array<i32>} : memref<1x32x512xf32, #tpu.memory_space<vmem>>, vector<1x1x16xf32>,
      %get3A_582 = vector.shape_cast %get3A_581 : vector<1x1x16xf32> to vector<16xf32>
      %add3A_583 = arith.addf %add3A_570, %get3A_582 : vector<16xf32>
      %get3A_584 = arith.constant 0 : i32
      %get3A_585 = arith.constant 5 : i32
      %get3A_586 = arith.constant 0 : i32
      %get3A_587 = arith.constant 0 : i32
      %get3A_588 = arith.constant 0 : i32
      %get3A_589 = tpu.memref_slice %arg4[%scan3A_382, %get3A_586, %get3A_587, %get3A_588] : memref<4x1x32x512xf32, #tpu.memory_space<vmem>> -> memref<1x1x32x512xf32, #tpu.memory_space<vmem>>
      %get3A_590 = tpu.memref_squeeze %get3A_589 : memref<1x1x32x512xf32, #tpu.memory_space<vmem>> -> memref<1x32x512xf32, #tpu.memory_space<vmem>>
      %get3A_591 = arith.index_cast %get3A_584 : i32 to index
      %get3A_592 = arith.index_cast %get3A_585 : i32 to index
      %get3A_593 = arith.index_cast %mul3A_520 : i32 to index
      %get3A_594 = tpu.vector_load %get3A_590[%get3A_591, %get3A_592, %get3A_593] {strides = array<i32>} : memref<1x32x512xf32, #tpu.memory_space<vmem>>, vector<1x1x16xf32>,
      %get3A_595 = vector.shape_cast %get3A_594 : vector<1x1x16xf32> to vector<16xf32>
      %add3A_596 = arith.addf %add3A_583, %get3A_595 : vector<16xf32>
      %get3A_597 = arith.constant 0 : i32
      %get3A_598 = arith.constant 6 : i32
      %get3A_599 = arith.constant 0 : i32
      %get3A_600 = arith.constant 0 : i32
      %get3A_601 = arith.constant 0 : i32
      %get3A_602 = tpu.memref_slice %arg4[%scan3A_382, %get3A_599, %get3A_600, %get3A_601] : memref<4x1x32x512xf32, #tpu.memory_space<vmem>> -> memref<1x1x32x512xf32, #tpu.memory_space<vmem>>
      %get3A_603 = tpu.memref_squeeze %get3A_602 : memref<1x1x32x512xf32, #tpu.memory_space<vmem>> -> memref<1x32x512xf32, #tpu.memory_space<vmem>>
      %get3A_604 = arith.index_cast %get3A_597 : i32 to index
      %get3A_605 = arith.index_cast %get3A_598 : i32 to index
      %get3A_606 = arith.index_cast %mul3A_520 : i32 to index
      %get3A_607 = tpu.vector_load %get3A_603[%get3A_604, %get3A_605, %get3A_606] {strides = array<i32>} : memref<1x32x512xf32, #tpu.memory_space<vmem>>, vector<1x1x16xf32>,
      %get3A_608 = vector.shape_cast %get3A_607 : vector<1x1x16xf32> to vector<16xf32>
      %add3A_609 = arith.addf %add3A_596, %get3A_608 : vector<16xf32>
      %get3A_610 = arith.constant 0 : i32
      %get3A_611 = arith.constant 7 : i32
      %get3A_612 = arith.constant 0 : i32
      %get3A_613 = arith.constant 0 : i32
      %get3A_614 = arith.constant 0 : i32
      %get3A_615 = tpu.memref_slice %arg4[%scan3A_382, %get3A_612, %get3A_613, %get3A_614] : memref<4x1x32x512xf32, #tpu.memory_space<vmem>> -> memref<1x1x32x512xf32, #tpu.memory_space<vmem>>
      %get3A_616 = tpu.memref_squeeze %get3A_615 : memref<1x1x32x512xf32, #tpu.memory_space<vmem>> -> memref<1x32x512xf32, #tpu.memory_space<vmem>>
      %get3A_617 = arith.index_cast %get3A_610 : i32 to index
      %get3A_618 = arith.index_cast %get3A_611 : i32 to index
      %get3A_619 = arith.index_cast %mul3A_520 : i32 to index
      %get3A_620 = tpu.vector_load %get3A_616[%get3A_617, %get3A_618, %get3A_619] {strides = array<i32>} : memref<1x32x512xf32, #tpu.memory_space<vmem>>, vector<1x1x16xf32>,
      %get3A_621 = vector.shape_cast %get3A_620 : vector<1x1x16xf32> to vector<16xf32>
      %add3A_622 = arith.addf %add3A_609, %get3A_621 : vector<16xf32>
      %get3A_623 = arith.constant 0 : i32
      %get3A_624 = arith.constant 8 : i32
      %get3A_625 = arith.constant 0 : i32
      %get3A_626 = arith.constant 0 : i32
      %get3A_627 = arith.constant 0 : i32
      %get3A_628 = tpu.memref_slice %arg4[%scan3A_382, %get3A_625, %get3A_626, %get3A_627] : memref<4x1x32x512xf32, #tpu.memory_space<vmem>> -> memref<1x1x32x512xf32, #tpu.memory_space<vmem>>
      %get3A_629 = tpu.memref_squeeze %get3A_628 : memref<1x1x32x512xf32, #tpu.memory_space<vmem>> -> memref<1x32x512xf32, #tpu.memory_space<vmem>>
      %get3A_630 = arith.index_cast %get3A_623 : i32 to index
      %get3A_631 = arith.index_cast %get3A_624 : i32 to index
      %get3A_632 = arith.index_cast %mul3A_520 : i32 to index
      %get3A_633 = tpu.vector_load %get3A_629[%get3A_630, %get3A_631, %get3A_632] {strides = array<i32>} : memref<1x32x512xf32, #tpu.memory_space<vmem>>, vector<1x1x16xf32>,
      %get3A_634 = vector.shape_cast %get3A_633 : vector<1x1x16xf32> to vector<16xf32>
      %add3A_635 = arith.addf %add3A_622, %get3A_634 : vector<16xf32>
      %get3A_636 = arith.constant 0 : i32
      %get3A_637 = arith.constant 9 : i32
      %get3A_638 = arith.constant 0 : i32
      %get3A_639 = arith.constant 0 : i32
      %get3A_640 = arith.constant 0 : i32
      %get3A_641 = tpu.memref_slice %arg4[%scan3A_382, %get3A_638, %get3A_639, %get3A_640] : memref<4x1x32x512xf32, #tpu.memory_space<vmem>> -> memref<1x1x32x512xf32, #tpu.memory_space<vmem>>
      %get3A_642 = tpu.memref_squeeze %get3A_641 : memref<1x1x32x512xf32, #tpu.memory_space<vmem>> -> memref<1x32x512xf32, #tpu.memory_space<vmem>>
      %get3A_643 = arith.index_cast %get3A_636 : i32 to index
      %get3A_644 = arith.index_cast %get3A_637 : i32 to index
      %get3A_645 = arith.index_cast %mul3A_520 : i32 to index
      %get3A_646 = tpu.vector_load %get3A_642[%get3A_643, %get3A_644, %get3A_645] {strides = array<i32>} : memref<1x32x512xf32, #tpu.memory_space<vmem>>, vector<1x1x16xf32>,
      %get3A_647 = vector.shape_cast %get3A_646 : vector<1x1x16xf32> to vector<16xf32>
      %add3A_648 = arith.addf %add3A_635, %get3A_647 : vector<16xf32>
      %get3A_649 = arith.constant 0 : i32
      %get3A_650 = arith.constant 10 : i32
      %get3A_651 = arith.constant 0 : i32
      %get3A_652 = arith.constant 0 : i32
      %get3A_653 = arith.constant 0 : i32
      %get3A_654 = tpu.memref_slice %arg4[%scan3A_382, %get3A_651, %get3A_652, %get3A_653] : memref<4x1x32x512xf32, #tpu.memory_space<vmem>> -> memref<1x1x32x512xf32, #tpu.memory_space<vmem>>
      %get3A_655 = tpu.memref_squeeze %get3A_654 : memref<1x1x32x512xf32, #tpu.memory_space<vmem>> -> memref<1x32x512xf32, #tpu.memory_space<vmem>>
      %get3A_656 = arith.index_cast %get3A_649 : i32 to index
      %get3A_657 = arith.index_cast %get3A_650 : i32 to index
      %get3A_658 = arith.index_cast %mul3A_520 : i32 to index
      %get3A_659 = tpu.vector_load %get3A_655[%get3A_656, %get3A_657, %get3A_658] {strides = array<i32>} : memref<1x32x512xf32, #tpu.memory_space<vmem>>, vector<1x1x16xf32>,
      %get3A_660 = vector.shape_cast %get3A_659 : vector<1x1x16xf32> to vector<16xf32>
      %add3A_661 = arith.addf %add3A_648, %get3A_660 : vector<16xf32>
      %get3A_662 = arith.constant 0 : i32
      %get3A_663 = arith.constant 11 : i32
      %get3A_664 = arith.constant 0 : i32
      %get3A_665 = arith.constant 0 : i32
      %get3A_666 = arith.constant 0 : i32
      %get3A_667 = tpu.memref_slice %arg4[%scan3A_382, %get3A_664, %get3A_665, %get3A_666] : memref<4x1x32x512xf32, #tpu.memory_space<vmem>> -> memref<1x1x32x512xf32, #tpu.memory_space<vmem>>
      %get3A_668 = tpu.memref_squeeze %get3A_667 : memref<1x1x32x512xf32, #tpu.memory_space<vmem>> -> memref<1x32x512xf32, #tpu.memory_space<vmem>>
      %get3A_669 = arith.index_cast %get3A_662 : i32 to index
      %get3A_670 = arith.index_cast %get3A_663 : i32 to index
      %get3A_671 = arith.index_cast %mul3A_520 : i32 to index
      %get3A_672 = tpu.vector_load %get3A_668[%get3A_669, %get3A_670, %get3A_671] {strides = array<i32>} : memref<1x32x512xf32, #tpu.memory_space<vmem>>, vector<1x1x16xf32>,
      %get3A_673 = vector.shape_cast %get3A_672 : vector<1x1x16xf32> to vector<16xf32>
      %add3A_674 = arith.addf %add3A_661, %get3A_673 : vector<16xf32>
      %get3A_675 = arith.constant 0 : i32
      %get3A_676 = arith.constant 12 : i32
      %get3A_677 = arith.constant 0 : i32
      %get3A_678 = arith.constant 0 : i32
      %get3A_679 = arith.constant 0 : i32
      %get3A_680 = tpu.memref_slice %arg4[%scan3A_382, %get3A_677, %get3A_678, %get3A_679] : memref<4x1x32x512xf32, #tpu.memory_space<vmem>> -> memref<1x1x32x512xf32, #tpu.memory_space<vmem>>
      %get3A_681 = tpu.memref_squeeze %get3A_680 : memref<1x1x32x512xf32, #tpu.memory_space<vmem>> -> memref<1x32x512xf32, #tpu.memory_space<vmem>>
      %get3A_682 = arith.index_cast %get3A_675 : i32 to index
      %get3A_683 = arith.index_cast %get3A_676 : i32 to index
      %get3A_684 = arith.index_cast %mul3A_520 : i32 to index
      %get3A_685 = tpu.vector_load %get3A_681[%get3A_682, %get3A_683, %get3A_684] {strides = array<i32>} : memref<1x32x512xf32, #tpu.memory_space<vmem>>, vector<1x1x16xf32>,
      %get3A_686 = vector.shape_cast %get3A_685 : vector<1x1x16xf32> to vector<16xf32>
      %add3A_687 = arith.addf %add3A_674, %get3A_686 : vector<16xf32>
      %get3A_688 = arith.constant 0 : i32
      %get3A_689 = arith.constant 13 : i32
      %get3A_690 = arith.constant 0 : i32
      %get3A_691 = arith.constant 0 : i32
      %get3A_692 = arith.constant 0 : i32
      %get3A_693 = tpu.memref_slice %arg4[%scan3A_382, %get3A_690, %get3A_691, %get3A_692] : memref<4x1x32x512xf32, #tpu.memory_space<vmem>> -> memref<1x1x32x512xf32, #tpu.memory_space<vmem>>
      %get3A_694 = tpu.memref_squeeze %get3A_693 : memref<1x1x32x512xf32, #tpu.memory_space<vmem>> -> memref<1x32x512xf32, #tpu.memory_space<vmem>>
      %get3A_695 = arith.index_cast %get3A_688 : i32 to index
      %get3A_696 = arith.index_cast %get3A_689 : i32 to index
      %get3A_697 = arith.index_cast %mul3A_520 : i32 to index
      %get3A_698 = tpu.vector_load %get3A_694[%get3A_695, %get3A_696, %get3A_697] {strides = array<i32>} : memref<1x32x512xf32, #tpu.memory_space<vmem>>, vector<1x1x16xf32>,
      %get3A_699 = vector.shape_cast %get3A_698 : vector<1x1x16xf32> to vector<16xf32>
      %add3A_700 = arith.addf %add3A_687, %get3A_699 : vector<16xf32>
      %get3A_701 = arith.constant 0 : i32
      %get3A_702 = arith.constant 14 : i32
      %get3A_703 = arith.constant 0 : i32
      %get3A_704 = arith.constant 0 : i32
      %get3A_705 = arith.constant 0 : i32
      %get3A_706 = tpu.memref_slice %arg4[%scan3A_382, %get3A_703, %get3A_704, %get3A_705] : memref<4x1x32x512xf32, #tpu.memory_space<vmem>> -> memref<1x1x32x512xf32, #tpu.memory_space<vmem>>
      %get3A_707 = tpu.memref_squeeze %get3A_706 : memref<1x1x32x512xf32, #tpu.memory_space<vmem>> -> memref<1x32x512xf32, #tpu.memory_space<vmem>>
      %get3A_708 = arith.index_cast %get3A_701 : i32 to index
      %get3A_709 = arith.index_cast %get3A_702 : i32 to index
      %get3A_710 = arith.index_cast %mul3A_520 : i32 to index
      %get3A_711 = tpu.vector_load %get3A_707[%get3A_708, %get3A_709, %get3A_710] {strides = array<i32>} : memref<1x32x512xf32, #tpu.memory_space<vmem>>, vector<1x1x16xf32>,
      %get3A_712 = vector.shape_cast %get3A_711 : vector<1x1x16xf32> to vector<16xf32>
      %add3A_713 = arith.addf %add3A_700, %get3A_712 : vector<16xf32>
      %get3A_714 = arith.constant 0 : i32
      %get3A_715 = arith.constant 15 : i32
      %get3A_716 = arith.constant 0 : i32
      %get3A_717 = arith.constant 0 : i32
      %get3A_718 = arith.constant 0 : i32
      %get3A_719 = tpu.memref_slice %arg4[%scan3A_382, %get3A_716, %get3A_717, %get3A_718] : memref<4x1x32x512xf32, #tpu.memory_space<vmem>> -> memref<1x1x32x512xf32, #tpu.memory_space<vmem>>
      %get3A_720 = tpu.memref_squeeze %get3A_719 : memref<1x1x32x512xf32, #tpu.memory_space<vmem>> -> memref<1x32x512xf32, #tpu.memory_space<vmem>>
      %get3A_721 = arith.index_cast %get3A_714 : i32 to index
      %get3A_722 = arith.index_cast %get3A_715 : i32 to index
      %get3A_723 = arith.index_cast %mul3A_520 : i32 to index
      %get3A_724 = tpu.vector_load %get3A_720[%get3A_721, %get3A_722, %get3A_723] {strides = array<i32>} : memref<1x32x512xf32, #tpu.memory_space<vmem>>, vector<1x1x16xf32>,
      %get3A_725 = vector.shape_cast %get3A_724 : vector<1x1x16xf32> to vector<16xf32>
      %add3A_726 = arith.addf %add3A_713, %get3A_725 : vector<16xf32>
      %mul3A_727 = arith.constant 6.250000e-02 : f32
      %mul3A_728 = vector.broadcast %mul3A_727 : f32 to vector<16xf32>
      %mul3A_729 = arith.mulf %add3A_726, %mul3A_728 : vector<16xf32>
      %add3A_730 = arith.constant 0 : i32
      %add3A_731 = arith.addi %add3A_730, %mul3A_520 : i32
      %swap3A = arith.constant 0 : i32
      %swap3A_732 = arith.index_cast %swap3A : i32 to index
      %swap3A_733 = arith.index_cast %add3A_731 : i32 to index
      %swap3A_734 = tpu.vector_load %arg5[%swap3A_732, %swap3A_733] {strides = array<i32>} : memref<1x2048xf32, #tpu.memory_space<vmem>>, vector<1x16xf32>,
      %swap3A_735 = vector.shape_cast %swap3A_734 : vector<1x16xf32> to vector<16xf32>
      %swap3A_736 = vector.shape_cast %mul3A_729 : vector<16xf32> to vector<1x16xf32>
      tpu.vector_store %arg5[%swap3A_732, %swap3A_733], %swap3A_736 {strides = array<i32>} : memref<1x2048xf32, #tpu.memory_space<vmem>>, vector<1x16xf32>,
    }
    %scan3A_387 = arith.constant 32 : i32
    %scan3A_388 = arith.constant 0 : i32
    %scan3A_389 = arith.constant 2 : i32
    %scan3A_390 = arith.constant 0 : i32
    %scan3A_391 = arith.constant 32 : i32
    %scan3A_392 = arith.addi %scan3A_390, %scan3A_391 : i32
    %scan3A_393 = arith.constant 1 : i32
    scf.for %scan3A_518 = %scan3A_390 to %scan3A_392 step %scan3A_393  : i32 {
      %mul3A_519 = arith.constant 16 : i32
      %mul3A_520 = arith.muli %scan3A_518, %mul3A_519 : i32
      %get3A = arith.constant 0 : i32
      %get3A_521 = arith.constant 16 : i32
      %get3A_522 = arith.constant 0 : i32
      %get3A_523 = arith.constant 0 : i32
      %get3A_524 = arith.constant 0 : i32
      %get3A_525 = tpu.memref_slice %arg4[%scan3A_389, %get3A_522, %get3A_523, %get3A_524] : memref<4x1x32x512xf32, #tpu.memory_space<vmem>> -> memref<1x1x32x512xf32, #tpu.memory_space<vmem>>
      %get3A_526 = tpu.memref_squeeze %get3A_525 : memref<1x1x32x512xf32, #tpu.memory_space<vmem>> -> memref<1x32x512xf32, #tpu.memory_space<vmem>>
      %get3A_527 = arith.index_cast %get3A : i32 to index
      %get3A_528 = arith.index_cast %get3A_521 : i32 to index
      %get3A_529 = arith.index_cast %mul3A_520 : i32 to index
      %get3A_530 = tpu.vector_load %get3A_526[%get3A_527, %get3A_528, %get3A_529] {strides = array<i32>} : memref<1x32x512xf32, #tpu.memory_space<vmem>>, vector<1x1x16xf32>,
      %get3A_531 = vector.shape_cast %get3A_530 : vector<1x1x16xf32> to vector<16xf32>
      %get3A_532 = arith.constant 0 : i32
      %get3A_533 = arith.constant 17 : i32
      %get3A_534 = arith.constant 0 : i32
      %get3A_535 = arith.constant 0 : i32
      %get3A_536 = arith.constant 0 : i32
      %get3A_537 = tpu.memref_slice %arg4[%scan3A_389, %get3A_534, %get3A_535, %get3A_536] : memref<4x1x32x512xf32, #tpu.memory_space<vmem>> -> memref<1x1x32x512xf32, #tpu.memory_space<vmem>>
      %get3A_538 = tpu.memref_squeeze %get3A_537 : memref<1x1x32x512xf32, #tpu.memory_space<vmem>> -> memref<1x32x512xf32, #tpu.memory_space<vmem>>
      %get3A_539 = arith.index_cast %get3A_532 : i32 to index
      %get3A_540 = arith.index_cast %get3A_533 : i32 to index
      %get3A_541 = arith.index_cast %mul3A_520 : i32 to index
      %get3A_542 = tpu.vector_load %get3A_538[%get3A_539, %get3A_540, %get3A_541] {strides = array<i32>} : memref<1x32x512xf32, #tpu.memory_space<vmem>>, vector<1x1x16xf32>,
      %get3A_543 = vector.shape_cast %get3A_542 : vector<1x1x16xf32> to vector<16xf32>
      %add3A_544 = arith.addf %get3A_531, %get3A_543 : vector<16xf32>
      %get3A_545 = arith.constant 0 : i32
      %get3A_546 = arith.constant 18 : i32
      %get3A_547 = arith.constant 0 : i32
      %get3A_548 = arith.constant 0 : i32
      %get3A_549 = arith.constant 0 : i32
      %get3A_550 = tpu.memref_slice %arg4[%scan3A_389, %get3A_547, %get3A_548, %get3A_549] : memref<4x1x32x512xf32, #tpu.memory_space<vmem>> -> memref<1x1x32x512xf32, #tpu.memory_space<vmem>>
      %get3A_551 = tpu.memref_squeeze %get3A_550 : memref<1x1x32x512xf32, #tpu.memory_space<vmem>> -> memref<1x32x512xf32, #tpu.memory_space<vmem>>
      %get3A_552 = arith.index_cast %get3A_545 : i32 to index
      %get3A_553 = arith.index_cast %get3A_546 : i32 to index
      %get3A_554 = arith.index_cast %mul3A_520 : i32 to index
      %get3A_555 = tpu.vector_load %get3A_551[%get3A_552, %get3A_553, %get3A_554] {strides = array<i32>} : memref<1x32x512xf32, #tpu.memory_space<vmem>>, vector<1x1x16xf32>,
      %get3A_556 = vector.shape_cast %get3A_555 : vector<1x1x16xf32> to vector<16xf32>
      %add3A_557 = arith.addf %add3A_544, %get3A_556 : vector<16xf32>
      %get3A_558 = arith.constant 0 : i32
      %get3A_559 = arith.constant 19 : i32
      %get3A_560 = arith.constant 0 : i32
      %get3A_561 = arith.constant 0 : i32
      %get3A_562 = arith.constant 0 : i32
      %get3A_563 = tpu.memref_slice %arg4[%scan3A_389, %get3A_560, %get3A_561, %get3A_562] : memref<4x1x32x512xf32, #tpu.memory_space<vmem>> -> memref<1x1x32x512xf32, #tpu.memory_space<vmem>>
      %get3A_564 = tpu.memref_squeeze %get3A_563 : memref<1x1x32x512xf32, #tpu.memory_space<vmem>> -> memref<1x32x512xf32, #tpu.memory_space<vmem>>
      %get3A_565 = arith.index_cast %get3A_558 : i32 to index
      %get3A_566 = arith.index_cast %get3A_559 : i32 to index
      %get3A_567 = arith.index_cast %mul3A_520 : i32 to index
      %get3A_568 = tpu.vector_load %get3A_564[%get3A_565, %get3A_566, %get3A_567] {strides = array<i32>} : memref<1x32x512xf32, #tpu.memory_space<vmem>>, vector<1x1x16xf32>,
      %get3A_569 = vector.shape_cast %get3A_568 : vector<1x1x16xf32> to vector<16xf32>
      %add3A_570 = arith.addf %add3A_557, %get3A_569 : vector<16xf32>
      %get3A_571 = arith.constant 0 : i32
      %get3A_572 = arith.constant 20 : i32
      %get3A_573 = arith.constant 0 : i32
      %get3A_574 = arith.constant 0 : i32
      %get3A_575 = arith.constant 0 : i32
      %get3A_576 = tpu.memref_slice %arg4[%scan3A_389, %get3A_573, %get3A_574, %get3A_575] : memref<4x1x32x512xf32, #tpu.memory_space<vmem>> -> memref<1x1x32x512xf32, #tpu.memory_space<vmem>>
      %get3A_577 = tpu.memref_squeeze %get3A_576 : memref<1x1x32x512xf32, #tpu.memory_space<vmem>> -> memref<1x32x512xf32, #tpu.memory_space<vmem>>
      %get3A_578 = arith.index_cast %get3A_571 : i32 to index
      %get3A_579 = arith.index_cast %get3A_572 : i32 to index
      %get3A_580 = arith.index_cast %mul3A_520 : i32 to index
      %get3A_581 = tpu.vector_load %get3A_577[%get3A_578, %get3A_579, %get3A_580] {strides = array<i32>} : memref<1x32x512xf32, #tpu.memory_space<vmem>>, vector<1x1x16xf32>,
      %get3A_582 = vector.shape_cast %get3A_581 : vector<1x1x16xf32> to vector<16xf32>
      %add3A_583 = arith.addf %add3A_570, %get3A_582 : vector<16xf32>
      %get3A_584 = arith.constant 0 : i32
      %get3A_585 = arith.constant 21 : i32
      %get3A_586 = arith.constant 0 : i32
      %get3A_587 = arith.constant 0 : i32
      %get3A_588 = arith.constant 0 : i32
      %get3A_589 = tpu.memref_slice %arg4[%scan3A_389, %get3A_586, %get3A_587, %get3A_588] : memref<4x1x32x512xf32, #tpu.memory_space<vmem>> -> memref<1x1x32x512xf32, #tpu.memory_space<vmem>>
      %get3A_590 = tpu.memref_squeeze %get3A_589 : memref<1x1x32x512xf32, #tpu.memory_space<vmem>> -> memref<1x32x512xf32, #tpu.memory_space<vmem>>
      %get3A_591 = arith.index_cast %get3A_584 : i32 to index
      %get3A_592 = arith.index_cast %get3A_585 : i32 to index
      %get3A_593 = arith.index_cast %mul3A_520 : i32 to index
      %get3A_594 = tpu.vector_load %get3A_590[%get3A_591, %get3A_592, %get3A_593] {strides = array<i32>} : memref<1x32x512xf32, #tpu.memory_space<vmem>>, vector<1x1x16xf32>,
      %get3A_595 = vector.shape_cast %get3A_594 : vector<1x1x16xf32> to vector<16xf32>
      %add3A_596 = arith.addf %add3A_583, %get3A_595 : vector<16xf32>
      %get3A_597 = arith.constant 0 : i32
      %get3A_598 = arith.constant 22 : i32
      %get3A_599 = arith.constant 0 : i32
      %get3A_600 = arith.constant 0 : i32
      %get3A_601 = arith.constant 0 : i32
      %get3A_602 = tpu.memref_slice %arg4[%scan3A_389, %get3A_599, %get3A_600, %get3A_601] : memref<4x1x32x512xf32, #tpu.memory_space<vmem>> -> memref<1x1x32x512xf32, #tpu.memory_space<vmem>>
      %get3A_603 = tpu.memref_squeeze %get3A_602 : memref<1x1x32x512xf32, #tpu.memory_space<vmem>> -> memref<1x32x512xf32, #tpu.memory_space<vmem>>
      %get3A_604 = arith.index_cast %get3A_597 : i32 to index
      %get3A_605 = arith.index_cast %get3A_598 : i32 to index
      %get3A_606 = arith.index_cast %mul3A_520 : i32 to index
      %get3A_607 = tpu.vector_load %get3A_603[%get3A_604, %get3A_605, %get3A_606] {strides = array<i32>} : memref<1x32x512xf32, #tpu.memory_space<vmem>>, vector<1x1x16xf32>,
      %get3A_608 = vector.shape_cast %get3A_607 : vector<1x1x16xf32> to vector<16xf32>
      %add3A_609 = arith.addf %add3A_596, %get3A_608 : vector<16xf32>
      %get3A_610 = arith.constant 0 : i32
      %get3A_611 = arith.constant 23 : i32
      %get3A_612 = arith.constant 0 : i32
      %get3A_613 = arith.constant 0 : i32
      %get3A_614 = arith.constant 0 : i32
      %get3A_615 = tpu.memref_slice %arg4[%scan3A_389, %get3A_612, %get3A_613, %get3A_614] : memref<4x1x32x512xf32, #tpu.memory_space<vmem>> -> memref<1x1x32x512xf32, #tpu.memory_space<vmem>>
      %get3A_616 = tpu.memref_squeeze %get3A_615 : memref<1x1x32x512xf32, #tpu.memory_space<vmem>> -> memref<1x32x512xf32, #tpu.memory_space<vmem>>
      %get3A_617 = arith.index_cast %get3A_610 : i32 to index
      %get3A_618 = arith.index_cast %get3A_611 : i32 to index
      %get3A_619 = arith.index_cast %mul3A_520 : i32 to index
      %get3A_620 = tpu.vector_load %get3A_616[%get3A_617, %get3A_618, %get3A_619] {strides = array<i32>} : memref<1x32x512xf32, #tpu.memory_space<vmem>>, vector<1x1x16xf32>,
      %get3A_621 = vector.shape_cast %get3A_620 : vector<1x1x16xf32> to vector<16xf32>
      %add3A_622 = arith.addf %add3A_609, %get3A_621 : vector<16xf32>
      %get3A_623 = arith.constant 0 : i32
      %get3A_624 = arith.constant 24 : i32
      %get3A_625 = arith.constant 0 : i32
      %get3A_626 = arith.constant 0 : i32
      %get3A_627 = arith.constant 0 : i32
      %get3A_628 = tpu.memref_slice %arg4[%scan3A_389, %get3A_625, %get3A_626, %get3A_627] : memref<4x1x32x512xf32, #tpu.memory_space<vmem>> -> memref<1x1x32x512xf32, #tpu.memory_space<vmem>>
      %get3A_629 = tpu.memref_squeeze %get3A_628 : memref<1x1x32x512xf32, #tpu.memory_space<vmem>> -> memref<1x32x512xf32, #tpu.memory_space<vmem>>
      %get3A_630 = arith.index_cast %get3A_623 : i32 to index
      %get3A_631 = arith.index_cast %get3A_624 : i32 to index
      %get3A_632 = arith.index_cast %mul3A_520 : i32 to index
      %get3A_633 = tpu.vector_load %get3A_629[%get3A_630, %get3A_631, %get3A_632] {strides = array<i32>} : memref<1x32x512xf32, #tpu.memory_space<vmem>>, vector<1x1x16xf32>,
      %get3A_634 = vector.shape_cast %get3A_633 : vector<1x1x16xf32> to vector<16xf32>
      %add3A_635 = arith.addf %add3A_622, %get3A_634 : vector<16xf32>
      %get3A_636 = arith.constant 0 : i32
      %get3A_637 = arith.constant 25 : i32
      %get3A_638 = arith.constant 0 : i32
      %get3A_639 = arith.constant 0 : i32
      %get3A_640 = arith.constant 0 : i32
      %get3A_641 = tpu.memref_slice %arg4[%scan3A_389, %get3A_638, %get3A_639, %get3A_640] : memref<4x1x32x512xf32, #tpu.memory_space<vmem>> -> memref<1x1x32x512xf32, #tpu.memory_space<vmem>>
      %get3A_642 = tpu.memref_squeeze %get3A_641 : memref<1x1x32x512xf32, #tpu.memory_space<vmem>> -> memref<1x32x512xf32, #tpu.memory_space<vmem>>
      %get3A_643 = arith.index_cast %get3A_636 : i32 to index
      %get3A_644 = arith.index_cast %get3A_637 : i32 to index
      %get3A_645 = arith.index_cast %mul3A_520 : i32 to index
      %get3A_646 = tpu.vector_load %get3A_642[%get3A_643, %get3A_644, %get3A_645] {strides = array<i32>} : memref<1x32x512xf32, #tpu.memory_space<vmem>>, vector<1x1x16xf32>,
      %get3A_647 = vector.shape_cast %get3A_646 : vector<1x1x16xf32> to vector<16xf32>
      %add3A_648 = arith.addf %add3A_635, %get3A_647 : vector<16xf32>
      %get3A_649 = arith.constant 0 : i32
      %get3A_650 = arith.constant 26 : i32
      %get3A_651 = arith.constant 0 : i32
      %get3A_652 = arith.constant 0 : i32
      %get3A_653 = arith.constant 0 : i32
      %get3A_654 = tpu.memref_slice %arg4[%scan3A_389, %get3A_651, %get3A_652, %get3A_653] : memref<4x1x32x512xf32, #tpu.memory_space<vmem>> -> memref<1x1x32x512xf32, #tpu.memory_space<vmem>>
      %get3A_655 = tpu.memref_squeeze %get3A_654 : memref<1x1x32x512xf32, #tpu.memory_space<vmem>> -> memref<1x32x512xf32, #tpu.memory_space<vmem>>
      %get3A_656 = arith.index_cast %get3A_649 : i32 to index
      %get3A_657 = arith.index_cast %get3A_650 : i32 to index
      %get3A_658 = arith.index_cast %mul3A_520 : i32 to index
      %get3A_659 = tpu.vector_load %get3A_655[%get3A_656, %get3A_657, %get3A_658] {strides = array<i32>} : memref<1x32x512xf32, #tpu.memory_space<vmem>>, vector<1x1x16xf32>,
      %get3A_660 = vector.shape_cast %get3A_659 : vector<1x1x16xf32> to vector<16xf32>
      %add3A_661 = arith.addf %add3A_648, %get3A_660 : vector<16xf32>
      %get3A_662 = arith.constant 0 : i32
      %get3A_663 = arith.constant 27 : i32
      %get3A_664 = arith.constant 0 : i32
      %get3A_665 = arith.constant 0 : i32
      %get3A_666 = arith.constant 0 : i32
      %get3A_667 = tpu.memref_slice %arg4[%scan3A_389, %get3A_664, %get3A_665, %get3A_666] : memref<4x1x32x512xf32, #tpu.memory_space<vmem>> -> memref<1x1x32x512xf32, #tpu.memory_space<vmem>>
      %get3A_668 = tpu.memref_squeeze %get3A_667 : memref<1x1x32x512xf32, #tpu.memory_space<vmem>> -> memref<1x32x512xf32, #tpu.memory_space<vmem>>
      %get3A_669 = arith.index_cast %get3A_662 : i32 to index
      %get3A_670 = arith.index_cast %get3A_663 : i32 to index
      %get3A_671 = arith.index_cast %mul3A_520 : i32 to index
      %get3A_672 = tpu.vector_load %get3A_668[%get3A_669, %get3A_670, %get3A_671] {strides = array<i32>} : memref<1x32x512xf32, #tpu.memory_space<vmem>>, vector<1x1x16xf32>,
      %get3A_673 = vector.shape_cast %get3A_672 : vector<1x1x16xf32> to vector<16xf32>
      %add3A_674 = arith.addf %add3A_661, %get3A_673 : vector<16xf32>
      %get3A_675 = arith.constant 0 : i32
      %get3A_676 = arith.constant 28 : i32
      %get3A_677 = arith.constant 0 : i32
      %get3A_678 = arith.constant 0 : i32
      %get3A_679 = arith.constant 0 : i32
      %get3A_680 = tpu.memref_slice %arg4[%scan3A_389, %get3A_677, %get3A_678, %get3A_679] : memref<4x1x32x512xf32, #tpu.memory_space<vmem>> -> memref<1x1x32x512xf32, #tpu.memory_space<vmem>>
      %get3A_681 = tpu.memref_squeeze %get3A_680 : memref<1x1x32x512xf32, #tpu.memory_space<vmem>> -> memref<1x32x512xf32, #tpu.memory_space<vmem>>
      %get3A_682 = arith.index_cast %get3A_675 : i32 to index
      %get3A_683 = arith.index_cast %get3A_676 : i32 to index
      %get3A_684 = arith.index_cast %mul3A_520 : i32 to index
      %get3A_685 = tpu.vector_load %get3A_681[%get3A_682, %get3A_683, %get3A_684] {strides = array<i32>} : memref<1x32x512xf32, #tpu.memory_space<vmem>>, vector<1x1x16xf32>,
      %get3A_686 = vector.shape_cast %get3A_685 : vector<1x1x16xf32> to vector<16xf32>
      %add3A_687 = arith.addf %add3A_674, %get3A_686 : vector<16xf32>
      %get3A_688 = arith.constant 0 : i32
      %get3A_689 = arith.constant 29 : i32
      %get3A_690 = arith.constant 0 : i32
      %get3A_691 = arith.constant 0 : i32
      %get3A_692 = arith.constant 0 : i32
      %get3A_693 = tpu.memref_slice %arg4[%scan3A_389, %get3A_690, %get3A_691, %get3A_692] : memref<4x1x32x512xf32, #tpu.memory_space<vmem>> -> memref<1x1x32x512xf32, #tpu.memory_space<vmem>>
      %get3A_694 = tpu.memref_squeeze %get3A_693 : memref<1x1x32x512xf32, #tpu.memory_space<vmem>> -> memref<1x32x512xf32, #tpu.memory_space<vmem>>
      %get3A_695 = arith.index_cast %get3A_688 : i32 to index
      %get3A_696 = arith.index_cast %get3A_689 : i32 to index
      %get3A_697 = arith.index_cast %mul3A_520 : i32 to index
      %get3A_698 = tpu.vector_load %get3A_694[%get3A_695, %get3A_696, %get3A_697] {strides = array<i32>} : memref<1x32x512xf32, #tpu.memory_space<vmem>>, vector<1x1x16xf32>,
      %get3A_699 = vector.shape_cast %get3A_698 : vector<1x1x16xf32> to vector<16xf32>
      %add3A_700 = arith.addf %add3A_687, %get3A_699 : vector<16xf32>
      %get3A_701 = arith.constant 0 : i32
      %get3A_702 = arith.constant 30 : i32
      %get3A_703 = arith.constant 0 : i32
      %get3A_704 = arith.constant 0 : i32
      %get3A_705 = arith.constant 0 : i32
      %get3A_706 = tpu.memref_slice %arg4[%scan3A_389, %get3A_703, %get3A_704, %get3A_705] : memref<4x1x32x512xf32, #tpu.memory_space<vmem>> -> memref<1x1x32x512xf32, #tpu.memory_space<vmem>>
      %get3A_707 = tpu.memref_squeeze %get3A_706 : memref<1x1x32x512xf32, #tpu.memory_space<vmem>> -> memref<1x32x512xf32, #tpu.memory_space<vmem>>
      %get3A_708 = arith.index_cast %get3A_701 : i32 to index
      %get3A_709 = arith.index_cast %get3A_702 : i32 to index
      %get3A_710 = arith.index_cast %mul3A_520 : i32 to index
      %get3A_711 = tpu.vector_load %get3A_707[%get3A_708, %get3A_709, %get3A_710] {strides = array<i32>} : memref<1x32x512xf32, #tpu.memory_space<vmem>>, vector<1x1x16xf32>,
      %get3A_712 = vector.shape_cast %get3A_711 : vector<1x1x16xf32> to vector<16xf32>
      %add3A_713 = arith.addf %add3A_700, %get3A_712 : vector<16xf32>
      %get3A_714 = arith.constant 0 : i32
      %get3A_715 = arith.constant 31 : i32
      %get3A_716 = arith.constant 0 : i32
      %get3A_717 = arith.constant 0 : i32
      %get3A_718 = arith.constant 0 : i32
      %get3A_719 = tpu.memref_slice %arg4[%scan3A_389, %get3A_716, %get3A_717, %get3A_718] : memref<4x1x32x512xf32, #tpu.memory_space<vmem>> -> memref<1x1x32x512xf32, #tpu.memory_space<vmem>>
      %get3A_720 = tpu.memref_squeeze %get3A_719 : memref<1x1x32x512xf32, #tpu.memory_space<vmem>> -> memref<1x32x512xf32, #tpu.memory_space<vmem>>
      %get3A_721 = arith.index_cast %get3A_714 : i32 to index
      %get3A_722 = arith.index_cast %get3A_715 : i32 to index
      %get3A_723 = arith.index_cast %mul3A_520 : i32 to index
      %get3A_724 = tpu.vector_load %get3A_720[%get3A_721, %get3A_722, %get3A_723] {strides = array<i32>} : memref<1x32x512xf32, #tpu.memory_space<vmem>>, vector<1x1x16xf32>,
      %get3A_725 = vector.shape_cast %get3A_724 : vector<1x1x16xf32> to vector<16xf32>
      %add3A_726 = arith.addf %add3A_713, %get3A_725 : vector<16xf32>
      %mul3A_727 = arith.constant 6.250000e-02 : f32
      %mul3A_728 = vector.broadcast %mul3A_727 : f32 to vector<16xf32>
      %mul3A_729 = arith.mulf %add3A_726, %mul3A_728 : vector<16xf32>
      %add3A_730 = arith.constant 512 : i32
      %add3A_731 = arith.addi %add3A_730, %mul3A_520 : i32
      %swap3A = arith.constant 0 : i32
      %swap3A_732 = arith.index_cast %swap3A : i32 to index
      %swap3A_733 = arith.index_cast %add3A_731 : i32 to index
      %swap3A_734 = tpu.vector_load %arg5[%swap3A_732, %swap3A_733] {strides = array<i32>} : memref<1x2048xf32, #tpu.memory_space<vmem>>, vector<1x16xf32>,
      %swap3A_735 = vector.shape_cast %swap3A_734 : vector<1x16xf32> to vector<16xf32>
      %swap3A_736 = vector.shape_cast %mul3A_729 : vector<16xf32> to vector<1x16xf32>
      tpu.vector_store %arg5[%swap3A_732, %swap3A_733], %swap3A_736 {strides = array<i32>} : memref<1x2048xf32, #tpu.memory_space<vmem>>, vector<1x16xf32>,
    }
    %scan3A_394 = arith.constant 32 : i32
    %mul3A_395 = arith.constant 4 : i32
    %mul3A_396 = arith.muli %mul3A_395, %scan3A_61 : i32
    %add3A_397 = arith.constant 3 : i32
    %add3A_398 = arith.addi %mul3A_396, %add3A_397 : i32
    %add3A_399 = arith.constant 3 : i32
    %add3A_400 = arith.addi %add3A_398, %add3A_399 : i32
    %lt3A_401 = arith.constant 4 : i32
    %lt3A_402 = arith.cmpi slt, %add3A_400, %lt3A_401 : i32
    %convert_element_type3A_403 = arith.extui %lt3A_402 : i1 to i32
    %cond3A_404 = arith.constant 0 : i32
    %cond3A_405 = arith.cmpi ne, %convert_element_type3A_403, %cond3A_404 : i32
    scf.if %cond3A_405 {
      %add3A_518 = arith.constant 3 : i32
      %add3A_519 = arith.addi %add3A_398, %add3A_518 : i32
      %jit3A_520 = arith.constant 2 : i32
      %div3A_521 = arith.divsi %add3A_519, %jit3A_520 : i32
      %sign3A_522 = arith.constant 0 : i32
      %sign3A_523 = arith.cmpi sgt, %add3A_519, %sign3A_522 : i32
      %sign3A_524 = arith.extui %sign3A_523 : i1 to i32
      %sign3A_525 = arith.constant 0 : i32
      %sign3A_526 = arith.cmpi slt, %add3A_519, %sign3A_525 : i32
      %sign3A_527 = arith.extui %sign3A_526 : i1 to i32
      %sign3A_528 = arith.subi %sign3A_524, %sign3A_527 : i32
      %sign3A_529 = arith.constant 0 : i32
      %sign3A_530 = arith.cmpi sgt, %jit3A_520, %sign3A_529 : i32
      %sign3A_531 = arith.extui %sign3A_530 : i1 to i32
      %sign3A_532 = arith.constant 0 : i32
      %sign3A_533 = arith.cmpi slt, %jit3A_520, %sign3A_532 : i32
      %sign3A_534 = arith.extui %sign3A_533 : i1 to i32
      %sign3A_535 = arith.subi %sign3A_531, %sign3A_534 : i32
      %ne3A_536 = arith.cmpi ne, %sign3A_528, %sign3A_535 : i32
      %rem3A_537 = arith.remsi %add3A_519, %jit3A_520 : i32
      %ne3A_538 = arith.constant 0 : i32
      %ne3A_539 = arith.cmpi ne, %rem3A_537, %ne3A_538 : i32
      %and3A_540 = arith.andi %ne3A_536, %ne3A_539 : i1
      %sub3A_541 = arith.constant 1 : i32
      %sub3A_542 = arith.subi %div3A_521, %sub3A_541 : i32
      %select_n3A_543 = arith.select %and3A_540, %sub3A_542, %div3A_521 : i32
      %add3A_544 = arith.addi %add3A_4, %select_n3A_543 : i32
      %jit3A_545 = arith.constant 2 : i32
      %eq3A_546 = arith.constant 0 : i32
      %eq3A_547 = arith.cmpi eq, %jit3A_545, %eq3A_546 : i32
      %jit3A_548 = arith.constant 1 : i32
      %select_n3A_549 = arith.select %eq3A_547, %jit3A_548, %jit3A_545 : i32
      %rem3A_550 = arith.remsi %add3A_519, %select_n3A_549 : i32
      %ne3A_551 = arith.constant 0 : i32
      %ne3A_552 = arith.cmpi ne, %rem3A_550, %ne3A_551 : i32
      %lt3A_553 = arith.constant 0 : i32
      %lt3A_554 = arith.cmpi slt, %rem3A_550, %lt3A_553 : i32
      %lt3A_555 = arith.constant 0 : i32
      %lt3A_556 = arith.cmpi slt, %select_n3A_549, %lt3A_555 : i32
      %ne3A_557 = arith.xori %lt3A_554, %lt3A_556 : i1
      %and3A_558 = arith.andi %ne3A_557, %ne3A_552 : i1
      %add3A_559 = arith.addi %rem3A_550, %select_n3A_549 : i32
      %select_n3A_560 = arith.select %and3A_558, %add3A_559, %rem3A_550 : i32
      %mul3A_561 = arith.constant 32 : i32
      %mul3A_562 = arith.muli %select_n3A_560, %mul3A_561 : i32
      %dma_start3A_563 = arith.constant 2 : i32
      %dma_start3A_564 = arith.constant 0 : i32
      %dma_start3A_565 = arith.constant 0 : i32
      %dma_start3A_566 = arith.constant 0 : i32
      %dma_start3A_567 = tpu.memref_slice %arg4[%dma_start3A_563, %dma_start3A_564, %dma_start3A_565, %dma_start3A_566] : memref<4x1x32x512xf32, #tpu.memory_space<vmem>> -> memref<1x1x32x512xf32, #tpu.memory_space<vmem>>
      %dma_start3A_568 = tpu.memref_squeeze %dma_start3A_567 : memref<1x1x32x512xf32, #tpu.memory_space<vmem>> -> memref<1x32x512xf32, #tpu.memory_space<vmem>>
      %dma_start3A_569 = arith.constant 0 : i32
      %dma_start3A_570 = tpu.memref_slice %arg2[%add3A_544, %mul3A_562, %dma_start3A_569] : memref<512x64x512xf32, #tpu.memory_space<hbm>> -> memref<1x32x512xf32, #tpu.memory_space<hbm>>
      %dma_start3A_571 = arith.constant 0 : i32
      %dma_start3A_572 = arith.constant 0 : i32
      %dma_start3A_573 = arith.constant 0 : i32
      %dma_start3A_574 = tpu.memref_slice %arg4[%dma_start3A_563, %dma_start3A_571, %dma_start3A_572, %dma_start3A_573] : memref<4x1x32x512xf32, #tpu.memory_space<vmem>> -> memref<1x1x32x512xf32, #tpu.memory_space<vmem>>
      %dma_start3A_575 = tpu.memref_squeeze %dma_start3A_574 : memref<1x1x32x512xf32, #tpu.memory_space<vmem>> -> memref<1x32x512xf32, #tpu.memory_space<vmem>>
      %dma_start3A_576 = arith.constant 0 : i32
      %dma_start3A_577 = tpu.memref_slice %arg2[%add3A_544, %mul3A_562, %dma_start3A_576] : memref<512x64x512xf32, #tpu.memory_space<hbm>> -> memref<1x32x512xf32, #tpu.memory_space<hbm>>
      tpu.enqueue_dma source(%dma_start3A_577 : memref<1x32x512xf32, #tpu.memory_space<hbm>>) target(%dma_start3A_575 : memref<1x32x512xf32, #tpu.memory_space<vmem>>) target_semaphore(%arg8 : memref<!tpu.dma_semaphore, #tpu.memory_space<semaphore_mem>>)
    } else {
    }
    %jit3A_406 = arith.constant 2 : i32
    %div3A_407 = arith.divsi %add3A_398, %jit3A_406 : i32
    %sign3A_408 = arith.constant 0 : i32
    %sign3A_409 = arith.cmpi sgt, %add3A_398, %sign3A_408 : i32
    %sign3A_410 = arith.extui %sign3A_409 : i1 to i32
    %sign3A_411 = arith.constant 0 : i32
    %sign3A_412 = arith.cmpi slt, %add3A_398, %sign3A_411 : i32
    %sign3A_413 = arith.extui %sign3A_412 : i1 to i32
    %sign3A_414 = arith.subi %sign3A_410, %sign3A_413 : i32
    %sign3A_415 = arith.constant 0 : i32
    %sign3A_416 = arith.cmpi sgt, %jit3A_406, %sign3A_415 : i32
    %sign3A_417 = arith.extui %sign3A_416 : i1 to i32
    %sign3A_418 = arith.constant 0 : i32
    %sign3A_419 = arith.cmpi slt, %jit3A_406, %sign3A_418 : i32
    %sign3A_420 = arith.extui %sign3A_419 : i1 to i32
    %sign3A_421 = arith.subi %sign3A_417, %sign3A_420 : i32
    %ne3A_422 = arith.cmpi ne, %sign3A_414, %sign3A_421 : i32
    %rem3A_423 = arith.remsi %add3A_398, %jit3A_406 : i32
    %ne3A_424 = arith.constant 0 : i32
    %ne3A_425 = arith.cmpi ne, %rem3A_423, %ne3A_424 : i32
    %and3A_426 = arith.andi %ne3A_422, %ne3A_425 : i1
    %sub3A_427 = arith.constant 1 : i32
    %sub3A_428 = arith.subi %div3A_407, %sub3A_427 : i32
    %select_n3A_429 = arith.select %and3A_426, %sub3A_428, %div3A_407 : i32
    %add3A_430 = arith.addi %add3A_4, %select_n3A_429 : i32
    %jit3A_431 = arith.constant 2 : i32
    %eq3A_432 = arith.constant 0 : i32
    %eq3A_433 = arith.cmpi eq, %jit3A_431, %eq3A_432 : i32
    %jit3A_434 = arith.constant 1 : i32
    %select_n3A_435 = arith.select %eq3A_433, %jit3A_434, %jit3A_431 : i32
    %rem3A_436 = arith.remsi %add3A_398, %select_n3A_435 : i32
    %ne3A_437 = arith.constant 0 : i32
    %ne3A_438 = arith.cmpi ne, %rem3A_436, %ne3A_437 : i32
    %lt3A_439 = arith.constant 0 : i32
    %lt3A_440 = arith.cmpi slt, %rem3A_436, %lt3A_439 : i32
    %lt3A_441 = arith.constant 0 : i32
    %lt3A_442 = arith.cmpi slt, %select_n3A_435, %lt3A_441 : i32
    %ne3A_443 = arith.xori %lt3A_440, %lt3A_442 : i1
    %and3A_444 = arith.andi %ne3A_443, %ne3A_438 : i1
    %add3A_445 = arith.addi %rem3A_436, %select_n3A_435 : i32
    %select_n3A_446 = arith.select %and3A_444, %add3A_445, %rem3A_436 : i32
    %mul3A_447 = arith.constant 32 : i32
    %mul3A_448 = arith.muli %select_n3A_446, %mul3A_447 : i32
    %dma_wait3A_449 = arith.constant 3 : i32
    %dma_wait3A_450 = arith.constant 0 : i32
    %dma_wait3A_451 = arith.constant 0 : i32
    %dma_wait3A_452 = arith.constant 0 : i32
    %dma_wait3A_453 = tpu.memref_slice %arg4[%dma_wait3A_449, %dma_wait3A_450, %dma_wait3A_451, %dma_wait3A_452] : memref<4x1x32x512xf32, #tpu.memory_space<vmem>> -> memref<1x1x32x512xf32, #tpu.memory_space<vmem>>
    %dma_wait3A_454 = tpu.memref_squeeze %dma_wait3A_453 : memref<1x1x32x512xf32, #tpu.memory_space<vmem>> -> memref<1x32x512xf32, #tpu.memory_space<vmem>>
    %dma_wait3A_455 = arith.constant 0 : i32
    %dma_wait3A_456 = tpu.memref_slice %arg2[%add3A_430, %mul3A_448, %dma_wait3A_455] : memref<512x64x512xf32, #tpu.memory_space<hbm>> -> memref<1x32x512xf32, #tpu.memory_space<hbm>>
    %dma_wait3A_457 = arith.constant 0 : i32
    %dma_wait3A_458 = arith.constant 0 : i32
    %dma_wait3A_459 = arith.constant 0 : i32
    %dma_wait3A_460 = tpu.memref_slice %arg4[%dma_wait3A_449, %dma_wait3A_457, %dma_wait3A_458, %dma_wait3A_459] : memref<4x1x32x512xf32, #tpu.memory_space<vmem>> -> memref<1x1x32x512xf32, #tpu.memory_space<vmem>>
    %dma_wait3A_461 = tpu.memref_squeeze %dma_wait3A_460 : memref<1x1x32x512xf32, #tpu.memory_space<vmem>> -> memref<1x32x512xf32, #tpu.memory_space<vmem>>
    %dma_wait3A_462 = arith.constant 0 : i32
    %dma_wait3A_463 = tpu.memref_slice %arg2[%add3A_430, %mul3A_448, %dma_wait3A_462] : memref<512x64x512xf32, #tpu.memory_space<hbm>> -> memref<1x32x512xf32, #tpu.memory_space<hbm>>
    tpu.wait_dma2 semaphore(%arg9 : memref<!tpu.dma_semaphore, #tpu.memory_space<semaphore_mem>>) src(%dma_wait3A_463 : memref<1x32x512xf32, #tpu.memory_space<hbm>>) dst(%dma_wait3A_461 : memref<1x32x512xf32, #tpu.memory_space<vmem>>)
    %mul3A_464 = arith.constant 4 : i32
    %mul3A_465 = arith.muli %mul3A_464, %scan3A_61 : i32
    %add3A_466 = arith.constant 3 : i32
    %add3A_467 = arith.addi %mul3A_465, %add3A_466 : i32
    %jit3A_468 = arith.constant 2 : i32
    %div3A_469 = arith.divsi %add3A_467, %jit3A_468 : i32
    %sign3A_470 = arith.constant 0 : i32
    %sign3A_471 = arith.cmpi sgt, %add3A_467, %sign3A_470 : i32
    %sign3A_472 = arith.extui %sign3A_471 : i1 to i32
    %sign3A_473 = arith.constant 0 : i32
    %sign3A_474 = arith.cmpi slt, %add3A_467, %sign3A_473 : i32
    %sign3A_475 = arith.extui %sign3A_474 : i1 to i32
    %sign3A_476 = arith.subi %sign3A_472, %sign3A_475 : i32
    %sign3A_477 = arith.constant 0 : i32
    %sign3A_478 = arith.cmpi sgt, %jit3A_468, %sign3A_477 : i32
    %sign3A_479 = arith.extui %sign3A_478 : i1 to i32
    %sign3A_480 = arith.constant 0 : i32
    %sign3A_481 = arith.cmpi slt, %jit3A_468, %sign3A_480 : i32
    %sign3A_482 = arith.extui %sign3A_481 : i1 to i32
    %sign3A_483 = arith.subi %sign3A_479, %sign3A_482 : i32
    %ne3A_484 = arith.cmpi ne, %sign3A_476, %sign3A_483 : i32
    %rem3A_485 = arith.remsi %add3A_467, %jit3A_468 : i32
    %ne3A_486 = arith.constant 0 : i32
    %ne3A_487 = arith.cmpi ne, %rem3A_485, %ne3A_486 : i32
    %and3A_488 = arith.andi %ne3A_484, %ne3A_487 : i1
    %sub3A_489 = arith.constant 1 : i32
    %sub3A_490 = arith.subi %div3A_469, %sub3A_489 : i32
    %select_n3A_491 = arith.select %and3A_488, %sub3A_490, %div3A_469 : i32
    %add3A_492 = arith.addi %add3A_4, %select_n3A_491 : i32
    %scan3A_493 = arith.constant 0 : i32
    %scan3A_494 = arith.constant 3 : i32
    %scan3A_495 = arith.constant 0 : i32
    %scan3A_496 = arith.constant 32 : i32
    %scan3A_497 = arith.addi %scan3A_495, %scan3A_496 : i32
    %scan3A_498 = arith.constant 1 : i32
    scf.for %scan3A_518 = %scan3A_495 to %scan3A_497 step %scan3A_498  : i32 {
      %mul3A_519 = arith.constant 16 : i32
      %mul3A_520 = arith.muli %scan3A_518, %mul3A_519 : i32
      %get3A = arith.constant 0 : i32
      %get3A_521 = arith.constant 0 : i32
      %get3A_522 = arith.constant 0 : i32
      %get3A_523 = arith.constant 0 : i32
      %get3A_524 = arith.constant 0 : i32
      %get3A_525 = tpu.memref_slice %arg4[%scan3A_494, %get3A_522, %get3A_523, %get3A_524] : memref<4x1x32x512xf32, #tpu.memory_space<vmem>> -> memref<1x1x32x512xf32, #tpu.memory_space<vmem>>
      %get3A_526 = tpu.memref_squeeze %get3A_525 : memref<1x1x32x512xf32, #tpu.memory_space<vmem>> -> memref<1x32x512xf32, #tpu.memory_space<vmem>>
      %get3A_527 = arith.index_cast %get3A : i32 to index
      %get3A_528 = arith.index_cast %get3A_521 : i32 to index
      %get3A_529 = arith.index_cast %mul3A_520 : i32 to index
      %get3A_530 = tpu.vector_load %get3A_526[%get3A_527, %get3A_528, %get3A_529] {strides = array<i32>} : memref<1x32x512xf32, #tpu.memory_space<vmem>>, vector<1x1x16xf32>,
      %get3A_531 = vector.shape_cast %get3A_530 : vector<1x1x16xf32> to vector<16xf32>
      %get3A_532 = arith.constant 0 : i32
      %get3A_533 = arith.constant 1 : i32
      %get3A_534 = arith.constant 0 : i32
      %get3A_535 = arith.constant 0 : i32
      %get3A_536 = arith.constant 0 : i32
      %get3A_537 = tpu.memref_slice %arg4[%scan3A_494, %get3A_534, %get3A_535, %get3A_536] : memref<4x1x32x512xf32, #tpu.memory_space<vmem>> -> memref<1x1x32x512xf32, #tpu.memory_space<vmem>>
      %get3A_538 = tpu.memref_squeeze %get3A_537 : memref<1x1x32x512xf32, #tpu.memory_space<vmem>> -> memref<1x32x512xf32, #tpu.memory_space<vmem>>
      %get3A_539 = arith.index_cast %get3A_532 : i32 to index
      %get3A_540 = arith.index_cast %get3A_533 : i32 to index
      %get3A_541 = arith.index_cast %mul3A_520 : i32 to index
      %get3A_542 = tpu.vector_load %get3A_538[%get3A_539, %get3A_540, %get3A_541] {strides = array<i32>} : memref<1x32x512xf32, #tpu.memory_space<vmem>>, vector<1x1x16xf32>,
      %get3A_543 = vector.shape_cast %get3A_542 : vector<1x1x16xf32> to vector<16xf32>
      %add3A_544 = arith.addf %get3A_531, %get3A_543 : vector<16xf32>
      %get3A_545 = arith.constant 0 : i32
      %get3A_546 = arith.constant 2 : i32
      %get3A_547 = arith.constant 0 : i32
      %get3A_548 = arith.constant 0 : i32
      %get3A_549 = arith.constant 0 : i32
      %get3A_550 = tpu.memref_slice %arg4[%scan3A_494, %get3A_547, %get3A_548, %get3A_549] : memref<4x1x32x512xf32, #tpu.memory_space<vmem>> -> memref<1x1x32x512xf32, #tpu.memory_space<vmem>>
      %get3A_551 = tpu.memref_squeeze %get3A_550 : memref<1x1x32x512xf32, #tpu.memory_space<vmem>> -> memref<1x32x512xf32, #tpu.memory_space<vmem>>
      %get3A_552 = arith.index_cast %get3A_545 : i32 to index
      %get3A_553 = arith.index_cast %get3A_546 : i32 to index
      %get3A_554 = arith.index_cast %mul3A_520 : i32 to index
      %get3A_555 = tpu.vector_load %get3A_551[%get3A_552, %get3A_553, %get3A_554] {strides = array<i32>} : memref<1x32x512xf32, #tpu.memory_space<vmem>>, vector<1x1x16xf32>,
      %get3A_556 = vector.shape_cast %get3A_555 : vector<1x1x16xf32> to vector<16xf32>
      %add3A_557 = arith.addf %add3A_544, %get3A_556 : vector<16xf32>
      %get3A_558 = arith.constant 0 : i32
      %get3A_559 = arith.constant 3 : i32
      %get3A_560 = arith.constant 0 : i32
      %get3A_561 = arith.constant 0 : i32
      %get3A_562 = arith.constant 0 : i32
      %get3A_563 = tpu.memref_slice %arg4[%scan3A_494, %get3A_560, %get3A_561, %get3A_562] : memref<4x1x32x512xf32, #tpu.memory_space<vmem>> -> memref<1x1x32x512xf32, #tpu.memory_space<vmem>>
      %get3A_564 = tpu.memref_squeeze %get3A_563 : memref<1x1x32x512xf32, #tpu.memory_space<vmem>> -> memref<1x32x512xf32, #tpu.memory_space<vmem>>
      %get3A_565 = arith.index_cast %get3A_558 : i32 to index
      %get3A_566 = arith.index_cast %get3A_559 : i32 to index
      %get3A_567 = arith.index_cast %mul3A_520 : i32 to index
      %get3A_568 = tpu.vector_load %get3A_564[%get3A_565, %get3A_566, %get3A_567] {strides = array<i32>} : memref<1x32x512xf32, #tpu.memory_space<vmem>>, vector<1x1x16xf32>,
      %get3A_569 = vector.shape_cast %get3A_568 : vector<1x1x16xf32> to vector<16xf32>
      %add3A_570 = arith.addf %add3A_557, %get3A_569 : vector<16xf32>
      %get3A_571 = arith.constant 0 : i32
      %get3A_572 = arith.constant 4 : i32
      %get3A_573 = arith.constant 0 : i32
      %get3A_574 = arith.constant 0 : i32
      %get3A_575 = arith.constant 0 : i32
      %get3A_576 = tpu.memref_slice %arg4[%scan3A_494, %get3A_573, %get3A_574, %get3A_575] : memref<4x1x32x512xf32, #tpu.memory_space<vmem>> -> memref<1x1x32x512xf32, #tpu.memory_space<vmem>>
      %get3A_577 = tpu.memref_squeeze %get3A_576 : memref<1x1x32x512xf32, #tpu.memory_space<vmem>> -> memref<1x32x512xf32, #tpu.memory_space<vmem>>
      %get3A_578 = arith.index_cast %get3A_571 : i32 to index
      %get3A_579 = arith.index_cast %get3A_572 : i32 to index
      %get3A_580 = arith.index_cast %mul3A_520 : i32 to index
      %get3A_581 = tpu.vector_load %get3A_577[%get3A_578, %get3A_579, %get3A_580] {strides = array<i32>} : memref<1x32x512xf32, #tpu.memory_space<vmem>>, vector<1x1x16xf32>,
      %get3A_582 = vector.shape_cast %get3A_581 : vector<1x1x16xf32> to vector<16xf32>
      %add3A_583 = arith.addf %add3A_570, %get3A_582 : vector<16xf32>
      %get3A_584 = arith.constant 0 : i32
      %get3A_585 = arith.constant 5 : i32
      %get3A_586 = arith.constant 0 : i32
      %get3A_587 = arith.constant 0 : i32
      %get3A_588 = arith.constant 0 : i32
      %get3A_589 = tpu.memref_slice %arg4[%scan3A_494, %get3A_586, %get3A_587, %get3A_588] : memref<4x1x32x512xf32, #tpu.memory_space<vmem>> -> memref<1x1x32x512xf32, #tpu.memory_space<vmem>>
      %get3A_590 = tpu.memref_squeeze %get3A_589 : memref<1x1x32x512xf32, #tpu.memory_space<vmem>> -> memref<1x32x512xf32, #tpu.memory_space<vmem>>
      %get3A_591 = arith.index_cast %get3A_584 : i32 to index
      %get3A_592 = arith.index_cast %get3A_585 : i32 to index
      %get3A_593 = arith.index_cast %mul3A_520 : i32 to index
      %get3A_594 = tpu.vector_load %get3A_590[%get3A_591, %get3A_592, %get3A_593] {strides = array<i32>} : memref<1x32x512xf32, #tpu.memory_space<vmem>>, vector<1x1x16xf32>,
      %get3A_595 = vector.shape_cast %get3A_594 : vector<1x1x16xf32> to vector<16xf32>
      %add3A_596 = arith.addf %add3A_583, %get3A_595 : vector<16xf32>
      %get3A_597 = arith.constant 0 : i32
      %get3A_598 = arith.constant 6 : i32
      %get3A_599 = arith.constant 0 : i32
      %get3A_600 = arith.constant 0 : i32
      %get3A_601 = arith.constant 0 : i32
      %get3A_602 = tpu.memref_slice %arg4[%scan3A_494, %get3A_599, %get3A_600, %get3A_601] : memref<4x1x32x512xf32, #tpu.memory_space<vmem>> -> memref<1x1x32x512xf32, #tpu.memory_space<vmem>>
      %get3A_603 = tpu.memref_squeeze %get3A_602 : memref<1x1x32x512xf32, #tpu.memory_space<vmem>> -> memref<1x32x512xf32, #tpu.memory_space<vmem>>
      %get3A_604 = arith.index_cast %get3A_597 : i32 to index
      %get3A_605 = arith.index_cast %get3A_598 : i32 to index
      %get3A_606 = arith.index_cast %mul3A_520 : i32 to index
      %get3A_607 = tpu.vector_load %get3A_603[%get3A_604, %get3A_605, %get3A_606] {strides = array<i32>} : memref<1x32x512xf32, #tpu.memory_space<vmem>>, vector<1x1x16xf32>,
      %get3A_608 = vector.shape_cast %get3A_607 : vector<1x1x16xf32> to vector<16xf32>
      %add3A_609 = arith.addf %add3A_596, %get3A_608 : vector<16xf32>
      %get3A_610 = arith.constant 0 : i32
      %get3A_611 = arith.constant 7 : i32
      %get3A_612 = arith.constant 0 : i32
      %get3A_613 = arith.constant 0 : i32
      %get3A_614 = arith.constant 0 : i32
      %get3A_615 = tpu.memref_slice %arg4[%scan3A_494, %get3A_612, %get3A_613, %get3A_614] : memref<4x1x32x512xf32, #tpu.memory_space<vmem>> -> memref<1x1x32x512xf32, #tpu.memory_space<vmem>>
      %get3A_616 = tpu.memref_squeeze %get3A_615 : memref<1x1x32x512xf32, #tpu.memory_space<vmem>> -> memref<1x32x512xf32, #tpu.memory_space<vmem>>
      %get3A_617 = arith.index_cast %get3A_610 : i32 to index
      %get3A_618 = arith.index_cast %get3A_611 : i32 to index
      %get3A_619 = arith.index_cast %mul3A_520 : i32 to index
      %get3A_620 = tpu.vector_load %get3A_616[%get3A_617, %get3A_618, %get3A_619] {strides = array<i32>} : memref<1x32x512xf32, #tpu.memory_space<vmem>>, vector<1x1x16xf32>,
      %get3A_621 = vector.shape_cast %get3A_620 : vector<1x1x16xf32> to vector<16xf32>
      %add3A_622 = arith.addf %add3A_609, %get3A_621 : vector<16xf32>
      %get3A_623 = arith.constant 0 : i32
      %get3A_624 = arith.constant 8 : i32
      %get3A_625 = arith.constant 0 : i32
      %get3A_626 = arith.constant 0 : i32
      %get3A_627 = arith.constant 0 : i32
      %get3A_628 = tpu.memref_slice %arg4[%scan3A_494, %get3A_625, %get3A_626, %get3A_627] : memref<4x1x32x512xf32, #tpu.memory_space<vmem>> -> memref<1x1x32x512xf32, #tpu.memory_space<vmem>>
      %get3A_629 = tpu.memref_squeeze %get3A_628 : memref<1x1x32x512xf32, #tpu.memory_space<vmem>> -> memref<1x32x512xf32, #tpu.memory_space<vmem>>
      %get3A_630 = arith.index_cast %get3A_623 : i32 to index
      %get3A_631 = arith.index_cast %get3A_624 : i32 to index
      %get3A_632 = arith.index_cast %mul3A_520 : i32 to index
      %get3A_633 = tpu.vector_load %get3A_629[%get3A_630, %get3A_631, %get3A_632] {strides = array<i32>} : memref<1x32x512xf32, #tpu.memory_space<vmem>>, vector<1x1x16xf32>,
      %get3A_634 = vector.shape_cast %get3A_633 : vector<1x1x16xf32> to vector<16xf32>
      %add3A_635 = arith.addf %add3A_622, %get3A_634 : vector<16xf32>
      %get3A_636 = arith.constant 0 : i32
      %get3A_637 = arith.constant 9 : i32
      %get3A_638 = arith.constant 0 : i32
      %get3A_639 = arith.constant 0 : i32
      %get3A_640 = arith.constant 0 : i32
      %get3A_641 = tpu.memref_slice %arg4[%scan3A_494, %get3A_638, %get3A_639, %get3A_640] : memref<4x1x32x512xf32, #tpu.memory_space<vmem>> -> memref<1x1x32x512xf32, #tpu.memory_space<vmem>>
      %get3A_642 = tpu.memref_squeeze %get3A_641 : memref<1x1x32x512xf32, #tpu.memory_space<vmem>> -> memref<1x32x512xf32, #tpu.memory_space<vmem>>
      %get3A_643 = arith.index_cast %get3A_636 : i32 to index
      %get3A_644 = arith.index_cast %get3A_637 : i32 to index
      %get3A_645 = arith.index_cast %mul3A_520 : i32 to index
      %get3A_646 = tpu.vector_load %get3A_642[%get3A_643, %get3A_644, %get3A_645] {strides = array<i32>} : memref<1x32x512xf32, #tpu.memory_space<vmem>>, vector<1x1x16xf32>,
      %get3A_647 = vector.shape_cast %get3A_646 : vector<1x1x16xf32> to vector<16xf32>
      %add3A_648 = arith.addf %add3A_635, %get3A_647 : vector<16xf32>
      %get3A_649 = arith.constant 0 : i32
      %get3A_650 = arith.constant 10 : i32
      %get3A_651 = arith.constant 0 : i32
      %get3A_652 = arith.constant 0 : i32
      %get3A_653 = arith.constant 0 : i32
      %get3A_654 = tpu.memref_slice %arg4[%scan3A_494, %get3A_651, %get3A_652, %get3A_653] : memref<4x1x32x512xf32, #tpu.memory_space<vmem>> -> memref<1x1x32x512xf32, #tpu.memory_space<vmem>>
      %get3A_655 = tpu.memref_squeeze %get3A_654 : memref<1x1x32x512xf32, #tpu.memory_space<vmem>> -> memref<1x32x512xf32, #tpu.memory_space<vmem>>
      %get3A_656 = arith.index_cast %get3A_649 : i32 to index
      %get3A_657 = arith.index_cast %get3A_650 : i32 to index
      %get3A_658 = arith.index_cast %mul3A_520 : i32 to index
      %get3A_659 = tpu.vector_load %get3A_655[%get3A_656, %get3A_657, %get3A_658] {strides = array<i32>} : memref<1x32x512xf32, #tpu.memory_space<vmem>>, vector<1x1x16xf32>,
      %get3A_660 = vector.shape_cast %get3A_659 : vector<1x1x16xf32> to vector<16xf32>
      %add3A_661 = arith.addf %add3A_648, %get3A_660 : vector<16xf32>
      %get3A_662 = arith.constant 0 : i32
      %get3A_663 = arith.constant 11 : i32
      %get3A_664 = arith.constant 0 : i32
      %get3A_665 = arith.constant 0 : i32
      %get3A_666 = arith.constant 0 : i32
      %get3A_667 = tpu.memref_slice %arg4[%scan3A_494, %get3A_664, %get3A_665, %get3A_666] : memref<4x1x32x512xf32, #tpu.memory_space<vmem>> -> memref<1x1x32x512xf32, #tpu.memory_space<vmem>>
      %get3A_668 = tpu.memref_squeeze %get3A_667 : memref<1x1x32x512xf32, #tpu.memory_space<vmem>> -> memref<1x32x512xf32, #tpu.memory_space<vmem>>
      %get3A_669 = arith.index_cast %get3A_662 : i32 to index
      %get3A_670 = arith.index_cast %get3A_663 : i32 to index
      %get3A_671 = arith.index_cast %mul3A_520 : i32 to index
      %get3A_672 = tpu.vector_load %get3A_668[%get3A_669, %get3A_670, %get3A_671] {strides = array<i32>} : memref<1x32x512xf32, #tpu.memory_space<vmem>>, vector<1x1x16xf32>,
      %get3A_673 = vector.shape_cast %get3A_672 : vector<1x1x16xf32> to vector<16xf32>
      %add3A_674 = arith.addf %add3A_661, %get3A_673 : vector<16xf32>
      %get3A_675 = arith.constant 0 : i32
      %get3A_676 = arith.constant 12 : i32
      %get3A_677 = arith.constant 0 : i32
      %get3A_678 = arith.constant 0 : i32
      %get3A_679 = arith.constant 0 : i32
      %get3A_680 = tpu.memref_slice %arg4[%scan3A_494, %get3A_677, %get3A_678, %get3A_679] : memref<4x1x32x512xf32, #tpu.memory_space<vmem>> -> memref<1x1x32x512xf32, #tpu.memory_space<vmem>>
      %get3A_681 = tpu.memref_squeeze %get3A_680 : memref<1x1x32x512xf32, #tpu.memory_space<vmem>> -> memref<1x32x512xf32, #tpu.memory_space<vmem>>
      %get3A_682 = arith.index_cast %get3A_675 : i32 to index
      %get3A_683 = arith.index_cast %get3A_676 : i32 to index
      %get3A_684 = arith.index_cast %mul3A_520 : i32 to index
      %get3A_685 = tpu.vector_load %get3A_681[%get3A_682, %get3A_683, %get3A_684] {strides = array<i32>} : memref<1x32x512xf32, #tpu.memory_space<vmem>>, vector<1x1x16xf32>,
      %get3A_686 = vector.shape_cast %get3A_685 : vector<1x1x16xf32> to vector<16xf32>
      %add3A_687 = arith.addf %add3A_674, %get3A_686 : vector<16xf32>
      %get3A_688 = arith.constant 0 : i32
      %get3A_689 = arith.constant 13 : i32
      %get3A_690 = arith.constant 0 : i32
      %get3A_691 = arith.constant 0 : i32
      %get3A_692 = arith.constant 0 : i32
      %get3A_693 = tpu.memref_slice %arg4[%scan3A_494, %get3A_690, %get3A_691, %get3A_692] : memref<4x1x32x512xf32, #tpu.memory_space<vmem>> -> memref<1x1x32x512xf32, #tpu.memory_space<vmem>>
      %get3A_694 = tpu.memref_squeeze %get3A_693 : memref<1x1x32x512xf32, #tpu.memory_space<vmem>> -> memref<1x32x512xf32, #tpu.memory_space<vmem>>
      %get3A_695 = arith.index_cast %get3A_688 : i32 to index
      %get3A_696 = arith.index_cast %get3A_689 : i32 to index
      %get3A_697 = arith.index_cast %mul3A_520 : i32 to index
      %get3A_698 = tpu.vector_load %get3A_694[%get3A_695, %get3A_696, %get3A_697] {strides = array<i32>} : memref<1x32x512xf32, #tpu.memory_space<vmem>>, vector<1x1x16xf32>,
      %get3A_699 = vector.shape_cast %get3A_698 : vector<1x1x16xf32> to vector<16xf32>
      %add3A_700 = arith.addf %add3A_687, %get3A_699 : vector<16xf32>
      %get3A_701 = arith.constant 0 : i32
      %get3A_702 = arith.constant 14 : i32
      %get3A_703 = arith.constant 0 : i32
      %get3A_704 = arith.constant 0 : i32
      %get3A_705 = arith.constant 0 : i32
      %get3A_706 = tpu.memref_slice %arg4[%scan3A_494, %get3A_703, %get3A_704, %get3A_705] : memref<4x1x32x512xf32, #tpu.memory_space<vmem>> -> memref<1x1x32x512xf32, #tpu.memory_space<vmem>>
      %get3A_707 = tpu.memref_squeeze %get3A_706 : memref<1x1x32x512xf32, #tpu.memory_space<vmem>> -> memref<1x32x512xf32, #tpu.memory_space<vmem>>
      %get3A_708 = arith.index_cast %get3A_701 : i32 to index
      %get3A_709 = arith.index_cast %get3A_702 : i32 to index
      %get3A_710 = arith.index_cast %mul3A_520 : i32 to index
      %get3A_711 = tpu.vector_load %get3A_707[%get3A_708, %get3A_709, %get3A_710] {strides = array<i32>} : memref<1x32x512xf32, #tpu.memory_space<vmem>>, vector<1x1x16xf32>,
      %get3A_712 = vector.shape_cast %get3A_711 : vector<1x1x16xf32> to vector<16xf32>
      %add3A_713 = arith.addf %add3A_700, %get3A_712 : vector<16xf32>
      %get3A_714 = arith.constant 0 : i32
      %get3A_715 = arith.constant 15 : i32
      %get3A_716 = arith.constant 0 : i32
      %get3A_717 = arith.constant 0 : i32
      %get3A_718 = arith.constant 0 : i32
      %get3A_719 = tpu.memref_slice %arg4[%scan3A_494, %get3A_716, %get3A_717, %get3A_718] : memref<4x1x32x512xf32, #tpu.memory_space<vmem>> -> memref<1x1x32x512xf32, #tpu.memory_space<vmem>>
      %get3A_720 = tpu.memref_squeeze %get3A_719 : memref<1x1x32x512xf32, #tpu.memory_space<vmem>> -> memref<1x32x512xf32, #tpu.memory_space<vmem>>
      %get3A_721 = arith.index_cast %get3A_714 : i32 to index
      %get3A_722 = arith.index_cast %get3A_715 : i32 to index
      %get3A_723 = arith.index_cast %mul3A_520 : i32 to index
      %get3A_724 = tpu.vector_load %get3A_720[%get3A_721, %get3A_722, %get3A_723] {strides = array<i32>} : memref<1x32x512xf32, #tpu.memory_space<vmem>>, vector<1x1x16xf32>,
      %get3A_725 = vector.shape_cast %get3A_724 : vector<1x1x16xf32> to vector<16xf32>
      %add3A_726 = arith.addf %add3A_713, %get3A_725 : vector<16xf32>
      %mul3A_727 = arith.constant 6.250000e-02 : f32
      %mul3A_728 = vector.broadcast %mul3A_727 : f32 to vector<16xf32>
      %mul3A_729 = arith.mulf %add3A_726, %mul3A_728 : vector<16xf32>
      %add3A_730 = arith.constant 1024 : i32
      %add3A_731 = arith.addi %add3A_730, %mul3A_520 : i32
      %swap3A = arith.constant 0 : i32
      %swap3A_732 = arith.index_cast %swap3A : i32 to index
      %swap3A_733 = arith.index_cast %add3A_731 : i32 to index
      %swap3A_734 = tpu.vector_load %arg5[%swap3A_732, %swap3A_733] {strides = array<i32>} : memref<1x2048xf32, #tpu.memory_space<vmem>>, vector<1x16xf32>,
      %swap3A_735 = vector.shape_cast %swap3A_734 : vector<1x16xf32> to vector<16xf32>
      %swap3A_736 = vector.shape_cast %mul3A_729 : vector<16xf32> to vector<1x16xf32>
      tpu.vector_store %arg5[%swap3A_732, %swap3A_733], %swap3A_736 {strides = array<i32>} : memref<1x2048xf32, #tpu.memory_space<vmem>>, vector<1x16xf32>,
    }
    %scan3A_499 = arith.constant 32 : i32
    %scan3A_500 = arith.constant 0 : i32
    %scan3A_501 = arith.constant 3 : i32
    %scan3A_502 = arith.constant 0 : i32
    %scan3A_503 = arith.constant 32 : i32
    %scan3A_504 = arith.addi %scan3A_502, %scan3A_503 : i32
    %scan3A_505 = arith.constant 1 : i32
    scf.for %scan3A_518 = %scan3A_502 to %scan3A_504 step %scan3A_505  : i32 {
      %mul3A_519 = arith.constant 16 : i32
      %mul3A_520 = arith.muli %scan3A_518, %mul3A_519 : i32
      %get3A = arith.constant 0 : i32
      %get3A_521 = arith.constant 16 : i32
      %get3A_522 = arith.constant 0 : i32
      %get3A_523 = arith.constant 0 : i32
      %get3A_524 = arith.constant 0 : i32
      %get3A_525 = tpu.memref_slice %arg4[%scan3A_501, %get3A_522, %get3A_523, %get3A_524] : memref<4x1x32x512xf32, #tpu.memory_space<vmem>> -> memref<1x1x32x512xf32, #tpu.memory_space<vmem>>
      %get3A_526 = tpu.memref_squeeze %get3A_525 : memref<1x1x32x512xf32, #tpu.memory_space<vmem>> -> memref<1x32x512xf32, #tpu.memory_space<vmem>>
      %get3A_527 = arith.index_cast %get3A : i32 to index
      %get3A_528 = arith.index_cast %get3A_521 : i32 to index
      %get3A_529 = arith.index_cast %mul3A_520 : i32 to index
      %get3A_530 = tpu.vector_load %get3A_526[%get3A_527, %get3A_528, %get3A_529] {strides = array<i32>} : memref<1x32x512xf32, #tpu.memory_space<vmem>>, vector<1x1x16xf32>,
      %get3A_531 = vector.shape_cast %get3A_530 : vector<1x1x16xf32> to vector<16xf32>
      %get3A_532 = arith.constant 0 : i32
      %get3A_533 = arith.constant 17 : i32
      %get3A_534 = arith.constant 0 : i32
      %get3A_535 = arith.constant 0 : i32
      %get3A_536 = arith.constant 0 : i32
      %get3A_537 = tpu.memref_slice %arg4[%scan3A_501, %get3A_534, %get3A_535, %get3A_536] : memref<4x1x32x512xf32, #tpu.memory_space<vmem>> -> memref<1x1x32x512xf32, #tpu.memory_space<vmem>>
      %get3A_538 = tpu.memref_squeeze %get3A_537 : memref<1x1x32x512xf32, #tpu.memory_space<vmem>> -> memref<1x32x512xf32, #tpu.memory_space<vmem>>
      %get3A_539 = arith.index_cast %get3A_532 : i32 to index
      %get3A_540 = arith.index_cast %get3A_533 : i32 to index
      %get3A_541 = arith.index_cast %mul3A_520 : i32 to index
      %get3A_542 = tpu.vector_load %get3A_538[%get3A_539, %get3A_540, %get3A_541] {strides = array<i32>} : memref<1x32x512xf32, #tpu.memory_space<vmem>>, vector<1x1x16xf32>,
      %get3A_543 = vector.shape_cast %get3A_542 : vector<1x1x16xf32> to vector<16xf32>
      %add3A_544 = arith.addf %get3A_531, %get3A_543 : vector<16xf32>
      %get3A_545 = arith.constant 0 : i32
      %get3A_546 = arith.constant 18 : i32
      %get3A_547 = arith.constant 0 : i32
      %get3A_548 = arith.constant 0 : i32
      %get3A_549 = arith.constant 0 : i32
      %get3A_550 = tpu.memref_slice %arg4[%scan3A_501, %get3A_547, %get3A_548, %get3A_549] : memref<4x1x32x512xf32, #tpu.memory_space<vmem>> -> memref<1x1x32x512xf32, #tpu.memory_space<vmem>>
      %get3A_551 = tpu.memref_squeeze %get3A_550 : memref<1x1x32x512xf32, #tpu.memory_space<vmem>> -> memref<1x32x512xf32, #tpu.memory_space<vmem>>
      %get3A_552 = arith.index_cast %get3A_545 : i32 to index
      %get3A_553 = arith.index_cast %get3A_546 : i32 to index
      %get3A_554 = arith.index_cast %mul3A_520 : i32 to index
      %get3A_555 = tpu.vector_load %get3A_551[%get3A_552, %get3A_553, %get3A_554] {strides = array<i32>} : memref<1x32x512xf32, #tpu.memory_space<vmem>>, vector<1x1x16xf32>,
      %get3A_556 = vector.shape_cast %get3A_555 : vector<1x1x16xf32> to vector<16xf32>
      %add3A_557 = arith.addf %add3A_544, %get3A_556 : vector<16xf32>
      %get3A_558 = arith.constant 0 : i32
      %get3A_559 = arith.constant 19 : i32
      %get3A_560 = arith.constant 0 : i32
      %get3A_561 = arith.constant 0 : i32
      %get3A_562 = arith.constant 0 : i32
      %get3A_563 = tpu.memref_slice %arg4[%scan3A_501, %get3A_560, %get3A_561, %get3A_562] : memref<4x1x32x512xf32, #tpu.memory_space<vmem>> -> memref<1x1x32x512xf32, #tpu.memory_space<vmem>>
      %get3A_564 = tpu.memref_squeeze %get3A_563 : memref<1x1x32x512xf32, #tpu.memory_space<vmem>> -> memref<1x32x512xf32, #tpu.memory_space<vmem>>
      %get3A_565 = arith.index_cast %get3A_558 : i32 to index
      %get3A_566 = arith.index_cast %get3A_559 : i32 to index
      %get3A_567 = arith.index_cast %mul3A_520 : i32 to index
      %get3A_568 = tpu.vector_load %get3A_564[%get3A_565, %get3A_566, %get3A_567] {strides = array<i32>} : memref<1x32x512xf32, #tpu.memory_space<vmem>>, vector<1x1x16xf32>,
      %get3A_569 = vector.shape_cast %get3A_568 : vector<1x1x16xf32> to vector<16xf32>
      %add3A_570 = arith.addf %add3A_557, %get3A_569 : vector<16xf32>
      %get3A_571 = arith.constant 0 : i32
      %get3A_572 = arith.constant 20 : i32
      %get3A_573 = arith.constant 0 : i32
      %get3A_574 = arith.constant 0 : i32
      %get3A_575 = arith.constant 0 : i32
      %get3A_576 = tpu.memref_slice %arg4[%scan3A_501, %get3A_573, %get3A_574, %get3A_575] : memref<4x1x32x512xf32, #tpu.memory_space<vmem>> -> memref<1x1x32x512xf32, #tpu.memory_space<vmem>>
      %get3A_577 = tpu.memref_squeeze %get3A_576 : memref<1x1x32x512xf32, #tpu.memory_space<vmem>> -> memref<1x32x512xf32, #tpu.memory_space<vmem>>
      %get3A_578 = arith.index_cast %get3A_571 : i32 to index
      %get3A_579 = arith.index_cast %get3A_572 : i32 to index
      %get3A_580 = arith.index_cast %mul3A_520 : i32 to index
      %get3A_581 = tpu.vector_load %get3A_577[%get3A_578, %get3A_579, %get3A_580] {strides = array<i32>} : memref<1x32x512xf32, #tpu.memory_space<vmem>>, vector<1x1x16xf32>,
      %get3A_582 = vector.shape_cast %get3A_581 : vector<1x1x16xf32> to vector<16xf32>
      %add3A_583 = arith.addf %add3A_570, %get3A_582 : vector<16xf32>
      %get3A_584 = arith.constant 0 : i32
      %get3A_585 = arith.constant 21 : i32
      %get3A_586 = arith.constant 0 : i32
      %get3A_587 = arith.constant 0 : i32
      %get3A_588 = arith.constant 0 : i32
      %get3A_589 = tpu.memref_slice %arg4[%scan3A_501, %get3A_586, %get3A_587, %get3A_588] : memref<4x1x32x512xf32, #tpu.memory_space<vmem>> -> memref<1x1x32x512xf32, #tpu.memory_space<vmem>>
      %get3A_590 = tpu.memref_squeeze %get3A_589 : memref<1x1x32x512xf32, #tpu.memory_space<vmem>> -> memref<1x32x512xf32, #tpu.memory_space<vmem>>
      %get3A_591 = arith.index_cast %get3A_584 : i32 to index
      %get3A_592 = arith.index_cast %get3A_585 : i32 to index
      %get3A_593 = arith.index_cast %mul3A_520 : i32 to index
      %get3A_594 = tpu.vector_load %get3A_590[%get3A_591, %get3A_592, %get3A_593] {strides = array<i32>} : memref<1x32x512xf32, #tpu.memory_space<vmem>>, vector<1x1x16xf32>,
      %get3A_595 = vector.shape_cast %get3A_594 : vector<1x1x16xf32> to vector<16xf32>
      %add3A_596 = arith.addf %add3A_583, %get3A_595 : vector<16xf32>
      %get3A_597 = arith.constant 0 : i32
      %get3A_598 = arith.constant 22 : i32
      %get3A_599 = arith.constant 0 : i32
      %get3A_600 = arith.constant 0 : i32
      %get3A_601 = arith.constant 0 : i32
      %get3A_602 = tpu.memref_slice %arg4[%scan3A_501, %get3A_599, %get3A_600, %get3A_601] : memref<4x1x32x512xf32, #tpu.memory_space<vmem>> -> memref<1x1x32x512xf32, #tpu.memory_space<vmem>>
      %get3A_603 = tpu.memref_squeeze %get3A_602 : memref<1x1x32x512xf32, #tpu.memory_space<vmem>> -> memref<1x32x512xf32, #tpu.memory_space<vmem>>
      %get3A_604 = arith.index_cast %get3A_597 : i32 to index
      %get3A_605 = arith.index_cast %get3A_598 : i32 to index
      %get3A_606 = arith.index_cast %mul3A_520 : i32 to index
      %get3A_607 = tpu.vector_load %get3A_603[%get3A_604, %get3A_605, %get3A_606] {strides = array<i32>} : memref<1x32x512xf32, #tpu.memory_space<vmem>>, vector<1x1x16xf32>,
      %get3A_608 = vector.shape_cast %get3A_607 : vector<1x1x16xf32> to vector<16xf32>
      %add3A_609 = arith.addf %add3A_596, %get3A_608 : vector<16xf32>
      %get3A_610 = arith.constant 0 : i32
      %get3A_611 = arith.constant 23 : i32
      %get3A_612 = arith.constant 0 : i32
      %get3A_613 = arith.constant 0 : i32
      %get3A_614 = arith.constant 0 : i32
      %get3A_615 = tpu.memref_slice %arg4[%scan3A_501, %get3A_612, %get3A_613, %get3A_614] : memref<4x1x32x512xf32, #tpu.memory_space<vmem>> -> memref<1x1x32x512xf32, #tpu.memory_space<vmem>>
      %get3A_616 = tpu.memref_squeeze %get3A_615 : memref<1x1x32x512xf32, #tpu.memory_space<vmem>> -> memref<1x32x512xf32, #tpu.memory_space<vmem>>
      %get3A_617 = arith.index_cast %get3A_610 : i32 to index
      %get3A_618 = arith.index_cast %get3A_611 : i32 to index
      %get3A_619 = arith.index_cast %mul3A_520 : i32 to index
      %get3A_620 = tpu.vector_load %get3A_616[%get3A_617, %get3A_618, %get3A_619] {strides = array<i32>} : memref<1x32x512xf32, #tpu.memory_space<vmem>>, vector<1x1x16xf32>,
      %get3A_621 = vector.shape_cast %get3A_620 : vector<1x1x16xf32> to vector<16xf32>
      %add3A_622 = arith.addf %add3A_609, %get3A_621 : vector<16xf32>
      %get3A_623 = arith.constant 0 : i32
      %get3A_624 = arith.constant 24 : i32
      %get3A_625 = arith.constant 0 : i32
      %get3A_626 = arith.constant 0 : i32
      %get3A_627 = arith.constant 0 : i32
      %get3A_628 = tpu.memref_slice %arg4[%scan3A_501, %get3A_625, %get3A_626, %get3A_627] : memref<4x1x32x512xf32, #tpu.memory_space<vmem>> -> memref<1x1x32x512xf32, #tpu.memory_space<vmem>>
      %get3A_629 = tpu.memref_squeeze %get3A_628 : memref<1x1x32x512xf32, #tpu.memory_space<vmem>> -> memref<1x32x512xf32, #tpu.memory_space<vmem>>
      %get3A_630 = arith.index_cast %get3A_623 : i32 to index
      %get3A_631 = arith.index_cast %get3A_624 : i32 to index
      %get3A_632 = arith.index_cast %mul3A_520 : i32 to index
      %get3A_633 = tpu.vector_load %get3A_629[%get3A_630, %get3A_631, %get3A_632] {strides = array<i32>} : memref<1x32x512xf32, #tpu.memory_space<vmem>>, vector<1x1x16xf32>,
      %get3A_634 = vector.shape_cast %get3A_633 : vector<1x1x16xf32> to vector<16xf32>
      %add3A_635 = arith.addf %add3A_622, %get3A_634 : vector<16xf32>
      %get3A_636 = arith.constant 0 : i32
      %get3A_637 = arith.constant 25 : i32
      %get3A_638 = arith.constant 0 : i32
      %get3A_639 = arith.constant 0 : i32
      %get3A_640 = arith.constant 0 : i32
      %get3A_641 = tpu.memref_slice %arg4[%scan3A_501, %get3A_638, %get3A_639, %get3A_640] : memref<4x1x32x512xf32, #tpu.memory_space<vmem>> -> memref<1x1x32x512xf32, #tpu.memory_space<vmem>>
      %get3A_642 = tpu.memref_squeeze %get3A_641 : memref<1x1x32x512xf32, #tpu.memory_space<vmem>> -> memref<1x32x512xf32, #tpu.memory_space<vmem>>
      %get3A_643 = arith.index_cast %get3A_636 : i32 to index
      %get3A_644 = arith.index_cast %get3A_637 : i32 to index
      %get3A_645 = arith.index_cast %mul3A_520 : i32 to index
      %get3A_646 = tpu.vector_load %get3A_642[%get3A_643, %get3A_644, %get3A_645] {strides = array<i32>} : memref<1x32x512xf32, #tpu.memory_space<vmem>>, vector<1x1x16xf32>,
      %get3A_647 = vector.shape_cast %get3A_646 : vector<1x1x16xf32> to vector<16xf32>
      %add3A_648 = arith.addf %add3A_635, %get3A_647 : vector<16xf32>
      %get3A_649 = arith.constant 0 : i32
      %get3A_650 = arith.constant 26 : i32
      %get3A_651 = arith.constant 0 : i32
      %get3A_652 = arith.constant 0 : i32
      %get3A_653 = arith.constant 0 : i32
      %get3A_654 = tpu.memref_slice %arg4[%scan3A_501, %get3A_651, %get3A_652, %get3A_653] : memref<4x1x32x512xf32, #tpu.memory_space<vmem>> -> memref<1x1x32x512xf32, #tpu.memory_space<vmem>>
      %get3A_655 = tpu.memref_squeeze %get3A_654 : memref<1x1x32x512xf32, #tpu.memory_space<vmem>> -> memref<1x32x512xf32, #tpu.memory_space<vmem>>
      %get3A_656 = arith.index_cast %get3A_649 : i32 to index
      %get3A_657 = arith.index_cast %get3A_650 : i32 to index
      %get3A_658 = arith.index_cast %mul3A_520 : i32 to index
      %get3A_659 = tpu.vector_load %get3A_655[%get3A_656, %get3A_657, %get3A_658] {strides = array<i32>} : memref<1x32x512xf32, #tpu.memory_space<vmem>>, vector<1x1x16xf32>,
      %get3A_660 = vector.shape_cast %get3A_659 : vector<1x1x16xf32> to vector<16xf32>
      %add3A_661 = arith.addf %add3A_648, %get3A_660 : vector<16xf32>
      %get3A_662 = arith.constant 0 : i32
      %get3A_663 = arith.constant 27 : i32
      %get3A_664 = arith.constant 0 : i32
      %get3A_665 = arith.constant 0 : i32
      %get3A_666 = arith.constant 0 : i32
      %get3A_667 = tpu.memref_slice %arg4[%scan3A_501, %get3A_664, %get3A_665, %get3A_666] : memref<4x1x32x512xf32, #tpu.memory_space<vmem>> -> memref<1x1x32x512xf32, #tpu.memory_space<vmem>>
      %get3A_668 = tpu.memref_squeeze %get3A_667 : memref<1x1x32x512xf32, #tpu.memory_space<vmem>> -> memref<1x32x512xf32, #tpu.memory_space<vmem>>
      %get3A_669 = arith.index_cast %get3A_662 : i32 to index
      %get3A_670 = arith.index_cast %get3A_663 : i32 to index
      %get3A_671 = arith.index_cast %mul3A_520 : i32 to index
      %get3A_672 = tpu.vector_load %get3A_668[%get3A_669, %get3A_670, %get3A_671] {strides = array<i32>} : memref<1x32x512xf32, #tpu.memory_space<vmem>>, vector<1x1x16xf32>,
      %get3A_673 = vector.shape_cast %get3A_672 : vector<1x1x16xf32> to vector<16xf32>
      %add3A_674 = arith.addf %add3A_661, %get3A_673 : vector<16xf32>
      %get3A_675 = arith.constant 0 : i32
      %get3A_676 = arith.constant 28 : i32
      %get3A_677 = arith.constant 0 : i32
      %get3A_678 = arith.constant 0 : i32
      %get3A_679 = arith.constant 0 : i32
      %get3A_680 = tpu.memref_slice %arg4[%scan3A_501, %get3A_677, %get3A_678, %get3A_679] : memref<4x1x32x512xf32, #tpu.memory_space<vmem>> -> memref<1x1x32x512xf32, #tpu.memory_space<vmem>>
      %get3A_681 = tpu.memref_squeeze %get3A_680 : memref<1x1x32x512xf32, #tpu.memory_space<vmem>> -> memref<1x32x512xf32, #tpu.memory_space<vmem>>
      %get3A_682 = arith.index_cast %get3A_675 : i32 to index
      %get3A_683 = arith.index_cast %get3A_676 : i32 to index
      %get3A_684 = arith.index_cast %mul3A_520 : i32 to index
      %get3A_685 = tpu.vector_load %get3A_681[%get3A_682, %get3A_683, %get3A_684] {strides = array<i32>} : memref<1x32x512xf32, #tpu.memory_space<vmem>>, vector<1x1x16xf32>,
      %get3A_686 = vector.shape_cast %get3A_685 : vector<1x1x16xf32> to vector<16xf32>
      %add3A_687 = arith.addf %add3A_674, %get3A_686 : vector<16xf32>
      %get3A_688 = arith.constant 0 : i32
      %get3A_689 = arith.constant 29 : i32
      %get3A_690 = arith.constant 0 : i32
      %get3A_691 = arith.constant 0 : i32
      %get3A_692 = arith.constant 0 : i32
      %get3A_693 = tpu.memref_slice %arg4[%scan3A_501, %get3A_690, %get3A_691, %get3A_692] : memref<4x1x32x512xf32, #tpu.memory_space<vmem>> -> memref<1x1x32x512xf32, #tpu.memory_space<vmem>>
      %get3A_694 = tpu.memref_squeeze %get3A_693 : memref<1x1x32x512xf32, #tpu.memory_space<vmem>> -> memref<1x32x512xf32, #tpu.memory_space<vmem>>
      %get3A_695 = arith.index_cast %get3A_688 : i32 to index
      %get3A_696 = arith.index_cast %get3A_689 : i32 to index
      %get3A_697 = arith.index_cast %mul3A_520 : i32 to index
      %get3A_698 = tpu.vector_load %get3A_694[%get3A_695, %get3A_696, %get3A_697] {strides = array<i32>} : memref<1x32x512xf32, #tpu.memory_space<vmem>>, vector<1x1x16xf32>,
      %get3A_699 = vector.shape_cast %get3A_698 : vector<1x1x16xf32> to vector<16xf32>
      %add3A_700 = arith.addf %add3A_687, %get3A_699 : vector<16xf32>
      %get3A_701 = arith.constant 0 : i32
      %get3A_702 = arith.constant 30 : i32
      %get3A_703 = arith.constant 0 : i32
      %get3A_704 = arith.constant 0 : i32
      %get3A_705 = arith.constant 0 : i32
      %get3A_706 = tpu.memref_slice %arg4[%scan3A_501, %get3A_703, %get3A_704, %get3A_705] : memref<4x1x32x512xf32, #tpu.memory_space<vmem>> -> memref<1x1x32x512xf32, #tpu.memory_space<vmem>>
      %get3A_707 = tpu.memref_squeeze %get3A_706 : memref<1x1x32x512xf32, #tpu.memory_space<vmem>> -> memref<1x32x512xf32, #tpu.memory_space<vmem>>
      %get3A_708 = arith.index_cast %get3A_701 : i32 to index
      %get3A_709 = arith.index_cast %get3A_702 : i32 to index
      %get3A_710 = arith.index_cast %mul3A_520 : i32 to index
      %get3A_711 = tpu.vector_load %get3A_707[%get3A_708, %get3A_709, %get3A_710] {strides = array<i32>} : memref<1x32x512xf32, #tpu.memory_space<vmem>>, vector<1x1x16xf32>,
      %get3A_712 = vector.shape_cast %get3A_711 : vector<1x1x16xf32> to vector<16xf32>
      %add3A_713 = arith.addf %add3A_700, %get3A_712 : vector<16xf32>
      %get3A_714 = arith.constant 0 : i32
      %get3A_715 = arith.constant 31 : i32
      %get3A_716 = arith.constant 0 : i32
      %get3A_717 = arith.constant 0 : i32
      %get3A_718 = arith.constant 0 : i32
      %get3A_719 = tpu.memref_slice %arg4[%scan3A_501, %get3A_716, %get3A_717, %get3A_718] : memref<4x1x32x512xf32, #tpu.memory_space<vmem>> -> memref<1x1x32x512xf32, #tpu.memory_space<vmem>>
      %get3A_720 = tpu.memref_squeeze %get3A_719 : memref<1x1x32x512xf32, #tpu.memory_space<vmem>> -> memref<1x32x512xf32, #tpu.memory_space<vmem>>
      %get3A_721 = arith.index_cast %get3A_714 : i32 to index
      %get3A_722 = arith.index_cast %get3A_715 : i32 to index
      %get3A_723 = arith.index_cast %mul3A_520 : i32 to index
      %get3A_724 = tpu.vector_load %get3A_720[%get3A_721, %get3A_722, %get3A_723] {strides = array<i32>} : memref<1x32x512xf32, #tpu.memory_space<vmem>>, vector<1x1x16xf32>,
      %get3A_725 = vector.shape_cast %get3A_724 : vector<1x1x16xf32> to vector<16xf32>
      %add3A_726 = arith.addf %add3A_713, %get3A_725 : vector<16xf32>
      %mul3A_727 = arith.constant 6.250000e-02 : f32
      %mul3A_728 = vector.broadcast %mul3A_727 : f32 to vector<16xf32>
      %mul3A_729 = arith.mulf %add3A_726, %mul3A_728 : vector<16xf32>
      %add3A_730 = arith.constant 1536 : i32
      %add3A_731 = arith.addi %add3A_730, %mul3A_520 : i32
      %swap3A = arith.constant 0 : i32
      %swap3A_732 = arith.index_cast %swap3A : i32 to index
      %swap3A_733 = arith.index_cast %add3A_731 : i32 to index
      %swap3A_734 = tpu.vector_load %arg5[%swap3A_732, %swap3A_733] {strides = array<i32>} : memref<1x2048xf32, #tpu.memory_space<vmem>>, vector<1x16xf32>,
      %swap3A_735 = vector.shape_cast %swap3A_734 : vector<1x16xf32> to vector<16xf32>
      %swap3A_736 = vector.shape_cast %mul3A_729 : vector<16xf32> to vector<1x16xf32>
      tpu.vector_store %arg5[%swap3A_732, %swap3A_733], %swap3A_736 {strides = array<i32>} : memref<1x2048xf32, #tpu.memory_space<vmem>>, vector<1x16xf32>,
    }
    %scan3A_506 = arith.constant 32 : i32
    %sub3A_507 = arith.constant 448 : i32
    %sub3A_508 = arith.subi %add3A_492, %sub3A_507 : i32
    %dma_start3A_509 = arith.constant 0 : i32
    %dma_start3A_510 = tpu.memref_slice %arg3[%sub3A_508, %dma_start3A_509] : memref<64x2048xf32, #tpu.memory_space<hbm>> -> memref<1x2048xf32, #tpu.memory_space<hbm>>
    %dma_start3A_511 = arith.constant 0 : i32
    %dma_start3A_512 = tpu.memref_slice %arg3[%sub3A_508, %dma_start3A_511] : memref<64x2048xf32, #tpu.memory_space<hbm>> -> memref<1x2048xf32, #tpu.memory_space<hbm>>
    tpu.enqueue_dma source(%arg5 : memref<1x2048xf32, #tpu.memory_space<vmem>>) target(%dma_start3A_512 : memref<1x2048xf32, #tpu.memory_space<hbm>>) target_semaphore(%arg10 : memref<!tpu.dma_semaphore, #tpu.memory_space<semaphore_mem>>)
    %dma_wait3A_513 = arith.constant 0 : i32
    %dma_wait3A_514 = tpu.memref_slice %arg3[%sub3A_508, %dma_wait3A_513] : memref<64x2048xf32, #tpu.memory_space<hbm>> -> memref<1x2048xf32, #tpu.memory_space<hbm>>
    %dma_wait3A_515 = arith.constant 0 : i32
    %dma_wait3A_516 = tpu.memref_slice %arg3[%sub3A_508, %dma_wait3A_515] : memref<64x2048xf32, #tpu.memory_space<hbm>> -> memref<1x2048xf32, #tpu.memory_space<hbm>>
    tpu.wait_dma2 semaphore(%arg10 : memref<!tpu.dma_semaphore, #tpu.memory_space<semaphore_mem>>) src(%arg5 : memref<1x2048xf32, #tpu.memory_space<vmem>>) dst(%dma_wait3A_516 : memref<1x2048xf32, #tpu.memory_space<hbm>>)
    %scan3A_517 = arith.constant 1 : i32
    return
  }
}

module attributes {stable_mosaic.version = 14 : i64} {
  func.func @_body(%arg0: i32, %arg1: memref<2xf32, #tpu.memory_space<smem>>, %arg2: memref<32x64x512xf32, #tpu.memory_space<vmem>>, %arg3: memref<64x2048xf32, #tpu.memory_space<vmem>>, %arg4: memref<512x64xf32, #tpu.memory_space<vmem>>, %arg5: memref<16x32xf32, #tpu.memory_space<vmem>>, %arg6: memref<1x32xf32, #tpu.memory_space<vmem>>, %arg7: memref<32x16xf32, #tpu.memory_space<vmem>>, %arg8: memref<1x16xf32, #tpu.memory_space<vmem>>, %arg9: memref<64x32xf32, #tpu.memory_space<vmem>>, %arg10: memref<1x32xf32, #tpu.memory_space<vmem>>, %arg11: memref<32x16xf32, #tpu.memory_space<vmem>>, %arg12: memref<1x16xf32, #tpu.memory_space<vmem>>, %arg13: memref<512x16xf32, #tpu.memory_space<vmem>>, %arg14: memref<4x512x512xf32, #tpu.memory_space<vmem>>) attributes {dimension_semantics = [#tpu.dimension_semantics<arbitrary>], iteration_bounds = array<i64: 14>, scalar_prefetch = 0 : i64, scratch_operands = 1 : i64, tpu.core_type = #tpu.core_type<tc>, window_params = [{transform_indices = @transform_0, window_bounds = array<i64: 2>}, {transform_indices = @transform_1, window_bounds = array<i64: 32, 64, 512>}, {pipeline_mode = #tpu.pipeline_mode<synchronous>, transform_indices = @transform_2, window_bounds = array<i64: 64, 2048>}, {pipeline_mode = #tpu.pipeline_mode<synchronous>, transform_indices = @transform_3, window_bounds = array<i64: 512, 64>}, {pipeline_mode = #tpu.pipeline_mode<synchronous>, transform_indices = @transform_4, window_bounds = array<i64: 16, 32>}, {pipeline_mode = #tpu.pipeline_mode<synchronous>, transform_indices = @transform_5, window_bounds = array<i64: 1, 32>}, {pipeline_mode = #tpu.pipeline_mode<synchronous>, transform_indices = @transform_6, window_bounds = array<i64: 32, 16>}, {pipeline_mode = #tpu.pipeline_mode<synchronous>, transform_indices = @transform_7, window_bounds = array<i64: 1, 16>}, {pipeline_mode = #tpu.pipeline_mode<synchronous>, transform_indices = @transform_8, window_bounds = array<i64: 64, 32>}, {pipeline_mode = #tpu.pipeline_mode<synchronous>, transform_indices = @transform_9, window_bounds = array<i64: 1, 32>}, {pipeline_mode = #tpu.pipeline_mode<synchronous>, transform_indices = @transform_10, window_bounds = array<i64: 32, 16>}, {pipeline_mode = #tpu.pipeline_mode<synchronous>, transform_indices = @transform_11, window_bounds = array<i64: 1, 16>}, {pipeline_mode = #tpu.pipeline_mode<synchronous>, transform_indices = @transform_12, window_bounds = array<i64: 512, 16>}]} {
    %mul3A = arith.constant 32 : i32
    %mul3A_0 = arith.muli %arg0, %mul3A : i32
    %get3A = arith.constant 0 : index
    %get3A_1 = arith.constant 0 : index
    %get3A_2 = arith.constant 0 : index
    %get3A_3 = vector.load %arg2[%get3A, %get3A_1, %get3A_2] : memref<32x64x512xf32, #tpu.memory_space<vmem>>, vector<32x64x512xf32>
    %slice3A = vector.extract_strided_slice %get3A_3 {offsets = [0, 0, 0], sizes = [32, 16, 512], strides = [1, 1, 1]} : vector<32x64x512xf32> to vector<32x16x512xf32>
    %reduce_sum3A = arith.constant dense<0.000000e+00> : vector<32x512xf32>
    %reduce_sum3A_4 = vector.multi_reduction <add>, %slice3A, %reduce_sum3A [1] : vector<32x16x512xf32> to vector<32x512xf32>
    %mul3A_5 = arith.constant 6.250000e-02 : f32
    %mul3A_6 = vector.broadcast %mul3A_5 : f32 to vector<32x512xf32>
    %mul3A_7 = arith.mulf %reduce_sum3A_4, %mul3A_6 : vector<32x512xf32>
    %swap3A = arith.constant 0 : index
    %swap3A_8 = arith.index_cast %mul3A_0 : i32 to index
    %swap3A_9 = arith.constant 0 : index
    %swap3A_10 = vector.load %arg14[%swap3A, %swap3A_8, %swap3A_9] : memref<4x512x512xf32, #tpu.memory_space<vmem>>, vector<1x32x512xf32>
    %swap3A_11 = vector.shape_cast %swap3A_10 : vector<1x32x512xf32> to vector<32x512xf32>
    %swap3A_12 = vector.shape_cast %mul3A_7 : vector<32x512xf32> to vector<1x32x512xf32>
    tpu.vector_store %arg14[%swap3A, %swap3A_8, %swap3A_9], %swap3A_12 {strides = array<i32>} : memref<4x512x512xf32, #tpu.memory_space<vmem>>, vector<1x32x512xf32>,
    %slice3A_13 = vector.extract_strided_slice %get3A_3 {offsets = [0, 16, 0], sizes = [32, 16, 512], strides = [1, 1, 1]} : vector<32x64x512xf32> to vector<32x16x512xf32>
    %reduce_sum3A_14 = arith.constant dense<0.000000e+00> : vector<32x512xf32>
    %reduce_sum3A_15 = vector.multi_reduction <add>, %slice3A_13, %reduce_sum3A_14 [1] : vector<32x16x512xf32> to vector<32x512xf32>
    %mul3A_16 = arith.constant 6.250000e-02 : f32
    %mul3A_17 = vector.broadcast %mul3A_16 : f32 to vector<32x512xf32>
    %mul3A_18 = arith.mulf %reduce_sum3A_15, %mul3A_17 : vector<32x512xf32>
    %swap3A_19 = arith.constant 1 : index
    %swap3A_20 = arith.index_cast %mul3A_0 : i32 to index
    %swap3A_21 = arith.constant 0 : index
    %swap3A_22 = vector.load %arg14[%swap3A_19, %swap3A_20, %swap3A_21] : memref<4x512x512xf32, #tpu.memory_space<vmem>>, vector<1x32x512xf32>
    %swap3A_23 = vector.shape_cast %swap3A_22 : vector<1x32x512xf32> to vector<32x512xf32>
    %swap3A_24 = vector.shape_cast %mul3A_18 : vector<32x512xf32> to vector<1x32x512xf32>
    tpu.vector_store %arg14[%swap3A_19, %swap3A_20, %swap3A_21], %swap3A_24 {strides = array<i32>} : memref<4x512x512xf32, #tpu.memory_space<vmem>>, vector<1x32x512xf32>,
    %slice3A_25 = vector.extract_strided_slice %get3A_3 {offsets = [0, 32, 0], sizes = [32, 16, 512], strides = [1, 1, 1]} : vector<32x64x512xf32> to vector<32x16x512xf32>
    %reduce_sum3A_26 = arith.constant dense<0.000000e+00> : vector<32x512xf32>
    %reduce_sum3A_27 = vector.multi_reduction <add>, %slice3A_25, %reduce_sum3A_26 [1] : vector<32x16x512xf32> to vector<32x512xf32>
    %mul3A_28 = arith.constant 6.250000e-02 : f32
    %mul3A_29 = vector.broadcast %mul3A_28 : f32 to vector<32x512xf32>
    %mul3A_30 = arith.mulf %reduce_sum3A_27, %mul3A_29 : vector<32x512xf32>
    %swap3A_31 = arith.constant 2 : index
    %swap3A_32 = arith.index_cast %mul3A_0 : i32 to index
    %swap3A_33 = arith.constant 0 : index
    %swap3A_34 = vector.load %arg14[%swap3A_31, %swap3A_32, %swap3A_33] : memref<4x512x512xf32, #tpu.memory_space<vmem>>, vector<1x32x512xf32>
    %swap3A_35 = vector.shape_cast %swap3A_34 : vector<1x32x512xf32> to vector<32x512xf32>
    %swap3A_36 = vector.shape_cast %mul3A_30 : vector<32x512xf32> to vector<1x32x512xf32>
    tpu.vector_store %arg14[%swap3A_31, %swap3A_32, %swap3A_33], %swap3A_36 {strides = array<i32>} : memref<4x512x512xf32, #tpu.memory_space<vmem>>, vector<1x32x512xf32>,
    %slice3A_37 = vector.extract_strided_slice %get3A_3 {offsets = [0, 48, 0], sizes = [32, 16, 512], strides = [1, 1, 1]} : vector<32x64x512xf32> to vector<32x16x512xf32>
    %reduce_sum3A_38 = arith.constant dense<0.000000e+00> : vector<32x512xf32>
    %reduce_sum3A_39 = vector.multi_reduction <add>, %slice3A_37, %reduce_sum3A_38 [1] : vector<32x16x512xf32> to vector<32x512xf32>
    %mul3A_40 = arith.constant 6.250000e-02 : f32
    %mul3A_41 = vector.broadcast %mul3A_40 : f32 to vector<32x512xf32>
    %mul3A_42 = arith.mulf %reduce_sum3A_39, %mul3A_41 : vector<32x512xf32>
    %swap3A_43 = arith.constant 3 : index
    %swap3A_44 = arith.index_cast %mul3A_0 : i32 to index
    %swap3A_45 = arith.constant 0 : index
    %swap3A_46 = vector.load %arg14[%swap3A_43, %swap3A_44, %swap3A_45] : memref<4x512x512xf32, #tpu.memory_space<vmem>>, vector<1x32x512xf32>
    %swap3A_47 = vector.shape_cast %swap3A_46 : vector<1x32x512xf32> to vector<32x512xf32>
    %swap3A_48 = vector.shape_cast %mul3A_42 : vector<32x512xf32> to vector<1x32x512xf32>
    tpu.vector_store %arg14[%swap3A_43, %swap3A_44, %swap3A_45], %swap3A_48 {strides = array<i32>} : memref<4x512x512xf32, #tpu.memory_space<vmem>>, vector<1x32x512xf32>,
    %eq3A = arith.constant 13 : i32
    %eq3A_49 = arith.cmpi eq, %arg0, %eq3A : i32
    %convert_element_type3A = arith.extui %eq3A_49 : i1 to i32
    %cond3A = arith.constant 0 : i32
    %cond3A_50 = arith.cmpi ne, %convert_element_type3A, %cond3A : i32
    scf.if %cond3A_50 {
      %get3A_51 = arith.constant 0 : index
      %get3A_52 = arith.constant 0 : index
      %get3A_53 = vector.load %arg3[%get3A_51, %get3A_52] : memref<64x2048xf32, #tpu.memory_space<vmem>>, vector<64x512xf32>
      %swap3A_54 = arith.constant 0 : index
      %swap3A_55 = arith.constant 448 : index
      %swap3A_56 = arith.constant 0 : index
      %swap3A_57 = vector.load %arg14[%swap3A_54, %swap3A_55, %swap3A_56] : memref<4x512x512xf32, #tpu.memory_space<vmem>>, vector<1x64x512xf32>
      %swap3A_58 = vector.shape_cast %swap3A_57 : vector<1x64x512xf32> to vector<64x512xf32>
      %swap3A_59 = vector.shape_cast %get3A_53 : vector<64x512xf32> to vector<1x64x512xf32>
      tpu.vector_store %arg14[%swap3A_54, %swap3A_55, %swap3A_56], %swap3A_59 {strides = array<i32>} : memref<4x512x512xf32, #tpu.memory_space<vmem>>, vector<1x64x512xf32>,
      %get3A_60 = arith.constant 0 : index
      %get3A_61 = arith.constant 512 : index
      %get3A_62 = vector.load %arg3[%get3A_60, %get3A_61] : memref<64x2048xf32, #tpu.memory_space<vmem>>, vector<64x512xf32>
      %swap3A_63 = arith.constant 1 : index
      %swap3A_64 = arith.constant 448 : index
      %swap3A_65 = arith.constant 0 : index
      %swap3A_66 = vector.load %arg14[%swap3A_63, %swap3A_64, %swap3A_65] : memref<4x512x512xf32, #tpu.memory_space<vmem>>, vector<1x64x512xf32>
      %swap3A_67 = vector.shape_cast %swap3A_66 : vector<1x64x512xf32> to vector<64x512xf32>
      %swap3A_68 = vector.shape_cast %get3A_62 : vector<64x512xf32> to vector<1x64x512xf32>
      tpu.vector_store %arg14[%swap3A_63, %swap3A_64, %swap3A_65], %swap3A_68 {strides = array<i32>} : memref<4x512x512xf32, #tpu.memory_space<vmem>>, vector<1x64x512xf32>,
      %get3A_69 = arith.constant 0 : index
      %get3A_70 = arith.constant 1024 : index
      %get3A_71 = vector.load %arg3[%get3A_69, %get3A_70] : memref<64x2048xf32, #tpu.memory_space<vmem>>, vector<64x512xf32>
      %swap3A_72 = arith.constant 2 : index
      %swap3A_73 = arith.constant 448 : index
      %swap3A_74 = arith.constant 0 : index
      %swap3A_75 = vector.load %arg14[%swap3A_72, %swap3A_73, %swap3A_74] : memref<4x512x512xf32, #tpu.memory_space<vmem>>, vector<1x64x512xf32>
      %swap3A_76 = vector.shape_cast %swap3A_75 : vector<1x64x512xf32> to vector<64x512xf32>
      %swap3A_77 = vector.shape_cast %get3A_71 : vector<64x512xf32> to vector<1x64x512xf32>
      tpu.vector_store %arg14[%swap3A_72, %swap3A_73, %swap3A_74], %swap3A_77 {strides = array<i32>} : memref<4x512x512xf32, #tpu.memory_space<vmem>>, vector<1x64x512xf32>,
      %get3A_78 = arith.constant 0 : index
      %get3A_79 = arith.constant 1536 : index
      %get3A_80 = vector.load %arg3[%get3A_78, %get3A_79] : memref<64x2048xf32, #tpu.memory_space<vmem>>, vector<64x512xf32>
      %swap3A_81 = arith.constant 3 : index
      %swap3A_82 = arith.constant 448 : index
      %swap3A_83 = arith.constant 0 : index
      %swap3A_84 = vector.load %arg14[%swap3A_81, %swap3A_82, %swap3A_83] : memref<4x512x512xf32, #tpu.memory_space<vmem>>, vector<1x64x512xf32>
      %swap3A_85 = vector.shape_cast %swap3A_84 : vector<1x64x512xf32> to vector<64x512xf32>
      %swap3A_86 = vector.shape_cast %get3A_80 : vector<64x512xf32> to vector<1x64x512xf32>
      tpu.vector_store %arg14[%swap3A_81, %swap3A_82, %swap3A_83], %swap3A_86 {strides = array<i32>} : memref<4x512x512xf32, #tpu.memory_space<vmem>>, vector<1x64x512xf32>,
      %get3A_87 = arith.constant 0 : index
      %get3A_88 = memref.load %arg1[%get3A_87] : memref<2xf32, #tpu.memory_space<smem>>
      %add3A = arith.constant 1.000000e+00 : f32
      %add3A_89 = arith.addf %add3A, %get3A_88 : f32
      %get3A_90 = arith.constant 1 : index
      %get3A_91 = memref.load %arg1[%get3A_90] : memref<2xf32, #tpu.memory_space<smem>>
      %add3A_92 = arith.constant 1.000000e+00 : f32
      %add3A_93 = arith.addf %add3A_92, %get3A_91 : f32
      %get3A_94 = arith.constant 0 : index
      %get3A_95 = arith.constant 0 : index
      %get3A_96 = vector.load %arg5[%get3A_94, %get3A_95] : memref<16x32xf32, #tpu.memory_space<vmem>>, vector<16x32xf32>
      %get3A_97 = arith.constant 0 : index
      %get3A_98 = arith.constant 0 : index
      %get3A_99 = vector.load %arg6[%get3A_97, %get3A_98] : memref<1x32xf32, #tpu.memory_space<vmem>>, vector<1x32xf32>
      %get3A_100 = arith.constant 0 : index
      %get3A_101 = arith.constant 0 : index
      %get3A_102 = vector.load %arg7[%get3A_100, %get3A_101] : memref<32x16xf32, #tpu.memory_space<vmem>>, vector<32x16xf32>
      %get3A_103 = arith.constant 0 : index
      %get3A_104 = arith.constant 0 : index
      %get3A_105 = vector.load %arg8[%get3A_103, %get3A_104] : memref<1x16xf32, #tpu.memory_space<vmem>>, vector<1x16xf32>
      %get3A_106 = arith.constant 0 : index
      %get3A_107 = arith.constant 0 : index
      %get3A_108 = vector.load %arg4[%get3A_106, %get3A_107] : memref<512x64xf32, #tpu.memory_space<vmem>>, vector<512x64xf32>
      %get3A_109 = arith.constant 0 : index
      %get3A_110 = arith.constant 0 : index
      %get3A_111 = arith.constant 0 : index
      %get3A_112 = vector.load %arg14[%get3A_109, %get3A_110, %get3A_111] : memref<4x512x512xf32, #tpu.memory_space<vmem>>, vector<1x512x512xf32>
      %get3A_113 = vector.shape_cast %get3A_112 : vector<1x512x512xf32> to vector<512x512xf32>
      %slice3A_114 = vector.extract_strided_slice %get3A_108 {offsets = [0, 0], sizes = [512, 16], strides = [1, 1]} : vector<512x64xf32> to vector<512x16xf32>
      %dot_general3A = arith.constant dense<0.000000e+00> : vector<512x16xf32>
      %dot_general3A_115 = tpu.matmul %get3A_113, %slice3A_114, %dot_general3A {dimension_numbers = #tpu.dot_dimension_numbers<[1], [0], [0], [1], [0, 0, 1, 1], [], []>, transpose_lhs_hint = false} : vector<512x512xf32>, vector<512x16xf32>, vector<512x16xf32> -> vector<512x16xf32>
      %mul3A_116 = vector.broadcast %add3A_89 : f32 to vector<512x16xf32>
      %mul3A_117 = arith.mulf %mul3A_116, %slice3A_114 : vector<512x16xf32>
      %add3A_118 = arith.addf %mul3A_117, %dot_general3A_115 : vector<512x16xf32>
      %dot_general3A_119 = arith.constant dense<0.000000e+00> : vector<512x32xf32>
      %dot_general3A_120 = tpu.matmul %add3A_118, %get3A_96, %dot_general3A_119 {dimension_numbers = #tpu.dot_dimension_numbers<[1], [0], [0], [1], [0, 0, 1, 1], [], []>, transpose_lhs_hint = false} : vector<512x16xf32>, vector<16x32xf32>, vector<512x32xf32> -> vector<512x32xf32>
      %add3A_121 = vector.broadcast %get3A_99 : vector<1x32xf32> to vector<512x32xf32>
      %add3A_122 = arith.addf %dot_general3A_120, %add3A_121 : vector<512x32xf32>
      %max3A = arith.constant 0.000000e+00 : f32
      %max3A_123 = vector.broadcast %max3A : f32 to vector<512x32xf32>
      %max3A_124 = arith.maximumf %add3A_122, %max3A_123 : vector<512x32xf32>
      %mul3A_125 = vector.broadcast %add3A_89 : f32 to vector<512x16xf32>
      %mul3A_126 = arith.mulf %mul3A_125, %slice3A_114 : vector<512x16xf32>
      %sub3A = arith.subf %dot_general3A_115, %mul3A_126 : vector<512x16xf32>
      %dot_general3A_127 = arith.constant dense<0.000000e+00> : vector<512x32xf32>
      %dot_general3A_128 = tpu.matmul %sub3A, %get3A_96, %dot_general3A_127 {dimension_numbers = #tpu.dot_dimension_numbers<[1], [0], [0], [1], [0, 0, 1, 1], [], []>, transpose_lhs_hint = false} : vector<512x16xf32>, vector<16x32xf32>, vector<512x32xf32> -> vector<512x32xf32>
      %add3A_129 = vector.broadcast %get3A_99 : vector<1x32xf32> to vector<512x32xf32>
      %add3A_130 = arith.addf %dot_general3A_128, %add3A_129 : vector<512x32xf32>
      %max3A_131 = arith.constant 0.000000e+00 : f32
      %max3A_132 = vector.broadcast %max3A_131 : f32 to vector<512x32xf32>
      %max3A_133 = arith.maximumf %add3A_130, %max3A_132 : vector<512x32xf32>
      %concatenate3A = tpu.concatenate %max3A_124, %max3A_133 in 1 : vector<512x32xf32>, vector<512x32xf32> -> vector<512x64xf32>
      %dot_general3A_134 = arith.constant dense<0.000000e+00> : vector<512x64xf32>
      %dot_general3A_135 = tpu.matmul %get3A_113, %concatenate3A, %dot_general3A_134 {dimension_numbers = #tpu.dot_dimension_numbers<[1], [0], [0], [1], [0, 0, 1, 1], [], []>, transpose_lhs_hint = false} : vector<512x512xf32>, vector<512x64xf32>, vector<512x64xf32> -> vector<512x64xf32>
      %mul3A_136 = vector.broadcast %add3A_93 : f32 to vector<512x32xf32>
      %mul3A_137 = arith.mulf %mul3A_136, %max3A_124 : vector<512x32xf32>
      %slice3A_138 = vector.extract_strided_slice %dot_general3A_135 {offsets = [0, 0], sizes = [512, 32], strides = [1, 1]} : vector<512x64xf32> to vector<512x32xf32>
      %add3A_139 = arith.addf %mul3A_137, %slice3A_138 : vector<512x32xf32>
      %dot_general3A_140 = arith.constant dense<0.000000e+00> : vector<512x16xf32>
      %dot_general3A_141 = tpu.matmul %add3A_139, %get3A_102, %dot_general3A_140 {dimension_numbers = #tpu.dot_dimension_numbers<[1], [0], [0], [1], [0, 0, 1, 1], [], []>, transpose_lhs_hint = false} : vector<512x32xf32>, vector<32x16xf32>, vector<512x16xf32> -> vector<512x16xf32>
      %add3A_142 = vector.broadcast %get3A_105 : vector<1x16xf32> to vector<512x16xf32>
      %add3A_143 = arith.addf %dot_general3A_141, %add3A_142 : vector<512x16xf32>
      %mul3A_144 = vector.broadcast %add3A_93 : f32 to vector<512x32xf32>
      %mul3A_145 = arith.mulf %mul3A_144, %max3A_133 : vector<512x32xf32>
      %slice3A_146 = vector.extract_strided_slice %dot_general3A_135 {offsets = [0, 32], sizes = [512, 32], strides = [1, 1]} : vector<512x64xf32> to vector<512x32xf32>
      %sub3A_147 = arith.subf %mul3A_145, %slice3A_146 : vector<512x32xf32>
      %dot_general3A_148 = arith.constant dense<0.000000e+00> : vector<512x16xf32>
      %dot_general3A_149 = tpu.matmul %sub3A_147, %get3A_102, %dot_general3A_148 {dimension_numbers = #tpu.dot_dimension_numbers<[1], [0], [0], [1], [0, 0, 1, 1], [], []>, transpose_lhs_hint = false} : vector<512x32xf32>, vector<32x16xf32>, vector<512x16xf32> -> vector<512x16xf32>
      %add3A_150 = vector.broadcast %get3A_105 : vector<1x16xf32> to vector<512x16xf32>
      %add3A_151 = arith.addf %dot_general3A_149, %add3A_150 : vector<512x16xf32>
      %add3A_152 = arith.addf %add3A_143, %add3A_151 : vector<512x16xf32>
      %get3A_153 = arith.constant 1 : index
      %get3A_154 = arith.constant 0 : index
      %get3A_155 = arith.constant 0 : index
      %get3A_156 = vector.load %arg14[%get3A_153, %get3A_154, %get3A_155] : memref<4x512x512xf32, #tpu.memory_space<vmem>>, vector<1x512x512xf32>
      %get3A_157 = vector.shape_cast %get3A_156 : vector<1x512x512xf32> to vector<512x512xf32>
      %slice3A_158 = vector.extract_strided_slice %get3A_108 {offsets = [0, 16], sizes = [512, 16], strides = [1, 1]} : vector<512x64xf32> to vector<512x16xf32>
      %dot_general3A_159 = arith.constant dense<0.000000e+00> : vector<512x16xf32>
      %dot_general3A_160 = tpu.matmul %get3A_157, %slice3A_158, %dot_general3A_159 {dimension_numbers = #tpu.dot_dimension_numbers<[1], [0], [0], [1], [0, 0, 1, 1], [], []>, transpose_lhs_hint = false} : vector<512x512xf32>, vector<512x16xf32>, vector<512x16xf32> -> vector<512x16xf32>
      %mul3A_161 = vector.broadcast %add3A_89 : f32 to vector<512x16xf32>
      %mul3A_162 = arith.mulf %mul3A_161, %slice3A_158 : vector<512x16xf32>
      %add3A_163 = arith.addf %mul3A_162, %dot_general3A_160 : vector<512x16xf32>
      %dot_general3A_164 = arith.constant dense<0.000000e+00> : vector<512x32xf32>
      %dot_general3A_165 = tpu.matmul %add3A_163, %get3A_96, %dot_general3A_164 {dimension_numbers = #tpu.dot_dimension_numbers<[1], [0], [0], [1], [0, 0, 1, 1], [], []>, transpose_lhs_hint = false} : vector<512x16xf32>, vector<16x32xf32>, vector<512x32xf32> -> vector<512x32xf32>
      %add3A_166 = vector.broadcast %get3A_99 : vector<1x32xf32> to vector<512x32xf32>
      %add3A_167 = arith.addf %dot_general3A_165, %add3A_166 : vector<512x32xf32>
      %max3A_168 = arith.constant 0.000000e+00 : f32
      %max3A_169 = vector.broadcast %max3A_168 : f32 to vector<512x32xf32>
      %max3A_170 = arith.maximumf %add3A_167, %max3A_169 : vector<512x32xf32>
      %mul3A_171 = vector.broadcast %add3A_89 : f32 to vector<512x16xf32>
      %mul3A_172 = arith.mulf %mul3A_171, %slice3A_158 : vector<512x16xf32>
      %sub3A_173 = arith.subf %dot_general3A_160, %mul3A_172 : vector<512x16xf32>
      %dot_general3A_174 = arith.constant dense<0.000000e+00> : vector<512x32xf32>
      %dot_general3A_175 = tpu.matmul %sub3A_173, %get3A_96, %dot_general3A_174 {dimension_numbers = #tpu.dot_dimension_numbers<[1], [0], [0], [1], [0, 0, 1, 1], [], []>, transpose_lhs_hint = false} : vector<512x16xf32>, vector<16x32xf32>, vector<512x32xf32> -> vector<512x32xf32>
      %add3A_176 = vector.broadcast %get3A_99 : vector<1x32xf32> to vector<512x32xf32>
      %add3A_177 = arith.addf %dot_general3A_175, %add3A_176 : vector<512x32xf32>
      %max3A_178 = arith.constant 0.000000e+00 : f32
      %max3A_179 = vector.broadcast %max3A_178 : f32 to vector<512x32xf32>
      %max3A_180 = arith.maximumf %add3A_177, %max3A_179 : vector<512x32xf32>
      %concatenate3A_181 = tpu.concatenate %max3A_170, %max3A_180 in 1 : vector<512x32xf32>, vector<512x32xf32> -> vector<512x64xf32>
      %dot_general3A_182 = arith.constant dense<0.000000e+00> : vector<512x64xf32>
      %dot_general3A_183 = tpu.matmul %get3A_157, %concatenate3A_181, %dot_general3A_182 {dimension_numbers = #tpu.dot_dimension_numbers<[1], [0], [0], [1], [0, 0, 1, 1], [], []>, transpose_lhs_hint = false} : vector<512x512xf32>, vector<512x64xf32>, vector<512x64xf32> -> vector<512x64xf32>
      %mul3A_184 = vector.broadcast %add3A_93 : f32 to vector<512x32xf32>
      %mul3A_185 = arith.mulf %mul3A_184, %max3A_170 : vector<512x32xf32>
      %slice3A_186 = vector.extract_strided_slice %dot_general3A_183 {offsets = [0, 0], sizes = [512, 32], strides = [1, 1]} : vector<512x64xf32> to vector<512x32xf32>
      %add3A_187 = arith.addf %mul3A_185, %slice3A_186 : vector<512x32xf32>
      %dot_general3A_188 = arith.constant dense<0.000000e+00> : vector<512x16xf32>
      %dot_general3A_189 = tpu.matmul %add3A_187, %get3A_102, %dot_general3A_188 {dimension_numbers = #tpu.dot_dimension_numbers<[1], [0], [0], [1], [0, 0, 1, 1], [], []>, transpose_lhs_hint = false} : vector<512x32xf32>, vector<32x16xf32>, vector<512x16xf32> -> vector<512x16xf32>
      %add3A_190 = vector.broadcast %get3A_105 : vector<1x16xf32> to vector<512x16xf32>
      %add3A_191 = arith.addf %dot_general3A_189, %add3A_190 : vector<512x16xf32>
      %mul3A_192 = vector.broadcast %add3A_93 : f32 to vector<512x32xf32>
      %mul3A_193 = arith.mulf %mul3A_192, %max3A_180 : vector<512x32xf32>
      %slice3A_194 = vector.extract_strided_slice %dot_general3A_183 {offsets = [0, 32], sizes = [512, 32], strides = [1, 1]} : vector<512x64xf32> to vector<512x32xf32>
      %sub3A_195 = arith.subf %mul3A_193, %slice3A_194 : vector<512x32xf32>
      %dot_general3A_196 = arith.constant dense<0.000000e+00> : vector<512x16xf32>
      %dot_general3A_197 = tpu.matmul %sub3A_195, %get3A_102, %dot_general3A_196 {dimension_numbers = #tpu.dot_dimension_numbers<[1], [0], [0], [1], [0, 0, 1, 1], [], []>, transpose_lhs_hint = false} : vector<512x32xf32>, vector<32x16xf32>, vector<512x16xf32> -> vector<512x16xf32>
      %add3A_198 = vector.broadcast %get3A_105 : vector<1x16xf32> to vector<512x16xf32>
      %add3A_199 = arith.addf %dot_general3A_197, %add3A_198 : vector<512x16xf32>
      %add3A_200 = arith.addf %add3A_191, %add3A_199 : vector<512x16xf32>
      %get3A_201 = arith.constant 2 : index
      %get3A_202 = arith.constant 0 : index
      %get3A_203 = arith.constant 0 : index
      %get3A_204 = vector.load %arg14[%get3A_201, %get3A_202, %get3A_203] : memref<4x512x512xf32, #tpu.memory_space<vmem>>, vector<1x512x512xf32>
      %get3A_205 = vector.shape_cast %get3A_204 : vector<1x512x512xf32> to vector<512x512xf32>
      %slice3A_206 = vector.extract_strided_slice %get3A_108 {offsets = [0, 32], sizes = [512, 16], strides = [1, 1]} : vector<512x64xf32> to vector<512x16xf32>
      %dot_general3A_207 = arith.constant dense<0.000000e+00> : vector<512x16xf32>
      %dot_general3A_208 = tpu.matmul %get3A_205, %slice3A_206, %dot_general3A_207 {dimension_numbers = #tpu.dot_dimension_numbers<[1], [0], [0], [1], [0, 0, 1, 1], [], []>, transpose_lhs_hint = false} : vector<512x512xf32>, vector<512x16xf32>, vector<512x16xf32> -> vector<512x16xf32>
      %mul3A_209 = vector.broadcast %add3A_89 : f32 to vector<512x16xf32>
      %mul3A_210 = arith.mulf %mul3A_209, %slice3A_206 : vector<512x16xf32>
      %add3A_211 = arith.addf %mul3A_210, %dot_general3A_208 : vector<512x16xf32>
      %dot_general3A_212 = arith.constant dense<0.000000e+00> : vector<512x32xf32>
      %dot_general3A_213 = tpu.matmul %add3A_211, %get3A_96, %dot_general3A_212 {dimension_numbers = #tpu.dot_dimension_numbers<[1], [0], [0], [1], [0, 0, 1, 1], [], []>, transpose_lhs_hint = false} : vector<512x16xf32>, vector<16x32xf32>, vector<512x32xf32> -> vector<512x32xf32>
      %add3A_214 = vector.broadcast %get3A_99 : vector<1x32xf32> to vector<512x32xf32>
      %add3A_215 = arith.addf %dot_general3A_213, %add3A_214 : vector<512x32xf32>
      %max3A_216 = arith.constant 0.000000e+00 : f32
      %max3A_217 = vector.broadcast %max3A_216 : f32 to vector<512x32xf32>
      %max3A_218 = arith.maximumf %add3A_215, %max3A_217 : vector<512x32xf32>
      %mul3A_219 = vector.broadcast %add3A_89 : f32 to vector<512x16xf32>
      %mul3A_220 = arith.mulf %mul3A_219, %slice3A_206 : vector<512x16xf32>
      %sub3A_221 = arith.subf %dot_general3A_208, %mul3A_220 : vector<512x16xf32>
      %dot_general3A_222 = arith.constant dense<0.000000e+00> : vector<512x32xf32>
      %dot_general3A_223 = tpu.matmul %sub3A_221, %get3A_96, %dot_general3A_222 {dimension_numbers = #tpu.dot_dimension_numbers<[1], [0], [0], [1], [0, 0, 1, 1], [], []>, transpose_lhs_hint = false} : vector<512x16xf32>, vector<16x32xf32>, vector<512x32xf32> -> vector<512x32xf32>
      %add3A_224 = vector.broadcast %get3A_99 : vector<1x32xf32> to vector<512x32xf32>
      %add3A_225 = arith.addf %dot_general3A_223, %add3A_224 : vector<512x32xf32>
      %max3A_226 = arith.constant 0.000000e+00 : f32
      %max3A_227 = vector.broadcast %max3A_226 : f32 to vector<512x32xf32>
      %max3A_228 = arith.maximumf %add3A_225, %max3A_227 : vector<512x32xf32>
      %concatenate3A_229 = tpu.concatenate %max3A_218, %max3A_228 in 1 : vector<512x32xf32>, vector<512x32xf32> -> vector<512x64xf32>
      %dot_general3A_230 = arith.constant dense<0.000000e+00> : vector<512x64xf32>
      %dot_general3A_231 = tpu.matmul %get3A_205, %concatenate3A_229, %dot_general3A_230 {dimension_numbers = #tpu.dot_dimension_numbers<[1], [0], [0], [1], [0, 0, 1, 1], [], []>, transpose_lhs_hint = false} : vector<512x512xf32>, vector<512x64xf32>, vector<512x64xf32> -> vector<512x64xf32>
      %mul3A_232 = vector.broadcast %add3A_93 : f32 to vector<512x32xf32>
      %mul3A_233 = arith.mulf %mul3A_232, %max3A_218 : vector<512x32xf32>
      %slice3A_234 = vector.extract_strided_slice %dot_general3A_231 {offsets = [0, 0], sizes = [512, 32], strides = [1, 1]} : vector<512x64xf32> to vector<512x32xf32>
      %add3A_235 = arith.addf %mul3A_233, %slice3A_234 : vector<512x32xf32>
      %dot_general3A_236 = arith.constant dense<0.000000e+00> : vector<512x16xf32>
      %dot_general3A_237 = tpu.matmul %add3A_235, %get3A_102, %dot_general3A_236 {dimension_numbers = #tpu.dot_dimension_numbers<[1], [0], [0], [1], [0, 0, 1, 1], [], []>, transpose_lhs_hint = false} : vector<512x32xf32>, vector<32x16xf32>, vector<512x16xf32> -> vector<512x16xf32>
      %add3A_238 = vector.broadcast %get3A_105 : vector<1x16xf32> to vector<512x16xf32>
      %add3A_239 = arith.addf %dot_general3A_237, %add3A_238 : vector<512x16xf32>
      %mul3A_240 = vector.broadcast %add3A_93 : f32 to vector<512x32xf32>
      %mul3A_241 = arith.mulf %mul3A_240, %max3A_228 : vector<512x32xf32>
      %slice3A_242 = vector.extract_strided_slice %dot_general3A_231 {offsets = [0, 32], sizes = [512, 32], strides = [1, 1]} : vector<512x64xf32> to vector<512x32xf32>
      %sub3A_243 = arith.subf %mul3A_241, %slice3A_242 : vector<512x32xf32>
      %dot_general3A_244 = arith.constant dense<0.000000e+00> : vector<512x16xf32>
      %dot_general3A_245 = tpu.matmul %sub3A_243, %get3A_102, %dot_general3A_244 {dimension_numbers = #tpu.dot_dimension_numbers<[1], [0], [0], [1], [0, 0, 1, 1], [], []>, transpose_lhs_hint = false} : vector<512x32xf32>, vector<32x16xf32>, vector<512x16xf32> -> vector<512x16xf32>
      %add3A_246 = vector.broadcast %get3A_105 : vector<1x16xf32> to vector<512x16xf32>
      %add3A_247 = arith.addf %dot_general3A_245, %add3A_246 : vector<512x16xf32>
      %add3A_248 = arith.addf %add3A_239, %add3A_247 : vector<512x16xf32>
      %get3A_249 = arith.constant 3 : index
      %get3A_250 = arith.constant 0 : index
      %get3A_251 = arith.constant 0 : index
      %get3A_252 = vector.load %arg14[%get3A_249, %get3A_250, %get3A_251] : memref<4x512x512xf32, #tpu.memory_space<vmem>>, vector<1x512x512xf32>
      %get3A_253 = vector.shape_cast %get3A_252 : vector<1x512x512xf32> to vector<512x512xf32>
      %slice3A_254 = vector.extract_strided_slice %get3A_108 {offsets = [0, 48], sizes = [512, 16], strides = [1, 1]} : vector<512x64xf32> to vector<512x16xf32>
      %dot_general3A_255 = arith.constant dense<0.000000e+00> : vector<512x16xf32>
      %dot_general3A_256 = tpu.matmul %get3A_253, %slice3A_254, %dot_general3A_255 {dimension_numbers = #tpu.dot_dimension_numbers<[1], [0], [0], [1], [0, 0, 1, 1], [], []>, transpose_lhs_hint = false} : vector<512x512xf32>, vector<512x16xf32>, vector<512x16xf32> -> vector<512x16xf32>
      %mul3A_257 = vector.broadcast %add3A_89 : f32 to vector<512x16xf32>
      %mul3A_258 = arith.mulf %mul3A_257, %slice3A_254 : vector<512x16xf32>
      %add3A_259 = arith.addf %mul3A_258, %dot_general3A_256 : vector<512x16xf32>
      %dot_general3A_260 = arith.constant dense<0.000000e+00> : vector<512x32xf32>
      %dot_general3A_261 = tpu.matmul %add3A_259, %get3A_96, %dot_general3A_260 {dimension_numbers = #tpu.dot_dimension_numbers<[1], [0], [0], [1], [0, 0, 1, 1], [], []>, transpose_lhs_hint = false} : vector<512x16xf32>, vector<16x32xf32>, vector<512x32xf32> -> vector<512x32xf32>
      %add3A_262 = vector.broadcast %get3A_99 : vector<1x32xf32> to vector<512x32xf32>
      %add3A_263 = arith.addf %dot_general3A_261, %add3A_262 : vector<512x32xf32>
      %max3A_264 = arith.constant 0.000000e+00 : f32
      %max3A_265 = vector.broadcast %max3A_264 : f32 to vector<512x32xf32>
      %max3A_266 = arith.maximumf %add3A_263, %max3A_265 : vector<512x32xf32>
      %mul3A_267 = vector.broadcast %add3A_89 : f32 to vector<512x16xf32>
      %mul3A_268 = arith.mulf %mul3A_267, %slice3A_254 : vector<512x16xf32>
      %sub3A_269 = arith.subf %dot_general3A_256, %mul3A_268 : vector<512x16xf32>
      %dot_general3A_270 = arith.constant dense<0.000000e+00> : vector<512x32xf32>
      %dot_general3A_271 = tpu.matmul %sub3A_269, %get3A_96, %dot_general3A_270 {dimension_numbers = #tpu.dot_dimension_numbers<[1], [0], [0], [1], [0, 0, 1, 1], [], []>, transpose_lhs_hint = false} : vector<512x16xf32>, vector<16x32xf32>, vector<512x32xf32> -> vector<512x32xf32>
      %add3A_272 = vector.broadcast %get3A_99 : vector<1x32xf32> to vector<512x32xf32>
      %add3A_273 = arith.addf %dot_general3A_271, %add3A_272 : vector<512x32xf32>
      %max3A_274 = arith.constant 0.000000e+00 : f32
      %max3A_275 = vector.broadcast %max3A_274 : f32 to vector<512x32xf32>
      %max3A_276 = arith.maximumf %add3A_273, %max3A_275 : vector<512x32xf32>
      %concatenate3A_277 = tpu.concatenate %max3A_266, %max3A_276 in 1 : vector<512x32xf32>, vector<512x32xf32> -> vector<512x64xf32>
      %dot_general3A_278 = arith.constant dense<0.000000e+00> : vector<512x64xf32>
      %dot_general3A_279 = tpu.matmul %get3A_253, %concatenate3A_277, %dot_general3A_278 {dimension_numbers = #tpu.dot_dimension_numbers<[1], [0], [0], [1], [0, 0, 1, 1], [], []>, transpose_lhs_hint = false} : vector<512x512xf32>, vector<512x64xf32>, vector<512x64xf32> -> vector<512x64xf32>
      %mul3A_280 = vector.broadcast %add3A_93 : f32 to vector<512x32xf32>
      %mul3A_281 = arith.mulf %mul3A_280, %max3A_266 : vector<512x32xf32>
      %slice3A_282 = vector.extract_strided_slice %dot_general3A_279 {offsets = [0, 0], sizes = [512, 32], strides = [1, 1]} : vector<512x64xf32> to vector<512x32xf32>
      %add3A_283 = arith.addf %mul3A_281, %slice3A_282 : vector<512x32xf32>
      %dot_general3A_284 = arith.constant dense<0.000000e+00> : vector<512x16xf32>
      %dot_general3A_285 = tpu.matmul %add3A_283, %get3A_102, %dot_general3A_284 {dimension_numbers = #tpu.dot_dimension_numbers<[1], [0], [0], [1], [0, 0, 1, 1], [], []>, transpose_lhs_hint = false} : vector<512x32xf32>, vector<32x16xf32>, vector<512x16xf32> -> vector<512x16xf32>
      %add3A_286 = vector.broadcast %get3A_105 : vector<1x16xf32> to vector<512x16xf32>
      %add3A_287 = arith.addf %dot_general3A_285, %add3A_286 : vector<512x16xf32>
      %mul3A_288 = vector.broadcast %add3A_93 : f32 to vector<512x32xf32>
      %mul3A_289 = arith.mulf %mul3A_288, %max3A_276 : vector<512x32xf32>
      %slice3A_290 = vector.extract_strided_slice %dot_general3A_279 {offsets = [0, 32], sizes = [512, 32], strides = [1, 1]} : vector<512x64xf32> to vector<512x32xf32>
      %sub3A_291 = arith.subf %mul3A_289, %slice3A_290 : vector<512x32xf32>
      %dot_general3A_292 = arith.constant dense<0.000000e+00> : vector<512x16xf32>
      %dot_general3A_293 = tpu.matmul %sub3A_291, %get3A_102, %dot_general3A_292 {dimension_numbers = #tpu.dot_dimension_numbers<[1], [0], [0], [1], [0, 0, 1, 1], [], []>, transpose_lhs_hint = false} : vector<512x32xf32>, vector<32x16xf32>, vector<512x16xf32> -> vector<512x16xf32>
      %add3A_294 = vector.broadcast %get3A_105 : vector<1x16xf32> to vector<512x16xf32>
      %add3A_295 = arith.addf %dot_general3A_293, %add3A_294 : vector<512x16xf32>
      %add3A_296 = arith.addf %add3A_287, %add3A_295 : vector<512x16xf32>
      %concatenate3A_297 = tpu.concatenate %add3A_152, %add3A_200, %add3A_248, %add3A_296 in 1 : vector<512x16xf32>, vector<512x16xf32>, vector<512x16xf32>, vector<512x16xf32> -> vector<512x64xf32>
      %get3A_298 = arith.constant 0 : index
      %get3A_299 = arith.constant 0 : index
      %get3A_300 = vector.load %arg9[%get3A_298, %get3A_299] : memref<64x32xf32, #tpu.memory_space<vmem>>, vector<64x32xf32>
      %dot_general3A_301 = arith.constant dense<0.000000e+00> : vector<512x32xf32>
      %dot_general3A_302 = tpu.matmul %concatenate3A_297, %get3A_300, %dot_general3A_301 {dimension_numbers = #tpu.dot_dimension_numbers<[1], [0], [0], [1], [0, 0, 1, 1], [], []>, transpose_lhs_hint = false} : vector<512x64xf32>, vector<64x32xf32>, vector<512x32xf32> -> vector<512x32xf32>
      %get3A_303 = arith.constant 0 : index
      %get3A_304 = arith.constant 0 : index
      %get3A_305 = vector.load %arg10[%get3A_303, %get3A_304] : memref<1x32xf32, #tpu.memory_space<vmem>>, vector<1x32xf32>
      %add3A_306 = vector.broadcast %get3A_305 : vector<1x32xf32> to vector<512x32xf32>
      %add3A_307 = arith.addf %dot_general3A_302, %add3A_306 : vector<512x32xf32>
      %max3A_308 = arith.constant 0.000000e+00 : f32
      %max3A_309 = vector.broadcast %max3A_308 : f32 to vector<512x32xf32>
      %max3A_310 = arith.maximumf %add3A_307, %max3A_309 : vector<512x32xf32>
      %get3A_311 = arith.constant 0 : index
      %get3A_312 = arith.constant 0 : index
      %get3A_313 = vector.load %arg11[%get3A_311, %get3A_312] : memref<32x16xf32, #tpu.memory_space<vmem>>, vector<32x16xf32>
      %dot_general3A_314 = arith.constant dense<0.000000e+00> : vector<512x16xf32>
      %dot_general3A_315 = tpu.matmul %max3A_310, %get3A_313, %dot_general3A_314 {dimension_numbers = #tpu.dot_dimension_numbers<[1], [0], [0], [1], [0, 0, 1, 1], [], []>, transpose_lhs_hint = false} : vector<512x32xf32>, vector<32x16xf32>, vector<512x16xf32> -> vector<512x16xf32>
      %get3A_316 = arith.constant 0 : index
      %get3A_317 = arith.constant 0 : index
      %get3A_318 = vector.load %arg12[%get3A_316, %get3A_317] : memref<1x16xf32, #tpu.memory_space<vmem>>, vector<1x16xf32>
      %add3A_319 = vector.broadcast %get3A_318 : vector<1x16xf32> to vector<512x16xf32>
      %add3A_320 = arith.addf %dot_general3A_315, %add3A_319 : vector<512x16xf32>
      %swap3A_321 = arith.constant 0 : index
      %swap3A_322 = arith.constant 0 : index
      %swap3A_323 = vector.load %arg13[%swap3A_321, %swap3A_322] : memref<512x16xf32, #tpu.memory_space<vmem>>, vector<512x16xf32>
      tpu.vector_store %arg13[%swap3A_321, %swap3A_322], %add3A_320 {strides = array<i32>} : memref<512x16xf32, #tpu.memory_space<vmem>>, vector<512x16xf32>,
    } else {
    }
    return
  }
  func.func @transform_0(%arg0: i32) -> i32 {
    %c0_i32 = arith.constant 0 : i32
    %c0_i32_0 = arith.constant 0 : i32
    return %c0_i32 : i32
  }
  func.func @transform_1(%arg0: i32) -> (i32, i32, i32) {
    %c0_i32 = arith.constant 0 : i32
    %c0_i32_0 = arith.constant 0 : i32
    %c0_i32_1 = arith.constant 0 : i32
    return %arg0, %c0_i32, %c0_i32_0 : i32, i32, i32
  }
  func.func @transform_2(%arg0: i32) -> (i32, i32) {
    %c0_i32 = arith.constant 0 : i32
    %c0_i32_0 = arith.constant 0 : i32
    %c0_i32_1 = arith.constant 0 : i32
    return %c0_i32, %c0_i32_0 : i32, i32
  }
  func.func @transform_3(%arg0: i32) -> (i32, i32) {
    %c0_i32 = arith.constant 0 : i32
    %c0_i32_0 = arith.constant 0 : i32
    %c0_i32_1 = arith.constant 0 : i32
    return %c0_i32, %c0_i32_0 : i32, i32
  }
  func.func @transform_4(%arg0: i32) -> (i32, i32) {
    %c0_i32 = arith.constant 0 : i32
    %c0_i32_0 = arith.constant 0 : i32
    %c0_i32_1 = arith.constant 0 : i32
    return %c0_i32, %c0_i32_0 : i32, i32
  }
  func.func @transform_5(%arg0: i32) -> (i32, i32) {
    %c0_i32 = arith.constant 0 : i32
    %c0_i32_0 = arith.constant 0 : i32
    %c0_i32_1 = arith.constant 0 : i32
    return %c0_i32, %c0_i32_0 : i32, i32
  }
  func.func @transform_6(%arg0: i32) -> (i32, i32) {
    %c0_i32 = arith.constant 0 : i32
    %c0_i32_0 = arith.constant 0 : i32
    %c0_i32_1 = arith.constant 0 : i32
    return %c0_i32, %c0_i32_0 : i32, i32
  }
  func.func @transform_7(%arg0: i32) -> (i32, i32) {
    %c0_i32 = arith.constant 0 : i32
    %c0_i32_0 = arith.constant 0 : i32
    %c0_i32_1 = arith.constant 0 : i32
    return %c0_i32, %c0_i32_0 : i32, i32
  }
  func.func @transform_8(%arg0: i32) -> (i32, i32) {
    %c0_i32 = arith.constant 0 : i32
    %c0_i32_0 = arith.constant 0 : i32
    %c0_i32_1 = arith.constant 0 : i32
    return %c0_i32, %c0_i32_0 : i32, i32
  }
  func.func @transform_9(%arg0: i32) -> (i32, i32) {
    %c0_i32 = arith.constant 0 : i32
    %c0_i32_0 = arith.constant 0 : i32
    %c0_i32_1 = arith.constant 0 : i32
    return %c0_i32, %c0_i32_0 : i32, i32
  }
  func.func @transform_10(%arg0: i32) -> (i32, i32) {
    %c0_i32 = arith.constant 0 : i32
    %c0_i32_0 = arith.constant 0 : i32
    %c0_i32_1 = arith.constant 0 : i32
    return %c0_i32, %c0_i32_0 : i32, i32
  }
  func.func @transform_11(%arg0: i32) -> (i32, i32) {
    %c0_i32 = arith.constant 0 : i32
    %c0_i32_0 = arith.constant 0 : i32
    %c0_i32_1 = arith.constant 0 : i32
    return %c0_i32, %c0_i32_0 : i32, i32
  }
  func.func @transform_12(%arg0: i32) -> (i32, i32) {
    %c0_i32 = arith.constant 0 : i32
    %c0_i32_0 = arith.constant 0 : i32
    %c0_i32_1 = arith.constant 0 : i32
    return %c0_i32, %c0_i32_0 : i32, i32
  }
}

</mosaic_0001>

<sc_bundles>
// kernel: _run.4.cloned.1.call-start
scs
__scs_entry_jumppad:
0x0: {  	(pc) =	sbr.rel $0x88, $3  }
0x1: {  	(tag) =	ssettag $0x0;
	lr =	simm.s32 $0x1  }
0x2: {  	[smem:$0x3F96] =	sst lr;
	_ =	strace $0xD0000000  }
0x3: {  	_ = 	snop  }
0x4: {  	_ = 	snop  }
0x5: {  	_ = 	snop  }
0x6: {  	_ = 	snop  }
0x7: {  	_ = 	snop  }
__scs_overlays_trampoline_lowered:
0x8: {  	[smem:$0x3FA5] =	sst s0  }
0x9: {  	[smem:$0x3FA6] =	sst s1  }
0xa: {  	[smem:$0x3FA7] =	sst s2  }
0xb: {  	[smem:$0x3FA8] =	sst s3  }
0xc: {  	[smem:$0x3FA9] =	sst s4  }
0xd: {  	[smem:$0x3FAA] =	sst s5  }
0xe: {  	[smem:$0x3FAB] =	sst s6  }
0xf: {  	[smem:$0x3FAC] =	sst s7  }
0x10: {  	[smem:$0x3FAD] =	sst s8  }
0x11: {  	[smem:$0x3FAE] =	sst s9;
	s0 =	simm.s32 @!p0 $0x0  }
0x12: {  	s1 =	sld [smem:$0x3F94];
	s0 =	simm.s32 @p0 $0x1  }
0x13: {  	[smem:$0x3FAF] =	sst s0;
	s0 =	simm.s32 @!p1 $0x0  }
0x14: {  	s2 =	sld [smem:$0x3F93];
	s0 =	simm.s32 @p1 $0x1  }
0x15: {  	[smem:$0x3FB0] =	sst s0;
	s0 =	simm.s32 @!p2 $0x0  }
0x16: {  	s3 =	sld [smem:$0x3FDB];
	s0 =	simm.s32 @p2 $0x1  }
0x17: {  	s4 =	simm.s32 $0x1BF5;
	[smem:$0x3FB2] =	sst s0  }
0x18: {  	s0 =	sld [smem:$0x3F95];
	_ =	swait.ge [sflag:s4], $0x0  }
0x19: {  	s7 =	sld [smem:$0x3F96]  }
0x1a: {  	s8 =	sadd.s32 $0xFFFFE003, lr  }
0x1b: {  	s9 =	sadd.s32 $0xFFFFFEF7, lr;
	s5 =	simm.s32 $0xFFFFFFFF;
	p2 =	slt.u32 s8, $0xFFFFF086  }
0x1c: {  	p1 =	slt.u32 s9, $0xF7A;
	s5 =	simm.s32 @!p2 $0x0  }
0x1d: {  	s5 =	simm.s32 @p1 $0x1;
	p0 =	seq.s32 s7, s2  }
0x1e: {  	s7 =	smul.u32 @!p0 $0xF7A, s2;
	p2 =	seq.s32 @!p0 s5, $0x0  }
0x1f: {  	s9 =	smul.u32 $0xF7A, s1;
	s8 =	simm.s32 @!p0 $0x1BF5;
	p2 =	por !p2, p0  }
0x20: {  	[sflag:s8] =	ssyncset.s32 @!p0 $0xFFFFF086;
	s6 =	sadd.s32 @!p0 s3, s7;
	s7 =	simm.s32 @!p0 $0x108  }
0x21: {  	s3 =	sadd.s32 s3, s9;
	s6 =	sadd.s32 @!p0 $0x88, s6;
	s7 =	simm.s32 @p2 $0x1082  }
0x22: {  	[simem:s7], [sflag:s8] =	dma.local @!p0 [hbm:s6], $0xF7A  }
0x23: {  	s9 =	sor.u32 $0xD0000000, s2;
	s6 =	simm.s32 $0x108;
	_ =	swait.ge @!p0 [sflag:s8], $0x0  }
0x24: {  	s3 =	sadd.s32 $0x88, s3;
	s6 =	simm.s32 @!p1 $0x1082;
	[sflag:s4] =	ssyncset.s32 $0xFFFFF086  }
0x25: {  	[simem:s6], [sflag:s4] =	dma.local [hbm:s3], $0xF7A  }
0x26: {  	[smem:$0x3F96] =	sst s1;
	(tag) =	ssettag s2;
	_ =	strace s9  }
0x27: {  	s1 =	sld [smem:$0x3FA6]  }
0x28: {  	s2 =	sld [smem:$0x3FA7]  }
0x29: {  	s4 =	sld [smem:$0x3FA9]  }
0x2a: {  	p0 =	seq.s32 s5, $0x0;
	s5 =	sld [smem:$0x3FAA]  }
0x2b: {  	s6 =	sld [smem:$0x3FAB]  }
0x2c: {  	s7 =	sld [smem:$0x3FAC]  }
0x2d: {  	s3 =	simm.s32 $0x108;
	s8 =	sld [smem:$0x3FAD]  }
0x2e: {  	s3 =	simm.s32 @!p0 $0x1082;
	s9 =	sld [smem:$0x3FAE]  }
0x2f: {  	lr =	sadd.s32 s0, s3;
	s0 =	sld [smem:$0x3FA5]  }
0x30: {  	s3 =	sld [smem:$0x3FA8]  }
0x31: {  	[smem:$0x3FB1] =	sst s10  }
0x32: {  	s10 =	sld [smem:$0x3FAF];
	_ =	sdelay $0x3  }
0x33: {  	p0 =	seq.s32 s10, $0x1;
	s10 =	sld [smem:$0x3FB1];
	_ =	sdelay $0x3  }
0x34: {  	[smem:$0x3FB1] =	sst s10  }
0x35: {  	s10 =	sld [smem:$0x3FB0];
	_ =	sdelay $0x3  }
0x36: {  	p1 =	seq.s32 s10, $0x1;
	s10 =	sld [smem:$0x3FB1];
	_ =	sdelay $0x3  }
0x37: {  	[smem:$0x3FB1] =	sst s10  }
0x38: {  	s10 =	sld [smem:$0x3FB2]  }
0x39: {  	_ = 	snop;
	(pc) =	sbr.ind lr, $3  }
0x3a: {  	_ = 	snop  }
0x3b: {  	_ = 	snop  }
0x3c: {  	p2 =	seq.s32 s10, $0x1;
	s10 =	sld [smem:$0x3FB1]  }
0x3d: {  	_ =	shalt  }
0x3e: {  	_ =	shalt  }
0x3f: {  	_ =	shalt  }
0x40: {  	_ =	shalt  }
0x41: {  	_ =	shalt  }
0x42: {  	_ =	shalt  }
0x43: {  	_ =	shalt  }
0x44: {  	_ =	shalt  }
0x45: {  	_ =	shalt  }
0x46: {  	_ =	shalt  }
0x47: {  	_ =	shalt  }
0x48: {  	_ =	shalt  }
0x49: {  	_ =	shalt  }
0x4a: {  	_ =	shalt  }
0x4b: {  	_ =	shalt  }
0x4c: {  	_ =	shalt  }
0x4d: {  	_ =	shalt  }
0x4e: {  	_ =	shalt  }
0x4f: {  	_ =	shalt  }
0x50: {  	_ =	shalt  }
0x51: {  	_ =	shalt  }
0x52: {  	_ =	shalt  }
0x53: {  	_ =	shalt  }
0x54: {  	_ =	shalt  }
0x55: {  	_ =	shalt  }
0x56: {  	_ =	shalt  }
0x57: {  	_ =	shalt  }
0x58: {  	_ =	shalt  }
0x59: {  	_ =	shalt  }
0x5a: {  	_ =	shalt  }
0x5b: {  	_ =	shalt  }
0x5c: {  	_ =	shalt  }
0x5d: {  	_ =	shalt  }
0x5e: {  	_ =	shalt  }
0x5f: {  	_ =	shalt  }
0x60: {  	_ =	shalt  }
0x61: {  	_ =	shalt  }
0x62: {  	_ =	shalt  }
0x63: {  	_ =	shalt  }
0x64: {  	_ =	shalt  }
0x65: {  	_ =	shalt  }
0x66: {  	_ =	shalt  }
0x67: {  	_ =	shalt  }
0x68: {  	_ =	shalt  }
0x69: {  	_ =	shalt  }
0x6a: {  	_ =	shalt  }
0x6b: {  	_ =	shalt  }
0x6c: {  	_ =	shalt  }
0x6d: {  	_ =	shalt  }
0x6e: {  	_ =	shalt  }
0x6f: {  	_ =	shalt  }
0x70: {  	_ =	shalt  }
0x71: {  	_ =	shalt  }
0x72: {  	_ =	shalt  }
0x73: {  	_ =	shalt  }
0x74: {  	_ =	shalt  }
0x75: {  	_ =	shalt  }
0x76: {  	_ =	shalt  }
0x77: {  	_ =	shalt  }
0x78: {  	_ =	shalt  }
0x79: {  	_ =	shalt  }
0x7a: {  	_ =	shalt  }
0x7b: {  	_ =	shalt  }
0x7c: {  	_ =	shalt  }
0x7d: {  	_ =	shalt  }
0x7e: {  	_ =	shalt  }
0x7f: {  	_ =	shalt  }
0x80: {  	_ =	shalt  }
0x81: {  	_ =	shalt  }
0x82: {  	_ =	shalt  }
0x83: {  	_ =	shalt  }
0x84: {  	_ =	shalt  }
0x85: {  	_ =	shalt  }
0x86: {  	_ =	shalt  }
0x87: {  	_ =	shalt  }
.Lfunc_end0:
.L_simem_size_0:
called_computation_lowered:
.L_overlay_start_0:
0x88: {  	s2 =	sld [smem:$0x3FD9]  }
0x89: {  	s3 =	sld [smem:$0x3FFE];
	_ =	sdelay $0x1  }
0x8a: {  	s1 =	srdreg.scid  }
0x8b: {  	s0 =	sand.u32 $0x1, s1  }
0x8c: {  	s17 =	sshll.u32 s0, $0xA;
	s2 =	sadd.s32 s3, s2  }
0x8d: {  	s2 =	sadd.s32 s2, s17  }
0x8e: {  	[smem:$0x3FBD] =	sst s2  }
0x8f: {  	_ = 	snop  }
0x90: {  	s2 =	sld [smem:$0x3FC9];
	(tm) =	ssettm $0x1  }
0x91: {  	s18 =	sld [smem:$0x3FFB];
	_ =	sdelay $0x3  }
0x92: {  	_ =	strace s18  }
0x93: {  	s3 =	sld [smem:$0x3FFC];
	_ =	sdelay $0x3  }
0x94: {  	_ =	strace s3  }
0x95: {  	s3 =	sld [smem:$0x3FFD];
	_ =	sdelay $0x3  }
0x96: {  	_ =	strace s3  }
0x97: {  	_ =	strace $0x8FFFFFFF  }
0x98: {  	s19 =	sld [smem:$0x3FDB];
	_ =	sdelay $0x1  }
0x99: {  	s4 =	simm.s32 $_scs_section_size  }
0x9a: {  	s5 =	simm.s32 $_size__tile_overlayer_lowered;
	s6 =	simm.s32 $_tile_overlayer_lowered  }
0x9b: {  	s22 =	simm.s32 $0x1BFF;
	s21 =	sshll.u32 s6, $0x1;
	s3 =	sadd.s32 s4, s19  }
0x9c: {  	s7 =	simm.s32 $0x0;
	s20 =	sshll.u32 s5, $0x1;
	s5 =	sadd.s32 s21, s3  }
0x9d: {  	[timem:s7], [sflag:s22] =	dma.local [hbm:s5], s20  }
0x9e: {  	_ =	swait.ge [sflag:s22], s20  }
0x9f: {  	s4 =	ssub.s32 $0x0, s20;
	[sflag:s22] =	ssyncset.done $0x0  }
0xa0: {  	[sflag:s22] =	ssyncadd.s32 s4;
	_ =	sdelay $0x1  }
0xa1: {  	s23 =	simm.s32 $0x1B8B  }
0xa2: {  	_ =	swait.ge [sflag:s23], $0x1  }
0xa3: {  	[sflag:s23] =	ssyncset.done $0x0  }
0xa4: {  	s25 =	simm.s32 $0x1B8E;
	s24 =	sld [smem:$0x3FFE];
	[sflag:s23] =	ssyncadd.s32 $0xFFFFFFFF  }
0xa5: {  	s26 =	simm.s32 $execute0_lowered;
	[smem:$0x3FD2] =	sst s25  }
0xa6: {  	s5 =	sshll.u32 s26, $0x1;
	_ =	strace $0x80000046;
	[dreg:$0x1] =	wrdreg $0xFFFFFFFF  }
0xa7: {  	s28 =	simm.s32 $_size_execute0_lowered;
	s3 =	sadd.s32 s3, s5;
	[dreg:$0x0] =	wrdreg $0x0  }
0xa8: {  	s5 =	sshll.u32 s28, $0x1;
	[dreg:$0x2] =	wrdreg s3  }
0xa9: {  	[dreg:$0x3] =	wrdreg s5  }
0xaa: {  	[dreg:$0x4] =	wrdreg $0xC0  }
0xab: {  	_ =	task [dreg:s7], $0x5FFFF  }
0xac: {  	[dreg:$0x1] =	wrdreg $0xFFFFFFFF  }
0xad: {  	[dreg:$0x0] =	wrdreg $0x60  }
0xae: {  	[dreg:$0x2] =	wrdreg s2  }
0xaf: {  	[dreg:$0x3] =	wrdreg s24  }
0xb0: {  	[dreg:$0x4] =	wrdreg $0x9  }
0xb1: {  	_ =	task.clear_ibuf [dreg:s7], $0x5FFFF;
	_ =	strace $0x90000046  }
0xb2: {  	s29 =	simm.s32 $0x9;
	_ =	strace $0x80000048  }
0xb3: {  	_ =	swait.ge [sflag:s29], $0x1  }
0xb4: {  	[sflag:s29] =	ssyncadd.s32 $0xFFFFFFFF  }
0xb5: {  	_ =	strace $0x90000048  }
0xb6: {  	_ =	sfence  }
0xb7: {  	s30 =	sld [smem:$0x0];
	_ =	sdelay $0x2  }
0xb8: {  	s31 =	sshll.u32 s1, $0xD;
	s1 =	sshrl.u32 s1, $0x2  }
0xb9: {  	s3 =	sand.u32 $0x4000, s31;
	s1 =	sadd.s32 s1, s30  }
0xba: {  	s0 =	sor.u32 s3, s0;
	s1 =	sshll.u32 s1, $0x11  }
0xbb: {  	s0 =	sor.u32 s1, s0  }
0xbc: {  	s0 =	sadd.s32 $0x8F2B, s0  }
0xbd: {  	[sflag:s0] =	ssyncadd.remote.s32 $0x1  }
0xbe: {  	_ =	sfence.sel $0xFFFF  }
0xbf: {  	[dreg:$0x0] =	wrdreg $0xFFFFFFFF;
	(pc) =	sbr.abs _section_cstart, $3  }
0xc0: {  	[dreg:$0x1] =	wrdreg $0xFFFFFFFF  }
0xc1: {  	_ =	task.clear_ibuf [dreg:s7], $0x2FFFF;
	_ =	strace $0x9FFFFFFF  }
0xc2: {  	(tm) =	ssettm $0x7FFFFFFF  }
0xc3: {  	_ =	shalt  }
tec
execute0_lowered:
.L_overlay_start_1:
0x0: {  	(tag) =	ssettag $0x1  }
0x1: {  	s3 =	rddreg [dreg:$0x0]  }
0x2: {  	s4 =	rddreg [dreg:$0x1];
	s2 =	srdreg.scid  }
0x3: {  	s0 =	rddreg [dreg:$0x2];
	s1 =	stileid.u32  }
0x4: {  	s11 =	simm.s32 $0x8000;
	s12 =	simm.s32 $0xC000;
	s13 =	simm.s32 $0x1  }
0x5: {  	s14 =	simm.s32 $0x2;
	s15 =	simm.s32 $0x80;
	s16 =	simm.s32 $0x400  }
0x6: {  	s17 =	simm.s32 $0x5;
	s18 =	simm.s32 $0x3;
	s19 =	simm.s32 $0x4  }
0x7: {  	s20 =	simm.s32 $0x10000;
	s21 =	simm.s32 $0x0;
	s5 =	sand.u32 $0x1, s2  }
0x8: {  	s2 =	simm.s32 $0x0;
	s6 =	sshll.u32 s1, $0x2;
	s7 =	sshll.u32 s5, $0x1  }
0x9: {  	s30 =	sshll.u32 s1, $0xA;
	[smem:$0x7FF] =	sst s2;
	s6 =	sor.u32 s7, s6  }
0xa: {  	s5 =	ssub.s32 $0x2, s5;
	_ =	strace $0x80000047;
	s8 =	sshll.u32 s6, $0x4  }
0xb: {  	s31 =	sshrl.u32 s5, $0x1;
	s6 =	sshll.u32 s6, $0xC;
	s7 =	sor.u32 s30, s8  }
0xc: {  	s10 =	ssub.s32 s5, s31;
	s6 =	sadd.s32 s6, s3;
	s7 =	sand.u32 $0x3860, s7  }
0xd: {  	s3 =	sadd.s32 $0x1C0800, s6;
	s5 =	sadd.s32 $0x1C1000, s6;
	s9 =	sadd.s32 s7, s4  }
0xe: {  	s4 =	sadd.s32 $0x1C0000, s6;
	s6 =	sadd.s32 $0x1C1800, s6;
	s7 =	sadd.s32 $0x1A00, s9  }
0xf: {  	s8 =	sadd.s32 $0x1A10, s9;
	s9 =	smax.u32 s10, $0x1;
	s10 =	simm.s32 $0x4000  }
.LBB2_1:
0x10: {  	[tilespmem:s2], [sflag:$0x1] =	stream.linear.gather [hbm4b:s4+s2], $0x4000, $0x38;
	[tilespmem:$0x10800] =	vst v63  }
0x11: {  	_ = 	snop  }
0x12: {  	[tilespmem:s10], [sflag:$0x2] =	stream.linear.gather [hbm4b:s3+s2], $0x4000, $0x38;
	[tilespmem:$0x10800] =	vst v63  }
0x13: {  	_ = 	snop  }
0x14: {  	[tilespmem:s11], [sflag:$0x3] =	stream.linear.gather [hbm4b:s5+s2], $0x4000, $0x38;
	[tilespmem:$0x10800] =	vst v63  }
0x15: {  	_ = 	snop  }
0x16: {  	[tilespmem:s12], [sflag:$0x4] =	stream.linear.gather [hbm4b:s6+s2], $0x4000, $0x38;
	[tilespmem:$0x10800] =	vst v63  }
0x17: {  	_ =	swait.ge [sflag:s13], $0x4000  }
0x18: {  	s22 =	sand.u32 $0x70, s2;
	s23 =	sand.u32 $0xC00, s2;
	[sflag:s13] =	ssyncset.done $0x0  }
0x19: {  	s22 =	sor.u32 s22, s23;
	[sflag:s13] =	ssyncadd.s32 $0xFFFFC000  }
0x1a: {  	v0 =	vld [tilespmem:s22+$0x80]  }
0x1b: {  	v1 =	vld [tilespmem:s22+$0x0];
	_ =	sdelay $0x1  }
0x1c: {  	v2 =	vld [tilespmem:s22+$0x100];
	_ =	sdelay $0x1  }
0x1d: {  	v3 =	vld [tilespmem:s22+$0x180]  }
0x1e: {  	v0 =	vadd.f32 v0, v1  }
0x1f: {  	v52 =	vld [tilespmem:s22+$0x200]  }
0x20: {  	v0 =	vadd.f32 v2, v0  }
0x21: {  	v53 =	vld [tilespmem:s22+$0x280]  }
0x22: {  	v0 =	vadd.f32 v3, v0  }
0x23: {  	v54 =	vld [tilespmem:s22+$0x300]  }
0x24: {  	v0 =	vadd.f32 v52, v0  }
0x25: {  	v55 =	vld [tilespmem:s22+$0x380]  }
0x26: {  	v0 =	vadd.f32 v53, v0  }
0x27: {  	v56 =	vld [tilespmem:s22+$0x1000]  }
0x28: {  	v0 =	vadd.f32 v54, v0  }
0x29: {  	v57 =	vld [tilespmem:s22+$0x1080]  }
0x2a: {  	v0 =	vadd.f32 v55, v0  }
0x2b: {  	v58 =	vld [tilespmem:s22+$0x1100]  }
0x2c: {  	v0 =	vadd.f32 v56, v0  }
0x2d: {  	v59 =	vld [tilespmem:s22+$0x1180]  }
0x2e: {  	v0 =	vadd.f32 v57, v0  }
0x2f: {  	v60 =	vld [tilespmem:s22+$0x1200]  }
0x30: {  	v0 =	vadd.f32 v58, v0  }
0x31: {  	v61 =	vld [tilespmem:s22+$0x1280]  }
0x32: {  	v0 =	vadd.f32 v59, v0  }
0x33: {  	v62 =	vld [tilespmem:s22+$0x1300]  }
0x34: {  	v0 =	vadd.f32 v60, v0  }
0x35: {  	v63 =	vld [tilespmem:s22+$0x1380]  }
0x36: {  	v0 =	vadd.f32 v61, v0;
	_ =	sdelay $0x1  }
0x37: {  	v0 =	vadd.f32 v62, v0;
	_ =	sdelay $0x1  }
0x38: {  	v0 =	vadd.f32 v63, v0;
	_ =	sdelay $0x1  }
0x39: {  	s30 =	simm.s32 $0x10;
	s24 =	simm.s32 $0x80;
	v0 =	vmul.f32 $6.250000000e-02, v0  }
0x3a: {  	s31 =	sand.u32 $0xC00, s24;
	s22 =	sand.u32 $0x70, s30  }
0x3b: {  	s25 =	simm.s32 $0x20;
	s23 =	sor.u32 s22, s31;
	s22 =	simm.s32 $0x10000;
	[tilespmem:s20+$0x0] =	vst v0  }
.LBB2_2:
0x3c: {  	p0 =	sne.s32 s25, $0x1F0;
	v0 =	vld [tilespmem:s23+$0x80]  }
0x3d: {  	v1 =	vld [tilespmem:s23+$0x0];
	_ =	sdelay $0x1  }
0x3e: {  	v2 =	vld [tilespmem:s23+$0x100];
	_ =	sdelay $0x1  }
0x3f: {  	v3 =	vld [tilespmem:s23+$0x180]  }
0x40: {  	v0 =	vadd.f32 v0, v1  }
0x41: {  	v1 =	vld [tilespmem:s23+$0x200]  }
0x42: {  	v0 =	vadd.f32 v2, v0  }
0x43: {  	v2 =	vld [tilespmem:s23+$0x280]  }
0x44: {  	v0 =	vadd.f32 v3, v0  }
0x45: {  	v3 =	vld [tilespmem:s23+$0x300]  }
0x46: {  	v0 =	vadd.f32 v1, v0  }
0x47: {  	v1 =	vld [tilespmem:s23+$0x380]  }
0x48: {  	v0 =	vadd.f32 v2, v0  }
0x49: {  	v2 =	vld [tilespmem:s23+$0x1000]  }
0x4a: {  	v0 =	vadd.f32 v3, v0  }
0x4b: {  	v3 =	vld [tilespmem:s23+$0x1080]  }
0x4c: {  	v0 =	vadd.f32 v1, v0  }
0x4d: {  	v1 =	vld [tilespmem:s23+$0x1100]  }
0x4e: {  	v0 =	vadd.f32 v2, v0  }
0x4f: {  	v2 =	vld [tilespmem:s23+$0x1180]  }
0x50: {  	v0 =	vadd.f32 v3, v0  }
0x51: {  	v3 =	vld [tilespmem:s23+$0x1200]  }
0x52: {  	v0 =	vadd.f32 v1, v0  }
0x53: {  	v1 =	vld [tilespmem:s23+$0x1280]  }
0x54: {  	v0 =	vadd.f32 v2, v0  }
0x55: {  	v2 =	vld [tilespmem:s23+$0x1300]  }
0x56: {  	v0 =	vadd.f32 v3, v0  }
0x57: {  	v3 =	vld [tilespmem:s23+$0x1380]  }
0x58: {  	v0 =	vadd.f32 v1, v0;
	_ =	sdelay $0x1  }
0x59: {  	v0 =	vadd.f32 v2, v0;
	_ =	sdelay $0x1  }
.Ltmp0:
0x5a: {  	v0 =	vadd.f32 v3, v0;
	(pc) =	sbr.rel @p0 .LBB2_2-.Ltmp0, $4  }
0x5b: {  	_ = 	snop  }
0x5c: {  	s24 =	sadd.s32 $0x80, s24;
	v0 =	vmul.f32 $6.250000000e-02, v0  }
0x5d: {  	s22 =	sadd.s32 $0x10, s22;
	s26 =	sand.u32 $0xC00, s24;
	s23 =	sand.u32 $0x70, s25  }
0x5e: {  	s25 =	sadd.s32 $0x10, s25;
	s23 =	sor.u32 s23, s26;
	[tilespmem:s22+$0x0] =	vst v0  }
0x5f: {  	v0 =	vld [tilespmem:s23+$0x80]  }
0x60: {  	v1 =	vld [tilespmem:s23+$0x0];
	_ =	sdelay $0x1  }
0x61: {  	v2 =	vld [tilespmem:s23+$0x100];
	_ =	sdelay $0x1  }
0x62: {  	v3 =	vld [tilespmem:s23+$0x180]  }
0x63: {  	v0 =	vadd.f32 v0, v1  }
0x64: {  	v52 =	vld [tilespmem:s23+$0x200]  }
0x65: {  	v0 =	vadd.f32 v2, v0  }
0x66: {  	v53 =	vld [tilespmem:s23+$0x280]  }
0x67: {  	v0 =	vadd.f32 v3, v0  }
0x68: {  	v54 =	vld [tilespmem:s23+$0x300]  }
0x69: {  	v0 =	vadd.f32 v52, v0  }
0x6a: {  	v55 =	vld [tilespmem:s23+$0x380]  }
0x6b: {  	v0 =	vadd.f32 v53, v0  }
0x6c: {  	v56 =	vld [tilespmem:s23+$0x1000]  }
0x6d: {  	v0 =	vadd.f32 v54, v0  }
0x6e: {  	v57 =	vld [tilespmem:s23+$0x1080]  }
0x6f: {  	v0 =	vadd.f32 v55, v0  }
0x70: {  	v58 =	vld [tilespmem:s23+$0x1100]  }
0x71: {  	v0 =	vadd.f32 v56, v0  }
0x72: {  	v59 =	vld [tilespmem:s23+$0x1180]  }
0x73: {  	v0 =	vadd.f32 v57, v0  }
0x74: {  	v60 =	vld [tilespmem:s23+$0x1200]  }
0x75: {  	v0 =	vadd.f32 v58, v0  }
0x76: {  	v61 =	vld [tilespmem:s23+$0x1280]  }
0x77: {  	v0 =	vadd.f32 v59, v0  }
0x78: {  	v62 =	vld [tilespmem:s23+$0x1300]  }
0x79: {  	v0 =	vadd.f32 v60, v0  }
0x7a: {  	v63 =	vld [tilespmem:s23+$0x1380]  }
0x7b: {  	v0 =	vadd.f32 v61, v0;
	_ =	sdelay $0x1  }
0x7c: {  	v0 =	vadd.f32 v62, v0;
	_ =	sdelay $0x1  }
0x7d: {  	v0 =	vadd.f32 v63, v0;
	_ =	sdelay $0x1  }
0x7e: {  	s24 =	simm.s32 $0x0;
	v0 =	vmul.f32 $6.250000000e-02, v0  }
0x7f: {  	s22 =	sadd.s32 $0x10, s22;
	s31 =	sand.u32 $0x70, s24;
	s25 =	sand.u32 $0xC00, s24  }
0x80: {  	s23 =	sor.u32 s31, s25;
	s25 =	simm.s32 $0x10;
	[tilespmem:s22+$0x0] =	vst v0;
	s22 =	simm.s32 $0x0  }
.LBB2_4:
0x81: {  	p0 =	sne.s32 s25, $0x1F0;
	v0 =	vld [tilespmem:s23+$0x2080]  }
0x82: {  	v1 =	vld [tilespmem:s23+$0x2000];
	_ =	sdelay $0x1  }
0x83: {  	v2 =	vld [tilespmem:s23+$0x2100];
	_ =	sdelay $0x1  }
0x84: {  	v3 =	vld [tilespmem:s23+$0x2180]  }
0x85: {  	v0 =	vadd.f32 v0, v1  }
0x86: {  	v1 =	vld [tilespmem:s23+$0x2200]  }
0x87: {  	v0 =	vadd.f32 v2, v0  }
0x88: {  	v2 =	vld [tilespmem:s23+$0x2280]  }
0x89: {  	v0 =	vadd.f32 v3, v0  }
0x8a: {  	v3 =	vld [tilespmem:s23+$0x2300]  }
0x8b: {  	v0 =	vadd.f32 v1, v0  }
0x8c: {  	v1 =	vld [tilespmem:s23+$0x2380]  }
0x8d: {  	v0 =	vadd.f32 v2, v0  }
0x8e: {  	v2 =	vld [tilespmem:s23+$0x3000]  }
0x8f: {  	v0 =	vadd.f32 v3, v0  }
0x90: {  	v3 =	vld [tilespmem:s23+$0x3080]  }
0x91: {  	v0 =	vadd.f32 v1, v0  }
0x92: {  	v1 =	vld [tilespmem:s23+$0x3100]  }
0x93: {  	v0 =	vadd.f32 v2, v0  }
0x94: {  	v2 =	vld [tilespmem:s23+$0x3180]  }
0x95: {  	v0 =	vadd.f32 v3, v0  }
0x96: {  	v3 =	vld [tilespmem:s23+$0x3200]  }
0x97: {  	v0 =	vadd.f32 v1, v0  }
0x98: {  	v1 =	vld [tilespmem:s23+$0x3280]  }
0x99: {  	v0 =	vadd.f32 v2, v0  }
0x9a: {  	v2 =	vld [tilespmem:s23+$0x3300]  }
0x9b: {  	v0 =	vadd.f32 v3, v0  }
0x9c: {  	v3 =	vld [tilespmem:s23+$0x3380]  }
0x9d: {  	v0 =	vadd.f32 v1, v0;
	_ =	sdelay $0x1  }
0x9e: {  	v0 =	vadd.f32 v2, v0;
	_ =	sdelay $0x1  }
.Ltmp1:
0x9f: {  	v0 =	vadd.f32 v3, v0;
	(pc) =	sbr.rel @p0 .LBB2_4-.Ltmp1, $4  }
0xa0: {  	_ = 	snop  }
0xa1: {  	s24 =	sadd.s32 $0x80, s24;
	v0 =	vmul.f32 $6.250000000e-02, v0  }
0xa2: {  	s22 =	sand.u32 $0x1F0, s22;
	s26 =	sand.u32 $0xC00, s24;
	s23 =	sand.u32 $0x70, s25  }
0xa3: {  	s23 =	sor.u32 s23, s26;
	[tilespmem:s22+$0x10200] =	vst v0;
	s22 =	smov.u32 s25;
	s25 =	sadd.s32 $0x10, s25  }
0xa4: {  	v0 =	vld [tilespmem:s23+$0x2080]  }
0xa5: {  	v1 =	vld [tilespmem:s23+$0x2000];
	_ =	sdelay $0x1  }
0xa6: {  	v2 =	vld [tilespmem:s23+$0x2100];
	_ =	sdelay $0x1  }
0xa7: {  	v3 =	vld [tilespmem:s23+$0x2180]  }
0xa8: {  	v0 =	vadd.f32 v0, v1  }
0xa9: {  	v52 =	vld [tilespmem:s23+$0x2200]  }
0xaa: {  	v0 =	vadd.f32 v2, v0  }
0xab: {  	v53 =	vld [tilespmem:s23+$0x2280]  }
0xac: {  	v0 =	vadd.f32 v3, v0  }
0xad: {  	v54 =	vld [tilespmem:s23+$0x2300]  }
0xae: {  	v0 =	vadd.f32 v52, v0  }
0xaf: {  	v55 =	vld [tilespmem:s23+$0x2380]  }
0xb0: {  	v0 =	vadd.f32 v53, v0  }
0xb1: {  	v56 =	vld [tilespmem:s23+$0x3000]  }
0xb2: {  	v0 =	vadd.f32 v54, v0  }
0xb3: {  	v57 =	vld [tilespmem:s23+$0x3080]  }
0xb4: {  	v0 =	vadd.f32 v55, v0  }
0xb5: {  	v58 =	vld [tilespmem:s23+$0x3100]  }
0xb6: {  	v0 =	vadd.f32 v56, v0  }
0xb7: {  	v59 =	vld [tilespmem:s23+$0x3180]  }
0xb8: {  	v0 =	vadd.f32 v57, v0  }
0xb9: {  	v60 =	vld [tilespmem:s23+$0x3200]  }
0xba: {  	v0 =	vadd.f32 v58, v0  }
0xbb: {  	v61 =	vld [tilespmem:s23+$0x3280]  }
0xbc: {  	v0 =	vadd.f32 v59, v0  }
0xbd: {  	v62 =	vld [tilespmem:s23+$0x3300]  }
0xbe: {  	v0 =	vadd.f32 v60, v0  }
0xbf: {  	v63 =	vld [tilespmem:s23+$0x3380]  }
0xc0: {  	v0 =	vadd.f32 v61, v0;
	_ =	sdelay $0x1  }
0xc1: {  	v0 =	vadd.f32 v62, v0;
	_ =	sdelay $0x1  }
0xc2: {  	v0 =	vadd.f32 v63, v0;
	_ =	sdelay $0x1  }
0xc3: {  	v0 =	vmul.f32 $6.250000000e-02, v0  }
0xc4: {  	s22 =	sand.u32 $0x1F0, s22  }
0xc5: {  	s29 =	simm.s32 $0x10;
	[tilespmem:s22+$0x10200] =	vst v0  }
0xc6: {  	s25 =	simm.s32 $0x0;
	s22 =	simm.s32 $0x0;
	_ =	swait.ge [sflag:s14], $0x4000  }
0xc7: {  	s23 =	sand.u32 $0x70, s22;
	s24 =	sand.u32 $0xC00, s22;
	[sflag:s14] =	ssyncset.done $0x0  }
0xc8: {  	s28 =	simm.s32 $0x0;
	s26 =	sor.u32 s23, s24;
	[sflag:s14] =	ssyncadd.s32 $0xFFFFC000  }
.LBB2_6:
0xc9: {  	p0 =	sne.s32 s29, $0x1F0;
	v0 =	vld [tilespmem:s26+$0x4080]  }
0xca: {  	v1 =	vld [tilespmem:s26+$0x4000];
	_ =	sdelay $0x1  }
0xcb: {  	v2 =	vld [tilespmem:s26+$0x4100];
	_ =	sdelay $0x1  }
0xcc: {  	v3 =	vld [tilespmem:s26+$0x4180]  }
0xcd: {  	v0 =	vadd.f32 v0, v1  }
0xce: {  	v1 =	vld [tilespmem:s26+$0x4200]  }
0xcf: {  	v0 =	vadd.f32 v2, v0  }
0xd0: {  	v2 =	vld [tilespmem:s26+$0x4280]  }
0xd1: {  	v0 =	vadd.f32 v3, v0  }
0xd2: {  	s30 =	sor.u32 s28, s25;
	v3 =	vld [tilespmem:s26+$0x4300]  }
0xd3: {  	s30 =	sor.u32 $0x380, s30;
	v0 =	vadd.f32 v1, v0  }
0xd4: {  	v1 =	vld [tilespmem:s30+$0x4000]  }
0xd5: {  	v0 =	vadd.f32 v2, v0  }
0xd6: {  	v2 =	vld [tilespmem:s26+$0x5000]  }
0xd7: {  	v0 =	vadd.f32 v3, v0  }
0xd8: {  	v3 =	vld [tilespmem:s26+$0x5080]  }
0xd9: {  	v0 =	vadd.f32 v1, v0  }
0xda: {  	v1 =	vld [tilespmem:s26+$0x5100]  }
0xdb: {  	v0 =	vadd.f32 v2, v0  }
0xdc: {  	v2 =	vld [tilespmem:s26+$0x5180]  }
0xdd: {  	v0 =	vadd.f32 v3, v0  }
0xde: {  	v3 =	vld [tilespmem:s26+$0x5200]  }
0xdf: {  	v0 =	vadd.f32 v1, v0  }
0xe0: {  	v1 =	vld [tilespmem:s26+$0x5280]  }
0xe1: {  	v0 =	vadd.f32 v2, v0  }
0xe2: {  	v2 =	vld [tilespmem:s26+$0x5300]  }
0xe3: {  	v0 =	vadd.f32 v3, v0  }
0xe4: {  	v3 =	vld [tilespmem:s26+$0x5380]  }
0xe5: {  	v0 =	vadd.f32 v1, v0;
	_ =	sdelay $0x1  }
0xe6: {  	v0 =	vadd.f32 v2, v0;
	_ =	sdelay $0x1  }
.Ltmp2:
0xe7: {  	v0 =	vadd.f32 v3, v0;
	(pc) =	sbr.rel @p0 .LBB2_6-.Ltmp2, $4  }
0xe8: {  	_ = 	snop  }
0xe9: {  	s28 =	sadd.s32 $0x80, s28;
	v0 =	vmul.f32 $6.250000000e-02, v0  }
0xea: {  	s25 =	sand.u32 $0x1F0, s25;
	s30 =	sand.u32 $0xC00, s28;
	s26 =	sand.u32 $0x70, s29  }
0xeb: {  	s26 =	sor.u32 s26, s30;
	[tilespmem:s25+$0x10400] =	vst v0;
	s25 =	smov.u32 s29;
	s29 =	sadd.s32 $0x10, s29  }
0xec: {  	v0 =	vld [tilespmem:s26+$0x4080]  }
0xed: {  	v1 =	vld [tilespmem:s26+$0x4000];
	_ =	sdelay $0x1  }
0xee: {  	v2 =	vld [tilespmem:s26+$0x4100];
	_ =	sdelay $0x1  }
0xef: {  	v3 =	vld [tilespmem:s26+$0x4180]  }
0xf0: {  	v0 =	vadd.f32 v0, v1  }
0xf1: {  	v52 =	vld [tilespmem:s26+$0x4200]  }
0xf2: {  	v0 =	vadd.f32 v2, v0  }
0xf3: {  	v53 =	vld [tilespmem:s26+$0x4280]  }
0xf4: {  	v0 =	vadd.f32 v3, v0  }
0xf5: {  	v54 =	vld [tilespmem:s26+$0x4300];
	s28 =	sor.u32 s28, s25  }
0xf6: {  	s28 =	sor.u32 $0x380, s28;
	v0 =	vadd.f32 v52, v0  }
0xf7: {  	v55 =	vld [tilespmem:s28+$0x4000]  }
0xf8: {  	v0 =	vadd.f32 v53, v0  }
0xf9: {  	v56 =	vld [tilespmem:s26+$0x5000]  }
0xfa: {  	v0 =	vadd.f32 v54, v0  }
0xfb: {  	v57 =	vld [tilespmem:s26+$0x5080]  }
0xfc: {  	v0 =	vadd.f32 v55, v0  }
0xfd: {  	v58 =	vld [tilespmem:s26+$0x5100]  }
0xfe: {  	v0 =	vadd.f32 v56, v0  }
0xff: {  	v59 =	vld [tilespmem:s26+$0x5180]  }
0x100: {  	v0 =	vadd.f32 v57, v0  }
0x101: {  	v60 =	vld [tilespmem:s26+$0x5200]  }
0x102: {  	v0 =	vadd.f32 v58, v0  }
0x103: {  	v61 =	vld [tilespmem:s26+$0x5280]  }
0x104: {  	v0 =	vadd.f32 v59, v0  }
0x105: {  	v62 =	vld [tilespmem:s26+$0x5300]  }
0x106: {  	v0 =	vadd.f32 v60, v0  }
0x107: {  	v63 =	vld [tilespmem:s26+$0x5380]  }
0x108: {  	v0 =	vadd.f32 v61, v0;
	_ =	sdelay $0x1  }
0x109: {  	v0 =	vadd.f32 v62, v0;
	_ =	sdelay $0x1  }
0x10a: {  	v0 =	vadd.f32 v63, v0;
	_ =	sdelay $0x1  }
0x10b: {  	v0 =	vmul.f32 $6.250000000e-02, v0  }
0x10c: {  	s31 =	sand.u32 $0x1F0, s25  }
0x10d: {  	s24 =	sor.u32 s23, s24;
	s25 =	simm.s32 $0x10;
	s23 =	simm.s32 $0x0;
	[tilespmem:s31+$0x10400] =	vst v0  }
.LBB2_8:
0x10e: {  	p0 =	sne.s32 s25, $0x1F0;
	v0 =	vld [tilespmem:s24+$0x6080]  }
0x10f: {  	v1 =	vld [tilespmem:s24+$0x6000];
	_ =	sdelay $0x1  }
0x110: {  	v2 =	vld [tilespmem:s24+$0x6100];
	_ =	sdelay $0x1  }
0x111: {  	v3 =	vld [tilespmem:s24+$0x6180]  }
0x112: {  	v0 =	vadd.f32 v0, v1  }
0x113: {  	v1 =	vld [tilespmem:s24+$0x6200]  }
0x114: {  	v0 =	vadd.f32 v2, v0  }
0x115: {  	v2 =	vld [tilespmem:s24+$0x6280]  }
0x116: {  	v0 =	vadd.f32 v3, v0  }
0x117: {  	v3 =	vld [tilespmem:s24+$0x6300]  }
0x118: {  	v0 =	vadd.f32 v1, v0  }
0x119: {  	v1 =	vld [tilespmem:s24+$0x6380]  }
0x11a: {  	v0 =	vadd.f32 v2, v0  }
0x11b: {  	v2 =	vld [tilespmem:s24+$0x7000]  }
0x11c: {  	v0 =	vadd.f32 v3, v0  }
0x11d: {  	v3 =	vld [tilespmem:s24+$0x7080]  }
0x11e: {  	v0 =	vadd.f32 v1, v0  }
0x11f: {  	v1 =	vld [tilespmem:s24+$0x7100]  }
0x120: {  	v0 =	vadd.f32 v2, v0  }
0x121: {  	v2 =	vld [tilespmem:s24+$0x7180]  }
0x122: {  	v0 =	vadd.f32 v3, v0  }
0x123: {  	v3 =	vld [tilespmem:s24+$0x7200]  }
0x124: {  	v0 =	vadd.f32 v1, v0  }
0x125: {  	v1 =	vld [tilespmem:s24+$0x7280]  }
0x126: {  	v0 =	vadd.f32 v2, v0  }
0x127: {  	v2 =	vld [tilespmem:s24+$0x7300]  }
0x128: {  	v0 =	vadd.f32 v3, v0  }
0x129: {  	v3 =	vld [tilespmem:s24+$0x7380]  }
0x12a: {  	v0 =	vadd.f32 v1, v0;
	_ =	sdelay $0x1  }
0x12b: {  	v0 =	vadd.f32 v2, v0;
	_ =	sdelay $0x1  }
.Ltmp3:
0x12c: {  	v0 =	vadd.f32 v3, v0;
	(pc) =	sbr.rel @p0 .LBB2_8-.Ltmp3, $4  }
0x12d: {  	_ = 	snop  }
0x12e: {  	s22 =	sadd.s32 $0x80, s22;
	v0 =	vmul.f32 $6.250000000e-02, v0  }
0x12f: {  	s23 =	sand.u32 $0x1F0, s23;
	s26 =	sand.u32 $0xC00, s22;
	s24 =	sand.u32 $0x70, s25  }
0x130: {  	s24 =	sor.u32 s24, s26;
	[tilespmem:s23+$0x10600] =	vst v0;
	s23 =	smov.u32 s25;
	s25 =	sadd.s32 $0x10, s25  }
0x131: {  	v0 =	vld [tilespmem:s24+$0x6080]  }
0x132: {  	v1 =	vld [tilespmem:s24+$0x6000];
	_ =	sdelay $0x1  }
0x133: {  	v2 =	vld [tilespmem:s24+$0x6100];
	_ =	sdelay $0x1  }
0x134: {  	v3 =	vld [tilespmem:s24+$0x6180]  }
0x135: {  	v0 =	vadd.f32 v0, v1  }
0x136: {  	v36 =	vld [tilespmem:s24+$0x6200]  }
0x137: {  	v0 =	vadd.f32 v2, v0  }
0x138: {  	v37 =	vld [tilespmem:s24+$0x6280]  }
0x139: {  	v0 =	vadd.f32 v3, v0  }
0x13a: {  	v38 =	vld [tilespmem:s24+$0x6300]  }
0x13b: {  	v0 =	vadd.f32 v36, v0  }
0x13c: {  	v39 =	vld [tilespmem:s24+$0x6380]  }
0x13d: {  	v0 =	vadd.f32 v37, v0  }
0x13e: {  	v40 =	vld [tilespmem:s24+$0x7000]  }
0x13f: {  	v0 =	vadd.f32 v38, v0  }
0x140: {  	v41 =	vld [tilespmem:s24+$0x7080]  }
0x141: {  	v0 =	vadd.f32 v39, v0  }
0x142: {  	v42 =	vld [tilespmem:s24+$0x7100]  }
0x143: {  	v0 =	vadd.f32 v40, v0  }
0x144: {  	v43 =	vld [tilespmem:s24+$0x7180]  }
0x145: {  	v0 =	vadd.f32 v41, v0  }
0x146: {  	v44 =	vld [tilespmem:s24+$0x7200]  }
0x147: {  	v0 =	vadd.f32 v42, v0  }
0x148: {  	v45 =	vld [tilespmem:s24+$0x7280]  }
0x149: {  	v0 =	vadd.f32 v43, v0  }
0x14a: {  	v46 =	vld [tilespmem:s24+$0x7300]  }
0x14b: {  	v0 =	vadd.f32 v44, v0  }
0x14c: {  	v47 =	vld [tilespmem:s24+$0x7380]  }
0x14d: {  	v0 =	vadd.f32 v45, v0;
	_ =	sdelay $0x1  }
0x14e: {  	v0 =	vadd.f32 v46, v0;
	_ =	sdelay $0x1  }
0x14f: {  	v0 =	vadd.f32 v47, v0;
	_ =	sdelay $0x1  }
0x150: {  	v0 =	vmul.f32 $6.250000000e-02, v0  }
0x151: {  	s22 =	sand.u32 $0x1F0, s23  }
0x152: {  	s25 =	simm.s32 $0x10000;
	[tilespmem:s22+$0x10600] =	vst v0  }
0x153: {  	[hbm4b:s7+s15] =	stream.strided.scatter [tilespmem:s25], [sflag:$0x5], $0x800, s16, s15, $0x38;
	[tilespmem:$0x10800] =	vst v63  }
0x154: {  	_ =	swait.ge [sflag:s17], $0x800  }
0x155: {  	[sflag:s17] =	ssyncset.done $0x0  }
0x156: {  	[sflag:s17] =	ssyncadd.s32 $0xFFFFF800  }
0x157: {  	s23 =	simm.s32 $0x0;
	_ =	swait.ge [sflag:s18], $0x4000  }
0x158: {  	s30 =	sand.u32 $0x70, s23;
	s31 =	sand.u32 $0xC00, s23;
	[sflag:s18] =	ssyncset.done $0x0  }
0x159: {  	s22 =	sor.u32 s30, s31;
	[sflag:s18] =	ssyncadd.s32 $0xFFFFC000  }
0x15a: {  	v48 =	vld [tilespmem:s22+$0x8080]  }
0x15b: {  	v49 =	vld [tilespmem:s22+$0x8000];
	_ =	sdelay $0x1  }
0x15c: {  	v50 =	vld [tilespmem:s22+$0x8100];
	_ =	sdelay $0x1  }
0x15d: {  	v51 =	vld [tilespmem:s22+$0x8180]  }
0x15e: {  	v0 =	vadd.f32 v48, v49  }
0x15f: {  	v52 =	vld [tilespmem:s22+$0x8200]  }
0x160: {  	v0 =	vadd.f32 v50, v0  }
0x161: {  	v53 =	vld [tilespmem:s22+$0x8280]  }
0x162: {  	v0 =	vadd.f32 v51, v0  }
0x163: {  	v54 =	vld [tilespmem:s22+$0x8300]  }
0x164: {  	v0 =	vadd.f32 v52, v0  }
0x165: {  	v55 =	vld [tilespmem:s22+$0x8380]  }
0x166: {  	v0 =	vadd.f32 v53, v0  }
0x167: {  	v56 =	vld [tilespmem:s22+$0x9000]  }
0x168: {  	v0 =	vadd.f32 v54, v0  }
0x169: {  	v57 =	vld [tilespmem:s22+$0x9080]  }
0x16a: {  	v0 =	vadd.f32 v55, v0  }
0x16b: {  	v58 =	vld [tilespmem:s22+$0x9100]  }
0x16c: {  	v0 =	vadd.f32 v56, v0  }
0x16d: {  	v59 =	vld [tilespmem:s22+$0x9180]  }
0x16e: {  	v0 =	vadd.f32 v57, v0  }
0x16f: {  	v60 =	vld [tilespmem:s22+$0x9200]  }
0x170: {  	v0 =	vadd.f32 v58, v0  }
0x171: {  	v61 =	vld [tilespmem:s22+$0x9280]  }
0x172: {  	v0 =	vadd.f32 v59, v0  }
0x173: {  	v62 =	vld [tilespmem:s22+$0x9300]  }
0x174: {  	v0 =	vadd.f32 v60, v0  }
0x175: {  	v63 =	vld [tilespmem:s22+$0x9380]  }
0x176: {  	v0 =	vadd.f32 v61, v0;
	_ =	sdelay $0x1  }
0x177: {  	v0 =	vadd.f32 v62, v0;
	_ =	sdelay $0x1  }
0x178: {  	v0 =	vadd.f32 v63, v0;
	_ =	sdelay $0x1  }
0x179: {  	s24 =	simm.s32 $0x10;
	s28 =	simm.s32 $0x80;
	v0 =	vmul.f32 $6.250000000e-02, v0  }
0x17a: {  	s26 =	sand.u32 $0x70, s24;
	s29 =	sand.u32 $0xC00, s28  }
0x17b: {  	s26 =	sor.u32 s26, s29;
	s29 =	simm.s32 $0x20;
	[tilespmem:s25+$0x0] =	vst v0  }
.LBB2_10:
0x17c: {  	p0 =	sne.s32 s29, $0x1F0;
	v0 =	vld [tilespmem:s26+$0x8080]  }
0x17d: {  	v1 =	vld [tilespmem:s26+$0x8000];
	_ =	sdelay $0x1  }
0x17e: {  	v2 =	vld [tilespmem:s26+$0x8100];
	_ =	sdelay $0x1  }
0x17f: {  	v3 =	vld [tilespmem:s26+$0x8180]  }
0x180: {  	v0 =	vadd.f32 v0, v1  }
0x181: {  	v1 =	vld [tilespmem:s26+$0x8200]  }
0x182: {  	v0 =	vadd.f32 v2, v0  }
0x183: {  	v2 =	vld [tilespmem:s26+$0x8280]  }
0x184: {  	v0 =	vadd.f32 v3, v0  }
0x185: {  	v3 =	vld [tilespmem:s26+$0x8300]  }
0x186: {  	v0 =	vadd.f32 v1, v0  }
0x187: {  	v1 =	vld [tilespmem:s26+$0x8380]  }
0x188: {  	v0 =	vadd.f32 v2, v0  }
0x189: {  	v2 =	vld [tilespmem:s26+$0x9000]  }
0x18a: {  	v0 =	vadd.f32 v3, v0  }
0x18b: {  	v3 =	vld [tilespmem:s26+$0x9080]  }
0x18c: {  	v0 =	vadd.f32 v1, v0  }
0x18d: {  	v1 =	vld [tilespmem:s26+$0x9100]  }
0x18e: {  	v0 =	vadd.f32 v2, v0  }
0x18f: {  	v2 =	vld [tilespmem:s26+$0x9180]  }
0x190: {  	v0 =	vadd.f32 v3, v0  }
0x191: {  	v3 =	vld [tilespmem:s26+$0x9200]  }
0x192: {  	v0 =	vadd.f32 v1, v0  }
0x193: {  	v1 =	vld [tilespmem:s26+$0x9280]  }
0x194: {  	v0 =	vadd.f32 v2, v0  }
0x195: {  	v2 =	vld [tilespmem:s26+$0x9300]  }
0x196: {  	v0 =	vadd.f32 v3, v0  }
0x197: {  	v3 =	vld [tilespmem:s26+$0x9380]  }
0x198: {  	v0 =	vadd.f32 v1, v0;
	_ =	sdelay $0x1  }
0x199: {  	v0 =	vadd.f32 v2, v0;
	_ =	sdelay $0x1  }
.Ltmp4:
0x19a: {  	v0 =	vadd.f32 v3, v0;
	(pc) =	sbr.rel @p0 .LBB2_10-.Ltmp4, $4  }
0x19b: {  	_ = 	snop  }
0x19c: {  	s28 =	sadd.s32 $0x80, s28;
	v0 =	vmul.f32 $6.250000000e-02, v0  }
0x19d: {  	s25 =	sadd.s32 $0x10, s25;
	s30 =	sand.u32 $0xC00, s28;
	s26 =	sand.u32 $0x70, s29  }
0x19e: {  	s29 =	sadd.s32 $0x10, s29;
	s26 =	sor.u32 s26, s30;
	[tilespmem:s25+$0x0] =	vst v0  }
0x19f: {  	v0 =	vld [tilespmem:s26+$0x8080]  }
0x1a0: {  	v1 =	vld [tilespmem:s26+$0x8000];
	_ =	sdelay $0x1  }
0x1a1: {  	v2 =	vld [tilespmem:s26+$0x8100];
	_ =	sdelay $0x1  }
0x1a2: {  	v3 =	vld [tilespmem:s26+$0x8180]  }
0x1a3: {  	v0 =	vadd.f32 v0, v1  }
0x1a4: {  	v52 =	vld [tilespmem:s26+$0x8200]  }
0x1a5: {  	v0 =	vadd.f32 v2, v0  }
0x1a6: {  	v53 =	vld [tilespmem:s26+$0x8280]  }
0x1a7: {  	v0 =	vadd.f32 v3, v0  }
0x1a8: {  	v54 =	vld [tilespmem:s26+$0x8300]  }
0x1a9: {  	v0 =	vadd.f32 v52, v0  }
0x1aa: {  	v55 =	vld [tilespmem:s26+$0x8380]  }
0x1ab: {  	v0 =	vadd.f32 v53, v0  }
0x1ac: {  	v56 =	vld [tilespmem:s26+$0x9000]  }
0x1ad: {  	v0 =	vadd.f32 v54, v0  }
0x1ae: {  	v57 =	vld [tilespmem:s26+$0x9080]  }
0x1af: {  	v0 =	vadd.f32 v55, v0  }
0x1b0: {  	v58 =	vld [tilespmem:s26+$0x9100]  }
0x1b1: {  	v0 =	vadd.f32 v56, v0  }
0x1b2: {  	v59 =	vld [tilespmem:s26+$0x9180]  }
0x1b3: {  	v0 =	vadd.f32 v57, v0  }
0x1b4: {  	v60 =	vld [tilespmem:s26+$0x9200]  }
0x1b5: {  	v0 =	vadd.f32 v58, v0  }
0x1b6: {  	v61 =	vld [tilespmem:s26+$0x9280]  }
0x1b7: {  	v0 =	vadd.f32 v59, v0  }
0x1b8: {  	v62 =	vld [tilespmem:s26+$0x9300]  }
0x1b9: {  	v0 =	vadd.f32 v60, v0  }
0x1ba: {  	v63 =	vld [tilespmem:s26+$0x9380]  }
0x1bb: {  	v0 =	vadd.f32 v61, v0;
	_ =	sdelay $0x1  }
0x1bc: {  	v0 =	vadd.f32 v62, v0;
	_ =	sdelay $0x1  }
0x1bd: {  	v0 =	vadd.f32 v63, v0;
	_ =	sdelay $0x1  }
0x1be: {  	v0 =	vmul.f32 $6.250000000e-02, v0  }
0x1bf: {  	s25 =	sadd.s32 $0x10, s25  }
0x1c0: {  	[tilespmem:s25+$0x0] =	vst v0;
	s25 =	simm.s32 $0x0  }
.LBB2_12:
0x1c1: {  	p0 =	sne.s32 s24, $0x1F0;
	v0 =	vld [tilespmem:s22+$0xA080]  }
0x1c2: {  	v1 =	vld [tilespmem:s22+$0xA000];
	_ =	sdelay $0x1  }
0x1c3: {  	v2 =	vld [tilespmem:s22+$0xA100];
	_ =	sdelay $0x1  }
0x1c4: {  	v3 =	vld [tilespmem:s22+$0xA180]  }
0x1c5: {  	v0 =	vadd.f32 v0, v1  }
0x1c6: {  	v1 =	vld [tilespmem:s22+$0xA200]  }
0x1c7: {  	v0 =	vadd.f32 v2, v0  }
0x1c8: {  	v2 =	vld [tilespmem:s22+$0xA280]  }
0x1c9: {  	v0 =	vadd.f32 v3, v0  }
0x1ca: {  	v3 =	vld [tilespmem:s22+$0xA300]  }
0x1cb: {  	v0 =	vadd.f32 v1, v0  }
0x1cc: {  	v1 =	vld [tilespmem:s22+$0xA380]  }
0x1cd: {  	v0 =	vadd.f32 v2, v0  }
0x1ce: {  	v2 =	vld [tilespmem:s22+$0xB000]  }
0x1cf: {  	v0 =	vadd.f32 v3, v0  }
0x1d0: {  	v3 =	vld [tilespmem:s22+$0xB080]  }
0x1d1: {  	v0 =	vadd.f32 v1, v0  }
0x1d2: {  	v1 =	vld [tilespmem:s22+$0xB100]  }
0x1d3: {  	v0 =	vadd.f32 v2, v0  }
0x1d4: {  	v2 =	vld [tilespmem:s22+$0xB180]  }
0x1d5: {  	v0 =	vadd.f32 v3, v0  }
0x1d6: {  	v3 =	vld [tilespmem:s22+$0xB200]  }
0x1d7: {  	v0 =	vadd.f32 v1, v0  }
0x1d8: {  	v1 =	vld [tilespmem:s22+$0xB280]  }
0x1d9: {  	v0 =	vadd.f32 v2, v0  }
0x1da: {  	v2 =	vld [tilespmem:s22+$0xB300]  }
0x1db: {  	v0 =	vadd.f32 v3, v0  }
0x1dc: {  	v3 =	vld [tilespmem:s22+$0xB380]  }
0x1dd: {  	v0 =	vadd.f32 v1, v0;
	_ =	sdelay $0x1  }
0x1de: {  	v0 =	vadd.f32 v2, v0;
	_ =	sdelay $0x1  }
.Ltmp5:
0x1df: {  	v0 =	vadd.f32 v3, v0;
	(pc) =	sbr.rel @p0 .LBB2_12-.Ltmp5, $4  }
0x1e0: {  	_ = 	snop  }
0x1e1: {  	s23 =	sadd.s32 $0x80, s23;
	v0 =	vmul.f32 $6.250000000e-02, v0  }
0x1e2: {  	s25 =	sand.u32 $0x1F0, s25;
	s26 =	sand.u32 $0xC00, s23;
	s22 =	sand.u32 $0x70, s24  }
0x1e3: {  	s22 =	sor.u32 s22, s26;
	[tilespmem:s25+$0x10200] =	vst v0;
	s25 =	smov.u32 s24;
	s24 =	sadd.s32 $0x10, s24  }
0x1e4: {  	v0 =	vld [tilespmem:s22+$0xA080]  }
0x1e5: {  	v1 =	vld [tilespmem:s22+$0xA000];
	_ =	sdelay $0x1  }
0x1e6: {  	v2 =	vld [tilespmem:s22+$0xA100];
	_ =	sdelay $0x1  }
0x1e7: {  	v3 =	vld [tilespmem:s22+$0xA180]  }
0x1e8: {  	v0 =	vadd.f32 v0, v1  }
0x1e9: {  	v52 =	vld [tilespmem:s22+$0xA200]  }
0x1ea: {  	v0 =	vadd.f32 v2, v0  }
0x1eb: {  	v53 =	vld [tilespmem:s22+$0xA280]  }
0x1ec: {  	v0 =	vadd.f32 v3, v0  }
0x1ed: {  	v54 =	vld [tilespmem:s22+$0xA300]  }
0x1ee: {  	v0 =	vadd.f32 v52, v0  }
0x1ef: {  	v55 =	vld [tilespmem:s22+$0xA380]  }
0x1f0: {  	v0 =	vadd.f32 v53, v0  }
0x1f1: {  	v56 =	vld [tilespmem:s22+$0xB000]  }
0x1f2: {  	v0 =	vadd.f32 v54, v0  }
0x1f3: {  	v57 =	vld [tilespmem:s22+$0xB080]  }
0x1f4: {  	v0 =	vadd.f32 v55, v0  }
0x1f5: {  	v58 =	vld [tilespmem:s22+$0xB100]  }
0x1f6: {  	v0 =	vadd.f32 v56, v0  }
0x1f7: {  	v59 =	vld [tilespmem:s22+$0xB180]  }
0x1f8: {  	v0 =	vadd.f32 v57, v0  }
0x1f9: {  	v60 =	vld [tilespmem:s22+$0xB200]  }
0x1fa: {  	v0 =	vadd.f32 v58, v0  }
0x1fb: {  	v61 =	vld [tilespmem:s22+$0xB280]  }
0x1fc: {  	v0 =	vadd.f32 v59, v0  }
0x1fd: {  	v62 =	vld [tilespmem:s22+$0xB300]  }
0x1fe: {  	v0 =	vadd.f32 v60, v0  }
0x1ff: {  	v63 =	vld [tilespmem:s22+$0xB380]  }
0x200: {  	v0 =	vadd.f32 v61, v0;
	_ =	sdelay $0x1  }
0x201: {  	v0 =	vadd.f32 v62, v0;
	_ =	sdelay $0x1  }
0x202: {  	v0 =	vadd.f32 v63, v0;
	_ =	sdelay $0x1  }
0x203: {  	v0 =	vmul.f32 $6.250000000e-02, v0  }
0x204: {  	s31 =	sand.u32 $0x1F0, s25  }
0x205: {  	s22 =	simm.s32 $0x0;
	[tilespmem:s31+$0x10200] =	vst v0  }
0x206: {  	s29 =	simm.s32 $0x10;
	s25 =	simm.s32 $0x0;
	_ =	swait.ge [sflag:s19], $0x4000  }
0x207: {  	s23 =	sand.u32 $0x70, s22;
	s24 =	sand.u32 $0xC00, s22;
	[sflag:s19] =	ssyncset.done $0x0  }
0x208: {  	s28 =	simm.s32 $0x0;
	s26 =	sor.u32 s23, s24;
	[sflag:s19] =	ssyncadd.s32 $0xFFFFC000  }
.LBB2_14:
0x209: {  	p0 =	sne.s32 s29, $0x1F0;
	v0 =	vld [tilespmem:s26+$0xC080]  }
0x20a: {  	v1 =	vld [tilespmem:s26+$0xC000];
	_ =	sdelay $0x1  }
0x20b: {  	v2 =	vld [tilespmem:s26+$0xC100];
	_ =	sdelay $0x1  }
0x20c: {  	v3 =	vld [tilespmem:s26+$0xC180]  }
0x20d: {  	v0 =	vadd.f32 v0, v1  }
0x20e: {  	v1 =	vld [tilespmem:s26+$0xC200]  }
0x20f: {  	v0 =	vadd.f32 v2, v0  }
0x210: {  	v2 =	vld [tilespmem:s26+$0xC280]  }
0x211: {  	v0 =	vadd.f32 v3, v0  }
0x212: {  	s30 =	sor.u32 s28, s25;
	v3 =	vld [tilespmem:s26+$0xC300]  }
0x213: {  	s30 =	sor.u32 $0x380, s30;
	v0 =	vadd.f32 v1, v0  }
0x214: {  	v1 =	vld [tilespmem:s30+$0xC000]  }
0x215: {  	v0 =	vadd.f32 v2, v0  }
0x216: {  	v2 =	vld [tilespmem:s26+$0xD000]  }
0x217: {  	v0 =	vadd.f32 v3, v0  }
0x218: {  	v3 =	vld [tilespmem:s26+$0xD080]  }
0x219: {  	v0 =	vadd.f32 v1, v0  }
0x21a: {  	v1 =	vld [tilespmem:s26+$0xD100]  }
0x21b: {  	v0 =	vadd.f32 v2, v0  }
0x21c: {  	v2 =	vld [tilespmem:s26+$0xD180]  }
0x21d: {  	v0 =	vadd.f32 v3, v0  }
0x21e: {  	v3 =	vld [tilespmem:s26+$0xD200]  }
0x21f: {  	v0 =	vadd.f32 v1, v0  }
0x220: {  	v1 =	vld [tilespmem:s26+$0xD280]  }
0x221: {  	v0 =	vadd.f32 v2, v0  }
0x222: {  	v2 =	vld [tilespmem:s26+$0xD300]  }
0x223: {  	v0 =	vadd.f32 v3, v0  }
0x224: {  	v3 =	vld [tilespmem:s26+$0xD380]  }
0x225: {  	v0 =	vadd.f32 v1, v0;
	_ =	sdelay $0x1  }
0x226: {  	v0 =	vadd.f32 v2, v0;
	_ =	sdelay $0x1  }
.Ltmp6:
0x227: {  	v0 =	vadd.f32 v3, v0;
	(pc) =	sbr.rel @p0 .LBB2_14-.Ltmp6, $4  }
0x228: {  	_ = 	snop  }
0x229: {  	s28 =	sadd.s32 $0x80, s28;
	v0 =	vmul.f32 $6.250000000e-02, v0  }
0x22a: {  	s25 =	sand.u32 $0x1F0, s25;
	s30 =	sand.u32 $0xC00, s28;
	s26 =	sand.u32 $0x70, s29  }
0x22b: {  	s26 =	sor.u32 s26, s30;
	[tilespmem:s25+$0x10400] =	vst v0;
	s25 =	smov.u32 s29;
	s29 =	sadd.s32 $0x10, s29  }
0x22c: {  	v0 =	vld [tilespmem:s26+$0xC080]  }
0x22d: {  	v1 =	vld [tilespmem:s26+$0xC000];
	_ =	sdelay $0x1  }
0x22e: {  	v2 =	vld [tilespmem:s26+$0xC100];
	_ =	sdelay $0x1  }
0x22f: {  	v3 =	vld [tilespmem:s26+$0xC180]  }
0x230: {  	v0 =	vadd.f32 v0, v1  }
0x231: {  	v52 =	vld [tilespmem:s26+$0xC200]  }
0x232: {  	v0 =	vadd.f32 v2, v0  }
0x233: {  	v53 =	vld [tilespmem:s26+$0xC280]  }
0x234: {  	v0 =	vadd.f32 v3, v0  }
0x235: {  	v54 =	vld [tilespmem:s26+$0xC300];
	s28 =	sor.u32 s28, s25  }
0x236: {  	s28 =	sor.u32 $0x380, s28;
	v0 =	vadd.f32 v52, v0  }
0x237: {  	v55 =	vld [tilespmem:s28+$0xC000]  }
0x238: {  	v0 =	vadd.f32 v53, v0  }
0x239: {  	v56 =	vld [tilespmem:s26+$0xD000]  }
0x23a: {  	v0 =	vadd.f32 v54, v0  }
0x23b: {  	v57 =	vld [tilespmem:s26+$0xD080]  }
0x23c: {  	v0 =	vadd.f32 v55, v0  }
0x23d: {  	v58 =	vld [tilespmem:s26+$0xD100]  }
0x23e: {  	v0 =	vadd.f32 v56, v0  }
0x23f: {  	v59 =	vld [tilespmem:s26+$0xD180]  }
0x240: {  	v0 =	vadd.f32 v57, v0  }
0x241: {  	v60 =	vld [tilespmem:s26+$0xD200]  }
0x242: {  	v0 =	vadd.f32 v58, v0  }
0x243: {  	v61 =	vld [tilespmem:s26+$0xD280]  }
0x244: {  	v0 =	vadd.f32 v59, v0  }
0x245: {  	v62 =	vld [tilespmem:s26+$0xD300]  }
0x246: {  	v0 =	vadd.f32 v60, v0  }
0x247: {  	v63 =	vld [tilespmem:s26+$0xD380]  }
0x248: {  	v0 =	vadd.f32 v61, v0;
	_ =	sdelay $0x1  }
0x249: {  	v0 =	vadd.f32 v62, v0;
	_ =	sdelay $0x1  }
0x24a: {  	v0 =	vadd.f32 v63, v0;
	_ =	sdelay $0x1  }
0x24b: {  	v0 =	vmul.f32 $6.250000000e-02, v0  }
0x24c: {  	s31 =	sand.u32 $0x1F0, s25  }
0x24d: {  	s24 =	sor.u32 s23, s24;
	s25 =	simm.s32 $0x10;
	s23 =	simm.s32 $0x0;
	[tilespmem:s31+$0x10400] =	vst v0  }
.LBB2_16:
0x24e: {  	p0 =	sne.s32 s25, $0x1F0;
	v0 =	vld [tilespmem:s24+$0xE080]  }
0x24f: {  	v1 =	vld [tilespmem:s24+$0xE000];
	_ =	sdelay $0x1  }
0x250: {  	v2 =	vld [tilespmem:s24+$0xE100];
	_ =	sdelay $0x1  }
0x251: {  	v3 =	vld [tilespmem:s24+$0xE180]  }
0x252: {  	v0 =	vadd.f32 v0, v1  }
0x253: {  	v1 =	vld [tilespmem:s24+$0xE200]  }
0x254: {  	v0 =	vadd.f32 v2, v0  }
0x255: {  	v2 =	vld [tilespmem:s24+$0xE280]  }
0x256: {  	v0 =	vadd.f32 v3, v0  }
0x257: {  	v3 =	vld [tilespmem:s24+$0xE300]  }
0x258: {  	v0 =	vadd.f32 v1, v0  }
0x259: {  	v1 =	vld [tilespmem:s24+$0xE380]  }
0x25a: {  	v0 =	vadd.f32 v2, v0  }
0x25b: {  	v2 =	vld [tilespmem:s24+$0xF000]  }
0x25c: {  	v0 =	vadd.f32 v3, v0  }
0x25d: {  	v3 =	vld [tilespmem:s24+$0xF080]  }
0x25e: {  	v0 =	vadd.f32 v1, v0  }
0x25f: {  	v1 =	vld [tilespmem:s24+$0xF100]  }
0x260: {  	v0 =	vadd.f32 v2, v0  }
0x261: {  	v2 =	vld [tilespmem:s24+$0xF180]  }
0x262: {  	v0 =	vadd.f32 v3, v0  }
0x263: {  	v3 =	vld [tilespmem:s24+$0xF200]  }
0x264: {  	v0 =	vadd.f32 v1, v0  }
0x265: {  	v1 =	vld [tilespmem:s24+$0xF280]  }
0x266: {  	v0 =	vadd.f32 v2, v0  }
0x267: {  	v2 =	vld [tilespmem:s24+$0xF300]  }
0x268: {  	v0 =	vadd.f32 v3, v0  }
0x269: {  	v3 =	vld [tilespmem:s24+$0xF380]  }
0x26a: {  	v0 =	vadd.f32 v1, v0;
	_ =	sdelay $0x1  }
0x26b: {  	v0 =	vadd.f32 v2, v0;
	_ =	sdelay $0x1  }
.Ltmp7:
0x26c: {  	v0 =	vadd.f32 v3, v0;
	(pc) =	sbr.rel @p0 .LBB2_16-.Ltmp7, $4  }
0x26d: {  	_ = 	snop  }
0x26e: {  	s22 =	sadd.s32 $0x80, s22;
	v0 =	vmul.f32 $6.250000000e-02, v0  }
0x26f: {  	s23 =	sand.u32 $0x1F0, s23;
	s26 =	sand.u32 $0xC00, s22;
	s24 =	sand.u32 $0x70, s25  }
0x270: {  	s24 =	sor.u32 s24, s26;
	[tilespmem:s23+$0x10600] =	vst v0;
	s23 =	smov.u32 s25;
	s25 =	sadd.s32 $0x10, s25  }
0x271: {  	v0 =	vld [tilespmem:s24+$0xE080]  }
0x272: {  	v1 =	vld [tilespmem:s24+$0xE000];
	_ =	sdelay $0x1  }
0x273: {  	v2 =	vld [tilespmem:s24+$0xE100];
	_ =	sdelay $0x1  }
0x274: {  	v3 =	vld [tilespmem:s24+$0xE180]  }
0x275: {  	v0 =	vadd.f32 v0, v1  }
0x276: {  	v52 =	vld [tilespmem:s24+$0xE200]  }
0x277: {  	v0 =	vadd.f32 v2, v0  }
0x278: {  	v53 =	vld [tilespmem:s24+$0xE280]  }
0x279: {  	v0 =	vadd.f32 v3, v0  }
0x27a: {  	v54 =	vld [tilespmem:s24+$0xE300]  }
0x27b: {  	v0 =	vadd.f32 v52, v0  }
0x27c: {  	v55 =	vld [tilespmem:s24+$0xE380]  }
0x27d: {  	v0 =	vadd.f32 v53, v0  }
0x27e: {  	v56 =	vld [tilespmem:s24+$0xF000]  }
0x27f: {  	v0 =	vadd.f32 v54, v0  }
0x280: {  	v57 =	vld [tilespmem:s24+$0xF080]  }
0x281: {  	v0 =	vadd.f32 v55, v0  }
0x282: {  	v58 =	vld [tilespmem:s24+$0xF100]  }
0x283: {  	v0 =	vadd.f32 v56, v0  }
0x284: {  	v59 =	vld [tilespmem:s24+$0xF180]  }
0x285: {  	v0 =	vadd.f32 v57, v0  }
0x286: {  	v60 =	vld [tilespmem:s24+$0xF200]  }
0x287: {  	v0 =	vadd.f32 v58, v0  }
0x288: {  	v61 =	vld [tilespmem:s24+$0xF280]  }
0x289: {  	v0 =	vadd.f32 v59, v0  }
0x28a: {  	v62 =	vld [tilespmem:s24+$0xF300]  }
0x28b: {  	v0 =	vadd.f32 v60, v0  }
0x28c: {  	v63 =	vld [tilespmem:s24+$0xF380]  }
0x28d: {  	v0 =	vadd.f32 v61, v0;
	_ =	sdelay $0x1  }
0x28e: {  	v0 =	vadd.f32 v62, v0;
	_ =	sdelay $0x1  }
0x28f: {  	v0 =	vadd.f32 v63, v0;
	_ =	sdelay $0x1  }
0x290: {  	s21 =	sadd.s32 $0x1, s21;
	v0 =	vmul.f32 $6.250000000e-02, v0  }
0x291: {  	s22 =	sand.u32 $0x1F0, s23;
	p0 =	sne.s32 s21, s9  }
.Ltmp8:
0x292: {  	[tilespmem:s22+$0x10600] =	vst v0;
	(pc) =	sbr.rel @p0 .LBB2_1-.Ltmp8, $4  }
0x293: {  	[hbm4b:s8+s15] =	stream.strided.scatter [tilespmem:s20], [sflag:$0x5], $0x800, s16, s15, $0x38;
	[tilespmem:$0x10800] =	vst v63  }
0x294: {  	_ =	swait.ge [sflag:s17], $0x800  }
0x295: {  	[sflag:s17] =	ssyncset.done $0x0  }
0x296: {  	[sflag:s17] =	ssyncadd.s32 $0xFFFFF800  }
0x297: {  	_ =	sfence.sel $0x180000  }
0x298: {  	[bflag:$0x0] =	sbarrier.arrive $0xFFFF  }
0x299: {  	p0 =	sne.s32 s1, $0x0;
	_ =	strace $0x90000047  }
0x29a: {  	s0 =	sadd.s32 @!p0 $0x100000, s0;
	[bflag:$0x2] =	sbarrier.arrive $0xFFFF  }
0x29b: {  	[sflag:s0] =	ssyncadd.tile.s32 @!p0 $0x1;
	_ =	shalt  }
.Lfunc_end2:
_tile_overlayer_lowered:
.L_overlay_start_2:
0x29c: {  	(tag) =	ssettag $0x2  }
0x29d: {  	s0 =	rddreg [dreg:$0x0];
	s2 =	stileid.u32  }
0x29e: {  	s1 =	rddreg [dreg:$0x1];
	p0 =	sne.s32 s2, $0x0  }
0x29f: {  	s3 =	rddreg [dreg:$0x2];
	[bflag:$0x3] =	sbarrier.arrive $0xFFFF;
	s2 =	simm.s32 @!p0 $0x1C06  }
0x2a0: {  	[timem:s3], [sflag:s2] =	dma.local @!p0 [hbm:s0], s1  }
0x2a1: {  	s0 =	simm.s32 @!p0 $0x6  }
0x2a2: {  	_ =	swait.ge @!p0 [sflag:s0], s1  }
0x2a3: {  	s1 =	ssub.s32 @!p0 $0x0, s1;
	[sflag:s0] =	ssyncset.done @!p0 $0x0  }
0x2a4: {  	[sflag:s0] =	ssyncadd.s32 @!p0 s1  }
0x2a5: {  	[bflag:$0x3] =	sbarrier.arrive $0xFFFF  }
0x2a6: {  	_ =	shalt  }

</sc_bundles>
